<compile_context>
chip_gen: v7x
topology: tpu7x:2x2x1
jax: 0.10.2.dev20260603
libtpu: 0.0.44.dev20260713+nightly
codegen_flags: <defaults>
</compile_context>

<pallas_src>
import dataclasses
import functools

import jax
import jax.numpy as jnp
from jax import lax
from jax.experimental import pallas as pl
from jax.experimental.pallas import tpu as pltpu
from jax.experimental.pallas import tpu_sc as plsc

N = 10000
NP = 10240
E = 320000
D_IN = 128
NSC = 2
NTEC = 16
NW = NSC * NTEC
EPW = E // NW
STRIPE = NP // NTEC
KT = 16

f32 = jnp.float32


def _elu(x):
    return jnp.where(x > 0, x, jnp.exp(x) - 1.0)


def _att_mat(att):
    H, C = att.shape
    m = jnp.zeros((H * C, 16), f32)
    for h in range(H):
        m = m.at[h * C:(h + 1) * C, h].set(att[h])
    return m


def _prep_body(H, HC, x_ref, w_ref, as_m_ref, ad_m_ref,
               o_t, o_ad, o_m2, o_init):
    x = x_ref[...]
    h = jnp.dot(x, w_ref[...], preferred_element_type=f32)
    a_s = jnp.dot(h, as_m_ref[...], preferred_element_type=f32)
    a_d = jnp.dot(h, ad_m_ref[...], preferred_element_type=f32)
    o_t[...] = jnp.concatenate([h, a_s], axis=1)
    o_ad[...] = a_d
    lane = lax.broadcasted_iota(jnp.int32, (1, 16), 1)
    m = jnp.max(a_s, axis=0, keepdims=True) + jnp.max(a_d, axis=0, keepdims=True)
    m2 = jnp.where(lane < H, jnp.maximum(m, 0.0), 1e30)
    o_m2[...] = m2
    e0 = a_s + a_d
    p0 = jnp.exp(jnp.maximum(e0, 0.2 * e0) - m2)
    C = HC // H
    parts = [h[:, j * C:(j + 1) * C] * p0[:, j:j + 1] for j in range(H)]
    io = jnp.concatenate(parts + [p0], axis=1)
    o_init[...] = jnp.concatenate([io, jnp.zeros_like(io)], axis=0)


_TC_PARAMS = pltpu.CompilerParams(vmem_limit_bytes=100 * 1024 * 1024)


def _make_prep(H, HC, F):
    return pl.pallas_call(
        functools.partial(_prep_body, H, HC),
        compiler_params=_TC_PARAMS,
        out_shape=(
            jax.ShapeDtypeStruct((NP, HC + 16), f32),
            jax.ShapeDtypeStruct((NP, 16), f32),
            jax.ShapeDtypeStruct((1, 16), f32),
            jax.ShapeDtypeStruct((2 * NP, HC + 16), f32),
        ),
    )


def _combine_body(H, HC, apply_elu, acc_ref, b_ref, o_ref):
    full = acc_ref[0:NP, :] + acc_ref[NP:2 * NP, :]
    a = full[:, 0:HC]
    d = full[:, HC:HC + 16]
    C = HC // H
    parts = [a[:, j * C:(j + 1) * C] / (d[:, j:j + 1] + 1e-16) for j in range(H)]
    o = jnp.concatenate(parts, axis=1) + b_ref[...]
    if apply_elu:
        o = _elu(o)
    o_ref[...] = o


def _make_combine(H, HC, apply_elu):
    return pl.pallas_call(
        functools.partial(_combine_body, H, HC, apply_elu),
        compiler_params=_TC_PARAMS,
        out_shape=jax.ShapeDtypeStruct((NP, HC), f32),
    )


_GDN = lax.GatherDimensionNumbers(offset_dims=(), collapsed_slice_dims=(0,),
                                  start_index_map=(0,))


def _lane_bcast(p, idx):
    return lax.gather(p, idx, _GDN, (1,),
                      mode=lax.GatherScatterMode.PROMISE_IN_BOUNDS)


def _make_sc(H, HC, KW):
    CH = HC // 16
    TW = HC + 16
    NWIN = (EPW - KT) // KW
    assert NWIN * KW + KT == EPW
    mesh = plsc.VectorSubcoreMesh(core_axis_name="c", subcore_axis_name="s")

    def body(t_hbm, ad_hbm, m2_hbm, src_hbm, dst_hbm, init_hbm,
             acc_hbm,
             acc_sp,
             src_v0, dst_v0, dsc_v0, rows_v0, ad_v0,
             src_v1, dst_v1, dsc_v1, rows_v1, ad_v1,
             src_t, dst_t, rows_t, ad_t,
             m2_v,
             si1_0, si2_0, sgr_0, sga_0, ssr_0,
             si1_1, si2_1, sgr_1, sga_1, ssr_1):
        src_v = (src_v0, src_v1)
        dst_v = (dst_v0, dst_v1)
        dsc_v = (dsc_v0, dsc_v1)
        rows_v = (rows_v0, rows_v1)
        ad_v = (ad_v0, ad_v1)
        si1 = (si1_0, si1_1)
        si2 = (si2_0, si2_1)
        sgr = (sgr_0, sgr_1)
        sga = (sga_0, sga_1)
        ssr = (ssr_0, ssr_1)

        c = lax.axis_index("c")
        s = lax.axis_index("s")
        nbase = s * STRIPE
        pltpu.sync_copy(init_hbm.at[pl.ds(c * NP + nbase, STRIPE)],
                        acc_sp.at[pl.ds(nbase, STRIPE)])
        pltpu.sync_copy(m2_hbm, m2_v)
        plsc.subcore_barrier()
        m2 = m2_v[...]
        ebase = (c * NTEC + s) * EPW
        cidx = [jnp.full((16, 1), j * H // CH, jnp.int32) for j in range(CH)]

        def issue_idx(ww, b):
            base = ebase + jnp.minimum(ww, NWIN - 1) * KW
            pltpu.async_copy(src_hbm.at[pl.ds(base, KW)], src_v[b], si1[b])
            pltpu.async_copy(dst_hbm.at[pl.ds(base, KW)], dst_v[b], si2[b])

        def wait_idx(b):
            pltpu.make_async_copy(src_hbm.at[pl.ds(0, KW)], src_v[b], si1[b]).wait()
            pltpu.make_async_copy(dst_hbm.at[pl.ds(0, KW)], dst_v[b], si2[b]).wait()

        def issue_gathers(b):
            pltpu.async_copy(t_hbm.at[src_v[b]], rows_v[b], sgr[b])
            pltpu.async_copy(ad_hbm.at[dst_v[b]], ad_v[b], sga[b])

        def wait_gathers(b):
            pltpu.make_async_copy(t_hbm.at[src_v[b]], rows_v[b], sgr[b]).wait()
            pltpu.make_async_copy(ad_hbm.at[dst_v[b]], ad_v[b], sga[b]).wait()

        def copy_dst(b):
            for i in range(KW // 16):
                dsc_v[b][pl.ds(i * 16, 16)] = dst_v[b][pl.ds(i * 16, 16)]

        def compute(b):
            rows_r, ad_r = rows_v[b], ad_v[b]

            @pl.loop(0, KW)
            def _(k):
                e = rows_r[k, pl.ds(HC, 16)] + ad_r[k]
                vals = [rows_r[k, pl.ds(j * 16, 16)] for j in range(CH)]
                p = jnp.exp(jnp.maximum(e, 0.2 * e) - m2)
                rows_r[k, pl.ds(HC, 16)] = p
                prods = [vals[j] * _lane_bcast(p, cidx[j]) for j in range(CH)]
                for j in range(CH):
                    rows_r[k, pl.ds(j * 16, 16)] = prods[j]

        def issue_scat(b):
            pltpu.async_copy(rows_v[b], acc_sp.at[dsc_v[b]], ssr[b], add=True)

        def wait_scat(b):
            pltpu.make_async_copy(rows_v[b], acc_sp.at[dsc_v[b]], ssr[b]).wait()

        def stage(ww, b, first):
            if not first:
                wait_scat(b)
            wait_idx(b)
            issue_gathers(b)
            issue_idx(ww + 1, b ^ 1)
            wait_gathers(b)
            copy_dst(b)
            compute(b)
            issue_scat(b)

        issue_idx(0, 0)
        stage(0, 0, True)
        stage(1, 1, True)

        @pl.loop(2, NWIN, step=2)
        def _(w):
            stage(w, 0, False)
            stage(w + 1, 1, False)

        wait_scat(0)
        wait_scat(1)
        wait_idx(0)

        tbase = ebase + NWIN * KW
        pltpu.sync_copy(src_hbm.at[pl.ds(tbase, KT)], src_t)
        pltpu.sync_copy(dst_hbm.at[pl.ds(tbase, KT)], dst_t)
        pltpu.sync_copy(t_hbm.at[src_t], rows_t)
        pltpu.sync_copy(ad_hbm.at[dst_t], ad_t)

        @pl.loop(0, KT)
        def _(k):
            e = rows_t[k, pl.ds(HC, 16)] + ad_t[k]
            vals = [rows_t[k, pl.ds(j * 16, 16)] for j in range(CH)]
            p = jnp.exp(jnp.maximum(e, 0.2 * e) - m2)
            rows_t[k, pl.ds(HC, 16)] = p
            prods = [vals[j] * _lane_bcast(p, cidx[j]) for j in range(CH)]
            for j in range(CH):
                rows_t[k, pl.ds(j * 16, 16)] = prods[j]

        pltpu.sync_copy(rows_t, acc_sp.at[dst_t], add=True)

        plsc.subcore_barrier()
        pltpu.sync_copy(acc_sp.at[pl.ds(nbase, STRIPE)],
                        acc_hbm.at[pl.ds(c * NP + nbase, STRIPE)])

    cp = pltpu.CompilerParams(needs_layout_passes=False,
                              use_tc_tiling_on_sc=False)
    return pl.kernel(
        body,
        out_type=jax.ShapeDtypeStruct((2 * NP, TW), f32),
        mesh=mesh,
        compiler_params=cp,
        scratch_types=(
            [pltpu.VMEM_SHARED((NP, TW), f32)]
            + 2 * [pltpu.VMEM((KW,), jnp.int32), pltpu.VMEM((KW,), jnp.int32),
                   pltpu.VMEM((KW,), jnp.int32),
                   pltpu.VMEM((KW, TW), f32),
                   pltpu.VMEM((KW, 16), f32)]
            + [pltpu.VMEM((KT,), jnp.int32), pltpu.VMEM((KT,), jnp.int32),
               pltpu.VMEM((KT, TW), f32),
               pltpu.VMEM((KT, 16), f32),
               pltpu.VMEM((16,), f32)]
            + 10 * [pltpu.SemaphoreType.DMA]
        ),
    )


def _gat_layer(prep, sc, combine, x_p, W, A_s, A_d, bias, src, dst):
    t, a_d, m2, init = prep(x_p, W, A_s, A_d)
    acc = sc(t, a_d, m2.reshape(16), src, dst, init)
    return combine(acc, bias)


_prep1 = _make_prep(8, 128, 128)
_prep2 = _make_prep(1, 64, 128)
_sc1 = _make_sc(8, 128, 96)
_sc2 = _make_sc(1, 64, 128)
_comb1 = _make_combine(8, 128, True)
_comb2 = _make_combine(1, 64, False)


def kernel(x, edge_index, W1, att_src1, att_dst1, bias1,
           W2, att_src2, att_dst2, bias2):
    src = edge_index[0].astype(jnp.int32)
    dst = edge_index[1].astype(jnp.int32)
    x_p = jnp.zeros((NP, D_IN), f32).at[:N].set(x)
    out1 = _gat_layer(_prep1, _sc1, _comb1, x_p, W1,
                      _att_mat(att_src1), _att_mat(att_dst1),
                      bias1.reshape(1, 128), src, dst)
    out2 = _gat_layer(_prep2, _sc2, _comb2, out1, W2,
                      _att_mat(att_src2), _att_mat(att_dst2),
                      bias2.reshape(1, 64), src, dst)
    return out2[:N]

# --- scband reference (transcript-rebuilt; emitter-appended) ---
"""Pipeline reference for scband-gatnet-73375221285466 (READ-ONLY COPY).

The authoritative reference and input builder live on the scoring server;
editing this copy changes nothing except your own understanding.
"""

import jax, jax.numpy as jnp
import numpy as np

N = 10000
E = 320000
D_IN = 128
HEADS = 8
HID = 16
D_OUT = 64


def gat_conv(x, edge_index, W, att_src, att_dst, bias, heads, out_ch, concat):
    n = x.shape[0]
    h = (x @ W).reshape(n, heads, out_ch)
    a_s = jnp.sum(h * att_src[None, :, :], axis=-1)  # [N, H]
    a_d = jnp.sum(h * att_dst[None, :, :], axis=-1)  # [N, H]
    # add self-loops (PyG GATConv default add_self_loops=True)
    loop = jnp.arange(n, dtype=edge_index.dtype)
    src = jnp.concatenate([edge_index[0], loop])
    dst = jnp.concatenate([edge_index[1], loop])
    e = a_s[src] + a_d[dst]  # [E+N, H]
    e = jax.nn.leaky_relu(e, negative_slope=0.2)
    # numerically-stable softmax over incoming edges per dst node
    e_max = jax.ops.segment_max(e, dst, num_segments=n)
    e_max = jnp.where(jnp.isfinite(e_max), e_max, 0.0)
    e_max = jax.lax.stop_gradient(e_max)
    e_exp = jnp.exp(e - e_max[dst])
    denom = jax.ops.segment_sum(e_exp, dst, num_segments=n)
    alpha = e_exp / (denom[dst] + 1e-16)  # [E+N, H]
    msg = h[src] * alpha[:, :, None]  # [E+N, H, C]
    out = jax.ops.segment_sum(msg, dst, num_segments=n)  # [N, H, C]
    if concat:
        out = out.reshape(n, heads * out_ch)
    else:
        out = jnp.mean(out, axis=1)
    return out + bias


def setup_inputs(seed: int = 0) -> dict:
    key = jax.random.key(seed)
    ks = jax.random.split(key, 12)
    x = jax.random.normal(ks[0], (N, D_IN), dtype=jnp.float32)
    edge_index = jax.random.randint(ks[1], (2, E), 0, N, dtype=jnp.int64)
    s1 = 1.0 / np.sqrt(D_IN)
    W1 = jax.random.normal(ks[2], (D_IN, HEADS * HID), dtype=jnp.float32) * s1
    att_src1 = jax.random.normal(ks[3], (HEADS, HID), dtype=jnp.float32) * 0.1
    att_dst1 = jax.random.normal(ks[4], (HEADS, HID), dtype=jnp.float32) * 0.1
    bias1 = jnp.zeros((HEADS * HID,), dtype=jnp.float32)
    s2 = 1.0 / np.sqrt(HEADS * HID)
    W2 = jax.random.normal(ks[5], (HEADS * HID, 1 * D_OUT), dtype=jnp.float32) * s2
    att_src2 = jax.random.normal(ks[6], (1, D_OUT), dtype=jnp.float32) * 0.1
    att_dst2 = jax.random.normal(ks[7], (1, D_OUT), dtype=jnp.float32) * 0.1
    bias2 = jnp.zeros((D_OUT,), dtype=jnp.float32)
    return {
        "x": x,
        "edge_index": edge_index,
        "W1": W1,
        "att_src1": att_src1,
        "att_dst1": att_dst1,
        "bias1": bias1,
        "W2": W2,
        "att_src2": att_src2,
        "att_dst2": att_dst2,
        "bias2": bias2,
    }


def reference(x, edge_index, W1, att_src1, att_dst1, bias1, W2, att_src2, att_dst2, bias2):
    # conv1: GATConv(in=128, out=16, heads=8, concat=True); dropout inactive in eval mode
    h = gat_conv(x, edge_index, W1, att_src1, att_dst1, bias1, HEADS, HID, True)
    h = jax.nn.elu(h)
    # F.dropout(p=0.6, training=False) -> identity
    # conv2: GATConv(in=128, out=64, heads=1, concat=False)
    out = gat_conv(h, edge_index, W2, att_src2, att_dst2, bias2, 1, D_OUT, False)
    return out

if __name__ == "__main__":
    import jax
    _d = setup_inputs()
    print(jax.jit(kernel)(*tuple(_d.values())))

</pallas_src>

<mosaic_0001>
#map = affine_map<(d0, d1) -> (0, 0)>
#map1 = affine_map<(d0, d1) -> (0)>
module attributes {stable_mosaic.version = 14 : i64} {
  func.func @body(%arg0: i32, %arg1: i32, %arg2: memref<10240x144xf32, #tpu.memory_space<hbm>>, %arg3: memref<10240x16xf32, #tpu.memory_space<hbm>>, %arg4: memref<16xf32, #tpu.memory_space<hbm>>, %arg5: memref<320000xi32, #tpu.memory_space<hbm>>, %arg6: memref<320000xi32, #tpu.memory_space<hbm>>, %arg7: memref<20480x144xf32, #tpu.memory_space<hbm>>, %arg8: memref<20480x144xf32, #tpu.memory_space<hbm>>, %arg9: memref<10240x144xf32, #tpu.memory_space<vmem_shared>>, %arg10: memref<96xi32, #tpu.memory_space<vmem>>, %arg11: memref<96xi32, #tpu.memory_space<vmem>>, %arg12: memref<96xi32, #tpu.memory_space<vmem>>, %arg13: memref<96x144xf32, #tpu.memory_space<vmem>>, %arg14: memref<96x16xf32, #tpu.memory_space<vmem>>, %arg15: memref<96xi32, #tpu.memory_space<vmem>>, %arg16: memref<96xi32, #tpu.memory_space<vmem>>, %arg17: memref<96xi32, #tpu.memory_space<vmem>>, %arg18: memref<96x144xf32, #tpu.memory_space<vmem>>, %arg19: memref<96x16xf32, #tpu.memory_space<vmem>>, %arg20: memref<16xi32, #tpu.memory_space<vmem>>, %arg21: memref<16xi32, #tpu.memory_space<vmem>>, %arg22: memref<16x144xf32, #tpu.memory_space<vmem>>, %arg23: memref<16x16xf32, #tpu.memory_space<vmem>>, %arg24: memref<16xf32, #tpu.memory_space<vmem>>, %arg25: memref<!tpu.dma_semaphore, #tpu.memory_space<semaphore_mem>>, %arg26: memref<!tpu.dma_semaphore, #tpu.memory_space<semaphore_mem>>, %arg27: memref<!tpu.dma_semaphore, #tpu.memory_space<semaphore_mem>>, %arg28: memref<!tpu.dma_semaphore, #tpu.memory_space<semaphore_mem>>, %arg29: memref<!tpu.dma_semaphore, #tpu.memory_space<semaphore_mem>>, %arg30: memref<!tpu.dma_semaphore, #tpu.memory_space<semaphore_mem>>, %arg31: memref<!tpu.dma_semaphore, #tpu.memory_space<semaphore_mem>>, %arg32: memref<!tpu.dma_semaphore, #tpu.memory_space<semaphore_mem>>, %arg33: memref<!tpu.dma_semaphore, #tpu.memory_space<semaphore_mem>>, %arg34: memref<!tpu.dma_semaphore, #tpu.memory_space<semaphore_mem>>) attributes {dimension_semantics = [#tpu.dimension_semantics<core_parallel>, #tpu.dimension_semantics<subcore_parallel>], iteration_bounds = array<i64: 2, 16>, scalar_prefetch = 0 : i64, scratch_operands = 26 : i64, tpu.core_type = #tpu.core_type<sc_vector_subcore>, window_params = [{transform_indices = #map}, {transform_indices = #map}, {transform_indices = #map1}, {transform_indices = #map1}, {transform_indices = #map1}, {transform_indices = #map}, {transform_indices = #map}]} {
    %mul3A = arith.constant 640 : i32
    %mul3A_0 = arith.muli %arg1, %mul3A : i32
    %mul3A_1 = arith.constant 10240 : i32
    %mul3A_2 = arith.muli %arg0, %mul3A_1 : i32
    %add3A = arith.addi %mul3A_2, %mul3A_0 : i32
    "tpu.region"() ({
      %run_scoped3A = tpu.sem_alloc : memref<!tpu.dma_semaphore, #tpu.memory_space<semaphore_mem>>
      %dma_start3A_183 = arith.constant 0 : i32
      %dma_start3A_184 = tpu.memref_slice %arg9[%mul3A_0, %dma_start3A_183] : memref<10240x144xf32, #tpu.memory_space<vmem_shared>> -> memref<640x144xf32, #tpu.memory_space<vmem_shared>>
      %dma_start3A_185 = arith.constant 0 : i32
      %dma_start3A_186 = tpu.memref_slice %arg7[%add3A, %dma_start3A_185] : memref<20480x144xf32, #tpu.memory_space<hbm>> -> memref<640x144xf32, #tpu.memory_space<hbm>>
      tpu.enqueue_dma source(%dma_start3A_186 : memref<640x144xf32, #tpu.memory_space<hbm>>) target(%dma_start3A_184 : memref<640x144xf32, #tpu.memory_space<vmem_shared>>) target_semaphore(%run_scoped3A : memref<!tpu.dma_semaphore, #tpu.memory_space<semaphore_mem>>)
      %dma_wait3A_187 = arith.constant 0 : i32
      %dma_wait3A_188 = tpu.memref_slice %arg9[%mul3A_0, %dma_wait3A_187] : memref<10240x144xf32, #tpu.memory_space<vmem_shared>> -> memref<640x144xf32, #tpu.memory_space<vmem_shared>>
      %dma_wait3A_189 = arith.constant 0 : i32
      %dma_wait3A_190 = tpu.memref_slice %arg7[%add3A, %dma_wait3A_189] : memref<20480x144xf32, #tpu.memory_space<hbm>> -> memref<640x144xf32, #tpu.memory_space<hbm>>
      tpu.wait_dma2 semaphore(%run_scoped3A : memref<!tpu.dma_semaphore, #tpu.memory_space<semaphore_mem>>) src(%dma_wait3A_190 : memref<640x144xf32, #tpu.memory_space<hbm>>) dst(%dma_wait3A_188 : memref<640x144xf32, #tpu.memory_space<vmem_shared>>)
      tpu.yield
    }) : () -> ()
    "tpu.region"() ({
      %run_scoped3A = tpu.sem_alloc : memref<!tpu.dma_semaphore, #tpu.memory_space<semaphore_mem>>
      tpu.enqueue_dma source(%arg4 : memref<16xf32, #tpu.memory_space<hbm>>) target(%arg24 : memref<16xf32, #tpu.memory_space<vmem>>) target_semaphore(%run_scoped3A : memref<!tpu.dma_semaphore, #tpu.memory_space<semaphore_mem>>)
      tpu.wait_dma2 semaphore(%run_scoped3A : memref<!tpu.dma_semaphore, #tpu.memory_space<semaphore_mem>>) src(%arg4 : memref<16xf32, #tpu.memory_space<hbm>>) dst(%arg24 : memref<16xf32, #tpu.memory_space<vmem>>)
      tpu.yield
    }) : () -> ()
    %barrier3A = arith.constant 0 : index
    tpu.barrier barrier_id(%barrier3A)
    %get3A = arith.constant 0 : index
    %get3A_3 = tpu.vector_load %arg24[%get3A] {strides = array<i32>} : memref<16xf32, #tpu.memory_space<vmem>>, vector<16xf32>,
    %mul3A_4 = arith.constant 16 : i32
    %mul3A_5 = arith.muli %arg0, %mul3A_4 : i32
    %add3A_6 = arith.addi %mul3A_5, %arg1 : i32
    %mul3A_7 = arith.constant 10000 : i32
    %mul3A_8 = arith.muli %add3A_6, %mul3A_7 : i32
    %broadcast_in_dim3A = arith.constant 0 : i32
    %broadcast_in_dim3A_9 = vector.broadcast %broadcast_in_dim3A : i32 to vector<16x1xi32>
    %broadcast_in_dim3A_10 = arith.constant 1 : i32
    %broadcast_in_dim3A_11 = vector.broadcast %broadcast_in_dim3A_10 : i32 to vector<16x1xi32>
    %broadcast_in_dim3A_12 = arith.constant 2 : i32
    %broadcast_in_dim3A_13 = vector.broadcast %broadcast_in_dim3A_12 : i32 to vector<16x1xi32>
    %broadcast_in_dim3A_14 = arith.constant 3 : i32
    %broadcast_in_dim3A_15 = vector.broadcast %broadcast_in_dim3A_14 : i32 to vector<16x1xi32>
    %broadcast_in_dim3A_16 = arith.constant 4 : i32
    %broadcast_in_dim3A_17 = vector.broadcast %broadcast_in_dim3A_16 : i32 to vector<16x1xi32>
    %broadcast_in_dim3A_18 = arith.constant 5 : i32
    %broadcast_in_dim3A_19 = vector.broadcast %broadcast_in_dim3A_18 : i32 to vector<16x1xi32>
    %broadcast_in_dim3A_20 = arith.constant 6 : i32
    %broadcast_in_dim3A_21 = vector.broadcast %broadcast_in_dim3A_20 : i32 to vector<16x1xi32>
    %broadcast_in_dim3A_22 = arith.constant 7 : i32
    %broadcast_in_dim3A_23 = vector.broadcast %broadcast_in_dim3A_22 : i32 to vector<16x1xi32>
    %min3A = arith.constant 0 : i32
    %min3A_24 = arith.constant 103 : i32
    %min3A_25 = arith.minsi %min3A, %min3A_24 : i32
    %mul3A_26 = arith.constant 96 : i32
    %mul3A_27 = arith.muli %min3A_25, %mul3A_26 : i32
    %add3A_28 = arith.addi %mul3A_8, %mul3A_27 : i32
    %dma_start3A = tpu.memref_slice %arg5[%add3A_28] : memref<320000xi32, #tpu.memory_space<hbm>> -> memref<96xi32, #tpu.memory_space<hbm>>
    %dma_start3A_29 = tpu.memref_slice %arg5[%add3A_28] : memref<320000xi32, #tpu.memory_space<hbm>> -> memref<96xi32, #tpu.memory_space<hbm>>
    tpu.enqueue_dma source(%dma_start3A_29 : memref<96xi32, #tpu.memory_space<hbm>>) target(%arg10 : memref<96xi32, #tpu.memory_space<vmem>>) target_semaphore(%arg25 : memref<!tpu.dma_semaphore, #tpu.memory_space<semaphore_mem>>)
    %dma_start3A_30 = tpu.memref_slice %arg6[%add3A_28] : memref<320000xi32, #tpu.memory_space<hbm>> -> memref<96xi32, #tpu.memory_space<hbm>>
    %dma_start3A_31 = tpu.memref_slice %arg6[%add3A_28] : memref<320000xi32, #tpu.memory_space<hbm>> -> memref<96xi32, #tpu.memory_space<hbm>>
    tpu.enqueue_dma source(%dma_start3A_31 : memref<96xi32, #tpu.memory_space<hbm>>) target(%arg11 : memref<96xi32, #tpu.memory_space<vmem>>) target_semaphore(%arg26 : memref<!tpu.dma_semaphore, #tpu.memory_space<semaphore_mem>>)
    %dma_wait3A = arith.constant 0 : i32
    %dma_wait3A_32 = tpu.memref_slice %arg5[%dma_wait3A] : memref<320000xi32, #tpu.memory_space<hbm>> -> memref<96xi32, #tpu.memory_space<hbm>>
    %dma_wait3A_33 = arith.constant 0 : i32
    %dma_wait3A_34 = tpu.memref_slice %arg5[%dma_wait3A_33] : memref<320000xi32, #tpu.memory_space<hbm>> -> memref<96xi32, #tpu.memory_space<hbm>>
    tpu.wait_dma2 semaphore(%arg25 : memref<!tpu.dma_semaphore, #tpu.memory_space<semaphore_mem>>) src(%dma_wait3A_34 : memref<96xi32, #tpu.memory_space<hbm>>) dst(%arg10 : memref<96xi32, #tpu.memory_space<vmem>>)
    %dma_wait3A_35 = arith.constant 0 : i32
    %dma_wait3A_36 = tpu.memref_slice %arg6[%dma_wait3A_35] : memref<320000xi32, #tpu.memory_space<hbm>> -> memref<96xi32, #tpu.memory_space<hbm>>
    %dma_wait3A_37 = arith.constant 0 : i32
    %dma_wait3A_38 = tpu.memref_slice %arg6[%dma_wait3A_37] : memref<320000xi32, #tpu.memory_space<hbm>> -> memref<96xi32, #tpu.memory_space<hbm>>
    tpu.wait_dma2 semaphore(%arg26 : memref<!tpu.dma_semaphore, #tpu.memory_space<semaphore_mem>>) src(%dma_wait3A_38 : memref<96xi32, #tpu.memory_space<hbm>>) dst(%arg11 : memref<96xi32, #tpu.memory_space<vmem>>)
    %dma_start3A_39 = arith.constant 0 : i32
    %dma_start3A_40 = arith.constant 0 : i32
    %dma_start3A_41 = tpu.memref_slice %arg2[%dma_start3A_39, %dma_start3A_40] : memref<10240x144xf32, #tpu.memory_space<hbm>> -> memref<10240x144xf32, #tpu.memory_space<hbm>>
    tpu.enqueue_indirect_dma source(%dma_start3A_41 : memref<10240x144xf32, #tpu.memory_space<hbm>>) target(%arg13 : memref<96x144xf32, #tpu.memory_space<vmem>>) offsets(%arg10 : memref<96xi32, #tpu.memory_space<vmem>>) semaphore(%arg27 : memref<!tpu.dma_semaphore, #tpu.memory_space<semaphore_mem>>)
    %dma_start3A_42 = arith.constant 0 : i32
    %dma_start3A_43 = arith.constant 0 : i32
    %dma_start3A_44 = tpu.memref_slice %arg3[%dma_start3A_42, %dma_start3A_43] : memref<10240x16xf32, #tpu.memory_space<hbm>> -> memref<10240x16xf32, #tpu.memory_space<hbm>>
    tpu.enqueue_indirect_dma source(%dma_start3A_44 : memref<10240x16xf32, #tpu.memory_space<hbm>>) target(%arg14 : memref<96x16xf32, #tpu.memory_space<vmem>>) offsets(%arg11 : memref<96xi32, #tpu.memory_space<vmem>>) semaphore(%arg28 : memref<!tpu.dma_semaphore, #tpu.memory_space<semaphore_mem>>)
    %min3A_45 = arith.constant 1 : i32
    %min3A_46 = arith.constant 103 : i32
    %min3A_47 = arith.minsi %min3A_45, %min3A_46 : i32
    %mul3A_48 = arith.constant 96 : i32
    %mul3A_49 = arith.muli %min3A_47, %mul3A_48 : i32
    %add3A_50 = arith.addi %mul3A_8, %mul3A_49 : i32
    %dma_start3A_51 = tpu.memref_slice %arg5[%add3A_50] : memref<320000xi32, #tpu.memory_space<hbm>> -> memref<96xi32, #tpu.memory_space<hbm>>
    %dma_start3A_52 = tpu.memref_slice %arg5[%add3A_50] : memref<320000xi32, #tpu.memory_space<hbm>> -> memref<96xi32, #tpu.memory_space<hbm>>
    tpu.enqueue_dma source(%dma_start3A_52 : memref<96xi32, #tpu.memory_space<hbm>>) target(%arg15 : memref<96xi32, #tpu.memory_space<vmem>>) target_semaphore(%arg30 : memref<!tpu.dma_semaphore, #tpu.memory_space<semaphore_mem>>)
    %dma_start3A_53 = tpu.memref_slice %arg6[%add3A_50] : memref<320000xi32, #tpu.memory_space<hbm>> -> memref<96xi32, #tpu.memory_space<hbm>>
    %dma_start3A_54 = tpu.memref_slice %arg6[%add3A_50] : memref<320000xi32, #tpu.memory_space<hbm>> -> memref<96xi32, #tpu.memory_space<hbm>>
    tpu.enqueue_dma source(%dma_start3A_54 : memref<96xi32, #tpu.memory_space<hbm>>) target(%arg16 : memref<96xi32, #tpu.memory_space<vmem>>) target_semaphore(%arg31 : memref<!tpu.dma_semaphore, #tpu.memory_space<semaphore_mem>>)
    %dma_wait3A_55 = arith.constant 0 : i32
    %dma_wait3A_56 = arith.constant 0 : i32
    %dma_wait3A_57 = tpu.memref_slice %arg2[%dma_wait3A_55, %dma_wait3A_56] : memref<10240x144xf32, #tpu.memory_space<hbm>> -> memref<10240x144xf32, #tpu.memory_space<hbm>>
    tpu.wait_indirect_dma semaphore(%arg27 : memref<!tpu.dma_semaphore, #tpu.memory_space<semaphore_mem>>) src(%dma_wait3A_57 : memref<10240x144xf32, #tpu.memory_space<hbm>>) dst(%arg13 : memref<96x144xf32, #tpu.memory_space<vmem>>)
    %dma_wait3A_58 = arith.constant 0 : i32
    %dma_wait3A_59 = arith.constant 0 : i32
    %dma_wait3A_60 = tpu.memref_slice %arg3[%dma_wait3A_58, %dma_wait3A_59] : memref<10240x16xf32, #tpu.memory_space<hbm>> -> memref<10240x16xf32, #tpu.memory_space<hbm>>
    tpu.wait_indirect_dma semaphore(%arg28 : memref<!tpu.dma_semaphore, #tpu.memory_space<semaphore_mem>>) src(%dma_wait3A_60 : memref<10240x16xf32, #tpu.memory_space<hbm>>) dst(%arg14 : memref<96x16xf32, #tpu.memory_space<vmem>>)
    %get3A_61 = arith.constant 0 : index
    %get3A_62 = tpu.vector_load %arg11[%get3A_61] {strides = array<i32>} : memref<96xi32, #tpu.memory_space<vmem>>, vector<16xi32>,
    %swap3A = arith.constant 0 : index
    %swap3A_63 = tpu.vector_load %arg12[%swap3A] {strides = array<i32>} : memref<96xi32, #tpu.memory_space<vmem>>, vector<16xi32>,
    tpu.vector_store %arg12[%swap3A], %get3A_62 {strides = array<i32>} : memref<96xi32, #tpu.memory_space<vmem>>, vector<16xi32>,
    %get3A_64 = arith.constant 16 : index
    %get3A_65 = tpu.vector_load %arg11[%get3A_64] {strides = array<i32>} : memref<96xi32, #tpu.memory_space<vmem>>, vector<16xi32>,
    %swap3A_66 = arith.constant 16 : index
    %swap3A_67 = tpu.vector_load %arg12[%swap3A_66] {strides = array<i32>} : memref<96xi32, #tpu.memory_space<vmem>>, vector<16xi32>,
    tpu.vector_store %arg12[%swap3A_66], %get3A_65 {strides = array<i32>} : memref<96xi32, #tpu.memory_space<vmem>>, vector<16xi32>,
    %get3A_68 = arith.constant 32 : index
    %get3A_69 = tpu.vector_load %arg11[%get3A_68] {strides = array<i32>} : memref<96xi32, #tpu.memory_space<vmem>>, vector<16xi32>,
    %swap3A_70 = arith.constant 32 : index
    %swap3A_71 = tpu.vector_load %arg12[%swap3A_70] {strides = array<i32>} : memref<96xi32, #tpu.memory_space<vmem>>, vector<16xi32>,
    tpu.vector_store %arg12[%swap3A_70], %get3A_69 {strides = array<i32>} : memref<96xi32, #tpu.memory_space<vmem>>, vector<16xi32>,
    %get3A_72 = arith.constant 48 : index
    %get3A_73 = tpu.vector_load %arg11[%get3A_72] {strides = array<i32>} : memref<96xi32, #tpu.memory_space<vmem>>, vector<16xi32>,
    %swap3A_74 = arith.constant 48 : index
    %swap3A_75 = tpu.vector_load %arg12[%swap3A_74] {strides = array<i32>} : memref<96xi32, #tpu.memory_space<vmem>>, vector<16xi32>,
    tpu.vector_store %arg12[%swap3A_74], %get3A_73 {strides = array<i32>} : memref<96xi32, #tpu.memory_space<vmem>>, vector<16xi32>,
    %get3A_76 = arith.constant 64 : index
    %get3A_77 = tpu.vector_load %arg11[%get3A_76] {strides = array<i32>} : memref<96xi32, #tpu.memory_space<vmem>>, vector<16xi32>,
    %swap3A_78 = arith.constant 64 : index
    %swap3A_79 = tpu.vector_load %arg12[%swap3A_78] {strides = array<i32>} : memref<96xi32, #tpu.memory_space<vmem>>, vector<16xi32>,
    tpu.vector_store %arg12[%swap3A_78], %get3A_77 {strides = array<i32>} : memref<96xi32, #tpu.memory_space<vmem>>, vector<16xi32>,
    %get3A_80 = arith.constant 80 : index
    %get3A_81 = tpu.vector_load %arg11[%get3A_80] {strides = array<i32>} : memref<96xi32, #tpu.memory_space<vmem>>, vector<16xi32>,
    %swap3A_82 = arith.constant 80 : index
    %swap3A_83 = tpu.vector_load %arg12[%swap3A_82] {strides = array<i32>} : memref<96xi32, #tpu.memory_space<vmem>>, vector<16xi32>,
    tpu.vector_store %arg12[%swap3A_82], %get3A_81 {strides = array<i32>} : memref<96xi32, #tpu.memory_space<vmem>>, vector<16xi32>,
    %scan3A = arith.constant 0 : i32
    %scan3A_84 = arith.constant 96 : i32
    %scan3A_85 = arith.addi %scan3A, %scan3A_84 : i32
    %scan3A_86 = arith.constant 1 : i32
    scf.for %scan3A_183 = %scan3A to %scan3A_85 step %scan3A_86  : i32 {
      %mul3A_184 = arith.constant 1 : i32
      %mul3A_185 = arith.muli %scan3A_183, %mul3A_184 : i32
      %add3A_186 = arith.constant 0 : i32
      %add3A_187 = arith.addi %add3A_186, %mul3A_185 : i32
      %get3A_188 = arith.index_cast %add3A_187 : i32 to index
      %get3A_189 = arith.constant 128 : index
      %get3A_190 = tpu.vector_load %arg13[%get3A_188, %get3A_189] {strides = array<i32>} : memref<96x144xf32, #tpu.memory_space<vmem>>, vector<16xf32>,
      %get3A_191 = arith.index_cast %add3A_187 : i32 to index
      %get3A_192 = arith.constant 0 : index
      %get3A_193 = tpu.vector_load %arg14[%get3A_191, %get3A_192] {strides = array<i32>} : memref<96x16xf32, #tpu.memory_space<vmem>>, vector<16xf32>,
      %add3A_194 = arith.addf %get3A_190, %get3A_193 : vector<16xf32>
      %get3A_195 = arith.index_cast %add3A_187 : i32 to index
      %get3A_196 = arith.constant 0 : index
      %get3A_197 = tpu.vector_load %arg13[%get3A_195, %get3A_196] {strides = array<i32>} : memref<96x144xf32, #tpu.memory_space<vmem>>, vector<16xf32>,
      %get3A_198 = arith.index_cast %add3A_187 : i32 to index
      %get3A_199 = arith.constant 16 : index
      %get3A_200 = tpu.vector_load %arg13[%get3A_198, %get3A_199] {strides = array<i32>} : memref<96x144xf32, #tpu.memory_space<vmem>>, vector<16xf32>,
      %get3A_201 = arith.index_cast %add3A_187 : i32 to index
      %get3A_202 = arith.constant 32 : index
      %get3A_203 = tpu.vector_load %arg13[%get3A_201, %get3A_202] {strides = array<i32>} : memref<96x144xf32, #tpu.memory_space<vmem>>, vector<16xf32>,
      %get3A_204 = arith.index_cast %add3A_187 : i32 to index
      %get3A_205 = arith.constant 48 : index
      %get3A_206 = tpu.vector_load %arg13[%get3A_204, %get3A_205] {strides = array<i32>} : memref<96x144xf32, #tpu.memory_space<vmem>>, vector<16xf32>,
      %get3A_207 = arith.index_cast %add3A_187 : i32 to index
      %get3A_208 = arith.constant 64 : index
      %get3A_209 = tpu.vector_load %arg13[%get3A_207, %get3A_208] {strides = array<i32>} : memref<96x144xf32, #tpu.memory_space<vmem>>, vector<16xf32>,
      %get3A_210 = arith.index_cast %add3A_187 : i32 to index
      %get3A_211 = arith.constant 80 : index
      %get3A_212 = tpu.vector_load %arg13[%get3A_210, %get3A_211] {strides = array<i32>} : memref<96x144xf32, #tpu.memory_space<vmem>>, vector<16xf32>,
      %get3A_213 = arith.index_cast %add3A_187 : i32 to index
      %get3A_214 = arith.constant 96 : index
      %get3A_215 = tpu.vector_load %arg13[%get3A_213, %get3A_214] {strides = array<i32>} : memref<96x144xf32, #tpu.memory_space<vmem>>, vector<16xf32>,
      %get3A_216 = arith.index_cast %add3A_187 : i32 to index
      %get3A_217 = arith.constant 112 : index
      %get3A_218 = tpu.vector_load %arg13[%get3A_216, %get3A_217] {strides = array<i32>} : memref<96x144xf32, #tpu.memory_space<vmem>>, vector<16xf32>,
      %mul3A_219 = arith.constant 2.000000e-01 : f32
      %mul3A_220 = vector.broadcast %mul3A_219 : f32 to vector<16xf32>
      %mul3A_221 = arith.mulf %mul3A_220, %add3A_194 : vector<16xf32>
      %max3A = arith.maximumf %add3A_194, %mul3A_221 : vector<16xf32>
      %sub3A = arith.subf %max3A, %get3A_3 : vector<16xf32>
      %exp3A = math.exp %sub3A : vector<16xf32>
      %swap3A_222 = arith.index_cast %add3A_187 : i32 to index
      %swap3A_223 = arith.constant 128 : index
      %swap3A_224 = tpu.vector_load %arg13[%swap3A_222, %swap3A_223] {strides = array<i32>} : memref<96x144xf32, #tpu.memory_space<vmem>>, vector<16xf32>,
      tpu.vector_store %arg13[%swap3A_222, %swap3A_223], %exp3A {strides = array<i32>} : memref<96x144xf32, #tpu.memory_space<vmem>>, vector<16xf32>,
      %gather3A = vector.shape_cast %broadcast_in_dim3A_9 : vector<16x1xi32> to vector<16xi32>
      %gather3A_225 = tpu.dynamic_gather %exp3A[%gather3A] in [0] : vector<16xf32>, vector<16xi32> -> vector<16xf32>
      %mul3A_226 = arith.mulf %get3A_197, %gather3A_225 : vector<16xf32>
      %gather3A_227 = vector.shape_cast %broadcast_in_dim3A_11 : vector<16x1xi32> to vector<16xi32>
      %gather3A_228 = tpu.dynamic_gather %exp3A[%gather3A_227] in [0] : vector<16xf32>, vector<16xi32> -> vector<16xf32>
      %mul3A_229 = arith.mulf %get3A_200, %gather3A_228 : vector<16xf32>
      %gather3A_230 = vector.shape_cast %broadcast_in_dim3A_13 : vector<16x1xi32> to vector<16xi32>
      %gather3A_231 = tpu.dynamic_gather %exp3A[%gather3A_230] in [0] : vector<16xf32>, vector<16xi32> -> vector<16xf32>
      %mul3A_232 = arith.mulf %get3A_203, %gather3A_231 : vector<16xf32>
      %gather3A_233 = vector.shape_cast %broadcast_in_dim3A_15 : vector<16x1xi32> to vector<16xi32>
      %gather3A_234 = tpu.dynamic_gather %exp3A[%gather3A_233] in [0] : vector<16xf32>, vector<16xi32> -> vector<16xf32>
      %mul3A_235 = arith.mulf %get3A_206, %gather3A_234 : vector<16xf32>
      %gather3A_236 = vector.shape_cast %broadcast_in_dim3A_17 : vector<16x1xi32> to vector<16xi32>
      %gather3A_237 = tpu.dynamic_gather %exp3A[%gather3A_236] in [0] : vector<16xf32>, vector<16xi32> -> vector<16xf32>
      %mul3A_238 = arith.mulf %get3A_209, %gather3A_237 : vector<16xf32>
      %gather3A_239 = vector.shape_cast %broadcast_in_dim3A_19 : vector<16x1xi32> to vector<16xi32>
      %gather3A_240 = tpu.dynamic_gather %exp3A[%gather3A_239] in [0] : vector<16xf32>, vector<16xi32> -> vector<16xf32>
      %mul3A_241 = arith.mulf %get3A_212, %gather3A_240 : vector<16xf32>
      %gather3A_242 = vector.shape_cast %broadcast_in_dim3A_21 : vector<16x1xi32> to vector<16xi32>
      %gather3A_243 = tpu.dynamic_gather %exp3A[%gather3A_242] in [0] : vector<16xf32>, vector<16xi32> -> vector<16xf32>
      %mul3A_244 = arith.mulf %get3A_215, %gather3A_243 : vector<16xf32>
      %gather3A_245 = vector.shape_cast %broadcast_in_dim3A_23 : vector<16x1xi32> to vector<16xi32>
      %gather3A_246 = tpu.dynamic_gather %exp3A[%gather3A_245] in [0] : vector<16xf32>, vector<16xi32> -> vector<16xf32>
      %mul3A_247 = arith.mulf %get3A_218, %gather3A_246 : vector<16xf32>
      %swap3A_248 = arith.index_cast %add3A_187 : i32 to index
      %swap3A_249 = arith.constant 0 : index
      %swap3A_250 = tpu.vector_load %arg13[%swap3A_248, %swap3A_249] {strides = array<i32>} : memref<96x144xf32, #tpu.memory_space<vmem>>, vector<16xf32>,
      tpu.vector_store %arg13[%swap3A_248, %swap3A_249], %mul3A_226 {strides = array<i32>} : memref<96x144xf32, #tpu.memory_space<vmem>>, vector<16xf32>,
      %swap3A_251 = arith.index_cast %add3A_187 : i32 to index
      %swap3A_252 = arith.constant 16 : index
      %swap3A_253 = tpu.vector_load %arg13[%swap3A_251, %swap3A_252] {strides = array<i32>} : memref<96x144xf32, #tpu.memory_space<vmem>>, vector<16xf32>,
      tpu.vector_store %arg13[%swap3A_251, %swap3A_252], %mul3A_229 {strides = array<i32>} : memref<96x144xf32, #tpu.memory_space<vmem>>, vector<16xf32>,
      %swap3A_254 = arith.index_cast %add3A_187 : i32 to index
      %swap3A_255 = arith.constant 32 : index
      %swap3A_256 = tpu.vector_load %arg13[%swap3A_254, %swap3A_255] {strides = array<i32>} : memref<96x144xf32, #tpu.memory_space<vmem>>, vector<16xf32>,
      tpu.vector_store %arg13[%swap3A_254, %swap3A_255], %mul3A_232 {strides = array<i32>} : memref<96x144xf32, #tpu.memory_space<vmem>>, vector<16xf32>,
      %swap3A_257 = arith.index_cast %add3A_187 : i32 to index
      %swap3A_258 = arith.constant 48 : index
      %swap3A_259 = tpu.vector_load %arg13[%swap3A_257, %swap3A_258] {strides = array<i32>} : memref<96x144xf32, #tpu.memory_space<vmem>>, vector<16xf32>,
      tpu.vector_store %arg13[%swap3A_257, %swap3A_258], %mul3A_235 {strides = array<i32>} : memref<96x144xf32, #tpu.memory_space<vmem>>, vector<16xf32>,
      %swap3A_260 = arith.index_cast %add3A_187 : i32 to index
      %swap3A_261 = arith.constant 64 : index
      %swap3A_262 = tpu.vector_load %arg13[%swap3A_260, %swap3A_261] {strides = array<i32>} : memref<96x144xf32, #tpu.memory_space<vmem>>, vector<16xf32>,
      tpu.vector_store %arg13[%swap3A_260, %swap3A_261], %mul3A_238 {strides = array<i32>} : memref<96x144xf32, #tpu.memory_space<vmem>>, vector<16xf32>,
      %swap3A_263 = arith.index_cast %add3A_187 : i32 to index
      %swap3A_264 = arith.constant 80 : index
      %swap3A_265 = tpu.vector_load %arg13[%swap3A_263, %swap3A_264] {strides = array<i32>} : memref<96x144xf32, #tpu.memory_space<vmem>>, vector<16xf32>,
      tpu.vector_store %arg13[%swap3A_263, %swap3A_264], %mul3A_241 {strides = array<i32>} : memref<96x144xf32, #tpu.memory_space<vmem>>, vector<16xf32>,
      %swap3A_266 = arith.index_cast %add3A_187 : i32 to index
      %swap3A_267 = arith.constant 96 : index
      %swap3A_268 = tpu.vector_load %arg13[%swap3A_266, %swap3A_267] {strides = array<i32>} : memref<96x144xf32, #tpu.memory_space<vmem>>, vector<16xf32>,
      tpu.vector_store %arg13[%swap3A_266, %swap3A_267], %mul3A_244 {strides = array<i32>} : memref<96x144xf32, #tpu.memory_space<vmem>>, vector<16xf32>,
      %swap3A_269 = arith.index_cast %add3A_187 : i32 to index
      %swap3A_270 = arith.constant 112 : index
      %swap3A_271 = tpu.vector_load %arg13[%swap3A_269, %swap3A_270] {strides = array<i32>} : memref<96x144xf32, #tpu.memory_space<vmem>>, vector<16xf32>,
      tpu.vector_store %arg13[%swap3A_269, %swap3A_270], %mul3A_247 {strides = array<i32>} : memref<96x144xf32, #tpu.memory_space<vmem>>, vector<16xf32>,
    }
    %scan3A_87 = arith.constant 96 : i32
    %dma_start3A_88 = arith.constant 0 : i32
    %dma_start3A_89 = arith.constant 0 : i32
    %dma_start3A_90 = tpu.memref_slice %arg9[%dma_start3A_88, %dma_start3A_89] : memref<10240x144xf32, #tpu.memory_space<vmem_shared>> -> memref<10240x144xf32, #tpu.memory_space<vmem_shared>>
    tpu.enqueue_indirect_dma source(%arg13 : memref<96x144xf32, #tpu.memory_space<vmem>>) target(%dma_start3A_90 : memref<10240x144xf32, #tpu.memory_space<vmem_shared>>) offsets(%arg12 : memref<96xi32, #tpu.memory_space<vmem>>) semaphore(%arg29 : memref<!tpu.dma_semaphore, #tpu.memory_space<semaphore_mem>>) {add = true}
    %dma_wait3A_91 = arith.constant 0 : i32
    %dma_wait3A_92 = tpu.memref_slice %arg5[%dma_wait3A_91] : memref<320000xi32, #tpu.memory_space<hbm>> -> memref<96xi32, #tpu.memory_space<hbm>>
    %dma_wait3A_93 = arith.constant 0 : i32
    %dma_wait3A_94 = tpu.memref_slice %arg5[%dma_wait3A_93] : memref<320000xi32, #tpu.memory_space<hbm>> -> memref<96xi32, #tpu.memory_space<hbm>>
    tpu.wait_dma2 semaphore(%arg30 : memref<!tpu.dma_semaphore, #tpu.memory_space<semaphore_mem>>) src(%dma_wait3A_94 : memref<96xi32, #tpu.memory_space<hbm>>) dst(%arg15 : memref<96xi32, #tpu.memory_space<vmem>>)
    %dma_wait3A_95 = arith.constant 0 : i32
    %dma_wait3A_96 = tpu.memref_slice %arg6[%dma_wait3A_95] : memref<320000xi32, #tpu.memory_space<hbm>> -> memref<96xi32, #tpu.memory_space<hbm>>
    %dma_wait3A_97 = arith.constant 0 : i32
    %dma_wait3A_98 = tpu.memref_slice %arg6[%dma_wait3A_97] : memref<320000xi32, #tpu.memory_space<hbm>> -> memref<96xi32, #tpu.memory_space<hbm>>
    tpu.wait_dma2 semaphore(%arg31 : memref<!tpu.dma_semaphore, #tpu.memory_space<semaphore_mem>>) src(%dma_wait3A_98 : memref<96xi32, #tpu.memory_space<hbm>>) dst(%arg16 : memref<96xi32, #tpu.memory_space<vmem>>)
    %dma_start3A_99 = arith.constant 0 : i32
    %dma_start3A_100 = arith.constant 0 : i32
    %dma_start3A_101 = tpu.memref_slice %arg2[%dma_start3A_99, %dma_start3A_100] : memref<10240x144xf32, #tpu.memory_space<hbm>> -> memref<10240x144xf32, #tpu.memory_space<hbm>>
    tpu.enqueue_indirect_dma source(%dma_start3A_101 : memref<10240x144xf32, #tpu.memory_space<hbm>>) target(%arg18 : memref<96x144xf32, #tpu.memory_space<vmem>>) offsets(%arg15 : memref<96xi32, #tpu.memory_space<vmem>>) semaphore(%arg32 : memref<!tpu.dma_semaphore, #tpu.memory_space<semaphore_mem>>)
    %dma_start3A_102 = arith.constant 0 : i32
    %dma_start3A_103 = arith.constant 0 : i32
    %dma_start3A_104 = tpu.memref_slice %arg3[%dma_start3A_102, %dma_start3A_103] : memref<10240x16xf32, #tpu.memory_space<hbm>> -> memref<10240x16xf32, #tpu.memory_space<hbm>>
    tpu.enqueue_indirect_dma source(%dma_start3A_104 : memref<10240x16xf32, #tpu.memory_space<hbm>>) target(%arg19 : memref<96x16xf32, #tpu.memory_space<vmem>>) offsets(%arg16 : memref<96xi32, #tpu.memory_space<vmem>>) semaphore(%arg33 : memref<!tpu.dma_semaphore, #tpu.memory_space<semaphore_mem>>)
    %min3A_105 = arith.constant 2 : i32
    %min3A_106 = arith.constant 103 : i32
    %min3A_107 = arith.minsi %min3A_105, %min3A_106 : i32
    %mul3A_108 = arith.constant 96 : i32
    %mul3A_109 = arith.muli %min3A_107, %mul3A_108 : i32
    %add3A_110 = arith.addi %mul3A_8, %mul3A_109 : i32
    %dma_start3A_111 = tpu.memref_slice %arg5[%add3A_110] : memref<320000xi32, #tpu.memory_space<hbm>> -> memref<96xi32, #tpu.memory_space<hbm>>
    %dma_start3A_112 = tpu.memref_slice %arg5[%add3A_110] : memref<320000xi32, #tpu.memory_space<hbm>> -> memref<96xi32, #tpu.memory_space<hbm>>
    tpu.enqueue_dma source(%dma_start3A_112 : memref<96xi32, #tpu.memory_space<hbm>>) target(%arg10 : memref<96xi32, #tpu.memory_space<vmem>>) target_semaphore(%arg25 : memref<!tpu.dma_semaphore, #tpu.memory_space<semaphore_mem>>)
    %dma_start3A_113 = tpu.memref_slice %arg6[%add3A_110] : memref<320000xi32, #tpu.memory_space<hbm>> -> memref<96xi32, #tpu.memory_space<hbm>>
    %dma_start3A_114 = tpu.memref_slice %arg6[%add3A_110] : memref<320000xi32, #tpu.memory_space<hbm>> -> memref<96xi32, #tpu.memory_space<hbm>>
    tpu.enqueue_dma source(%dma_start3A_114 : memref<96xi32, #tpu.memory_space<hbm>>) target(%arg11 : memref<96xi32, #tpu.memory_space<vmem>>) target_semaphore(%arg26 : memref<!tpu.dma_semaphore, #tpu.memory_space<semaphore_mem>>)
    %dma_wait3A_115 = arith.constant 0 : i32
    %dma_wait3A_116 = arith.constant 0 : i32
    %dma_wait3A_117 = tpu.memref_slice %arg2[%dma_wait3A_115, %dma_wait3A_116] : memref<10240x144xf32, #tpu.memory_space<hbm>> -> memref<10240x144xf32, #tpu.memory_space<hbm>>
    tpu.wait_indirect_dma semaphore(%arg32 : memref<!tpu.dma_semaphore, #tpu.memory_space<semaphore_mem>>) src(%dma_wait3A_117 : memref<10240x144xf32, #tpu.memory_space<hbm>>) dst(%arg18 : memref<96x144xf32, #tpu.memory_space<vmem>>)
    %dma_wait3A_118 = arith.constant 0 : i32
    %dma_wait3A_119 = arith.constant 0 : i32
    %dma_wait3A_120 = tpu.memref_slice %arg3[%dma_wait3A_118, %dma_wait3A_119] : memref<10240x16xf32, #tpu.memory_space<hbm>> -> memref<10240x16xf32, #tpu.memory_space<hbm>>
    tpu.wait_indirect_dma semaphore(%arg33 : memref<!tpu.dma_semaphore, #tpu.memory_space<semaphore_mem>>) src(%dma_wait3A_120 : memref<10240x16xf32, #tpu.memory_space<hbm>>) dst(%arg19 : memref<96x16xf32, #tpu.memory_space<vmem>>)
    %get3A_121 = arith.constant 0 : index
    %get3A_122 = tpu.vector_load %arg16[%get3A_121] {strides = array<i32>} : memref<96xi32, #tpu.memory_space<vmem>>, vector<16xi32>,
    %swap3A_123 = arith.constant 0 : index
    %swap3A_124 = tpu.vector_load %arg17[%swap3A_123] {strides = array<i32>} : memref<96xi32, #tpu.memory_space<vmem>>, vector<16xi32>,
    tpu.vector_store %arg17[%swap3A_123], %get3A_122 {strides = array<i32>} : memref<96xi32, #tpu.memory_space<vmem>>, vector<16xi32>,
    %get3A_125 = arith.constant 16 : index
    %get3A_126 = tpu.vector_load %arg16[%get3A_125] {strides = array<i32>} : memref<96xi32, #tpu.memory_space<vmem>>, vector<16xi32>,
    %swap3A_127 = arith.constant 16 : index
    %swap3A_128 = tpu.vector_load %arg17[%swap3A_127] {strides = array<i32>} : memref<96xi32, #tpu.memory_space<vmem>>, vector<16xi32>,
    tpu.vector_store %arg17[%swap3A_127], %get3A_126 {strides = array<i32>} : memref<96xi32, #tpu.memory_space<vmem>>, vector<16xi32>,
    %get3A_129 = arith.constant 32 : index
    %get3A_130 = tpu.vector_load %arg16[%get3A_129] {strides = array<i32>} : memref<96xi32, #tpu.memory_space<vmem>>, vector<16xi32>,
    %swap3A_131 = arith.constant 32 : index
    %swap3A_132 = tpu.vector_load %arg17[%swap3A_131] {strides = array<i32>} : memref<96xi32, #tpu.memory_space<vmem>>, vector<16xi32>,
    tpu.vector_store %arg17[%swap3A_131], %get3A_130 {strides = array<i32>} : memref<96xi32, #tpu.memory_space<vmem>>, vector<16xi32>,
    %get3A_133 = arith.constant 48 : index
    %get3A_134 = tpu.vector_load %arg16[%get3A_133] {strides = array<i32>} : memref<96xi32, #tpu.memory_space<vmem>>, vector<16xi32>,
    %swap3A_135 = arith.constant 48 : index
    %swap3A_136 = tpu.vector_load %arg17[%swap3A_135] {strides = array<i32>} : memref<96xi32, #tpu.memory_space<vmem>>, vector<16xi32>,
    tpu.vector_store %arg17[%swap3A_135], %get3A_134 {strides = array<i32>} : memref<96xi32, #tpu.memory_space<vmem>>, vector<16xi32>,
    %get3A_137 = arith.constant 64 : index
    %get3A_138 = tpu.vector_load %arg16[%get3A_137] {strides = array<i32>} : memref<96xi32, #tpu.memory_space<vmem>>, vector<16xi32>,
    %swap3A_139 = arith.constant 64 : index
    %swap3A_140 = tpu.vector_load %arg17[%swap3A_139] {strides = array<i32>} : memref<96xi32, #tpu.memory_space<vmem>>, vector<16xi32>,
    tpu.vector_store %arg17[%swap3A_139], %get3A_138 {strides = array<i32>} : memref<96xi32, #tpu.memory_space<vmem>>, vector<16xi32>,
    %get3A_141 = arith.constant 80 : index
    %get3A_142 = tpu.vector_load %arg16[%get3A_141] {strides = array<i32>} : memref<96xi32, #tpu.memory_space<vmem>>, vector<16xi32>,
    %swap3A_143 = arith.constant 80 : index
    %swap3A_144 = tpu.vector_load %arg17[%swap3A_143] {strides = array<i32>} : memref<96xi32, #tpu.memory_space<vmem>>, vector<16xi32>,
    tpu.vector_store %arg17[%swap3A_143], %get3A_142 {strides = array<i32>} : memref<96xi32, #tpu.memory_space<vmem>>, vector<16xi32>,
    %scan3A_145 = arith.constant 0 : i32
    %scan3A_146 = arith.constant 96 : i32
    %scan3A_147 = arith.addi %scan3A_145, %scan3A_146 : i32
    %scan3A_148 = arith.constant 1 : i32
    scf.for %scan3A_183 = %scan3A_145 to %scan3A_147 step %scan3A_148  : i32 {
      %mul3A_184 = arith.constant 1 : i32
      %mul3A_185 = arith.muli %scan3A_183, %mul3A_184 : i32
      %add3A_186 = arith.constant 0 : i32
      %add3A_187 = arith.addi %add3A_186, %mul3A_185 : i32
      %get3A_188 = arith.index_cast %add3A_187 : i32 to index
      %get3A_189 = arith.constant 128 : index
      %get3A_190 = tpu.vector_load %arg18[%get3A_188, %get3A_189] {strides = array<i32>} : memref<96x144xf32, #tpu.memory_space<vmem>>, vector<16xf32>,
      %get3A_191 = arith.index_cast %add3A_187 : i32 to index
      %get3A_192 = arith.constant 0 : index
      %get3A_193 = tpu.vector_load %arg19[%get3A_191, %get3A_192] {strides = array<i32>} : memref<96x16xf32, #tpu.memory_space<vmem>>, vector<16xf32>,
      %add3A_194 = arith.addf %get3A_190, %get3A_193 : vector<16xf32>
      %get3A_195 = arith.index_cast %add3A_187 : i32 to index
      %get3A_196 = arith.constant 0 : index
      %get3A_197 = tpu.vector_load %arg18[%get3A_195, %get3A_196] {strides = array<i32>} : memref<96x144xf32, #tpu.memory_space<vmem>>, vector<16xf32>,
      %get3A_198 = arith.index_cast %add3A_187 : i32 to index
      %get3A_199 = arith.constant 16 : index
      %get3A_200 = tpu.vector_load %arg18[%get3A_198, %get3A_199] {strides = array<i32>} : memref<96x144xf32, #tpu.memory_space<vmem>>, vector<16xf32>,
      %get3A_201 = arith.index_cast %add3A_187 : i32 to index
      %get3A_202 = arith.constant 32 : index
      %get3A_203 = tpu.vector_load %arg18[%get3A_201, %get3A_202] {strides = array<i32>} : memref<96x144xf32, #tpu.memory_space<vmem>>, vector<16xf32>,
      %get3A_204 = arith.index_cast %add3A_187 : i32 to index
      %get3A_205 = arith.constant 48 : index
      %get3A_206 = tpu.vector_load %arg18[%get3A_204, %get3A_205] {strides = array<i32>} : memref<96x144xf32, #tpu.memory_space<vmem>>, vector<16xf32>,
      %get3A_207 = arith.index_cast %add3A_187 : i32 to index
      %get3A_208 = arith.constant 64 : index
      %get3A_209 = tpu.vector_load %arg18[%get3A_207, %get3A_208] {strides = array<i32>} : memref<96x144xf32, #tpu.memory_space<vmem>>, vector<16xf32>,
      %get3A_210 = arith.index_cast %add3A_187 : i32 to index
      %get3A_211 = arith.constant 80 : index
      %get3A_212 = tpu.vector_load %arg18[%get3A_210, %get3A_211] {strides = array<i32>} : memref<96x144xf32, #tpu.memory_space<vmem>>, vector<16xf32>,
      %get3A_213 = arith.index_cast %add3A_187 : i32 to index
      %get3A_214 = arith.constant 96 : index
      %get3A_215 = tpu.vector_load %arg18[%get3A_213, %get3A_214] {strides = array<i32>} : memref<96x144xf32, #tpu.memory_space<vmem>>, vector<16xf32>,
      %get3A_216 = arith.index_cast %add3A_187 : i32 to index
      %get3A_217 = arith.constant 112 : index
      %get3A_218 = tpu.vector_load %arg18[%get3A_216, %get3A_217] {strides = array<i32>} : memref<96x144xf32, #tpu.memory_space<vmem>>, vector<16xf32>,
      %mul3A_219 = arith.constant 2.000000e-01 : f32
      %mul3A_220 = vector.broadcast %mul3A_219 : f32 to vector<16xf32>
      %mul3A_221 = arith.mulf %mul3A_220, %add3A_194 : vector<16xf32>
      %max3A = arith.maximumf %add3A_194, %mul3A_221 : vector<16xf32>
      %sub3A = arith.subf %max3A, %get3A_3 : vector<16xf32>
      %exp3A = math.exp %sub3A : vector<16xf32>
      %swap3A_222 = arith.index_cast %add3A_187 : i32 to index
      %swap3A_223 = arith.constant 128 : index
      %swap3A_224 = tpu.vector_load %arg18[%swap3A_222, %swap3A_223] {strides = array<i32>} : memref<96x144xf32, #tpu.memory_space<vmem>>, vector<16xf32>,
      tpu.vector_store %arg18[%swap3A_222, %swap3A_223], %exp3A {strides = array<i32>} : memref<96x144xf32, #tpu.memory_space<vmem>>, vector<16xf32>,
      %gather3A = vector.shape_cast %broadcast_in_dim3A_9 : vector<16x1xi32> to vector<16xi32>
      %gather3A_225 = tpu.dynamic_gather %exp3A[%gather3A] in [0] : vector<16xf32>, vector<16xi32> -> vector<16xf32>
      %mul3A_226 = arith.mulf %get3A_197, %gather3A_225 : vector<16xf32>
      %gather3A_227 = vector.shape_cast %broadcast_in_dim3A_11 : vector<16x1xi32> to vector<16xi32>
      %gather3A_228 = tpu.dynamic_gather %exp3A[%gather3A_227] in [0] : vector<16xf32>, vector<16xi32> -> vector<16xf32>
      %mul3A_229 = arith.mulf %get3A_200, %gather3A_228 : vector<16xf32>
      %gather3A_230 = vector.shape_cast %broadcast_in_dim3A_13 : vector<16x1xi32> to vector<16xi32>
      %gather3A_231 = tpu.dynamic_gather %exp3A[%gather3A_230] in [0] : vector<16xf32>, vector<16xi32> -> vector<16xf32>
      %mul3A_232 = arith.mulf %get3A_203, %gather3A_231 : vector<16xf32>
      %gather3A_233 = vector.shape_cast %broadcast_in_dim3A_15 : vector<16x1xi32> to vector<16xi32>
      %gather3A_234 = tpu.dynamic_gather %exp3A[%gather3A_233] in [0] : vector<16xf32>, vector<16xi32> -> vector<16xf32>
      %mul3A_235 = arith.mulf %get3A_206, %gather3A_234 : vector<16xf32>
      %gather3A_236 = vector.shape_cast %broadcast_in_dim3A_17 : vector<16x1xi32> to vector<16xi32>
      %gather3A_237 = tpu.dynamic_gather %exp3A[%gather3A_236] in [0] : vector<16xf32>, vector<16xi32> -> vector<16xf32>
      %mul3A_238 = arith.mulf %get3A_209, %gather3A_237 : vector<16xf32>
      %gather3A_239 = vector.shape_cast %broadcast_in_dim3A_19 : vector<16x1xi32> to vector<16xi32>
      %gather3A_240 = tpu.dynamic_gather %exp3A[%gather3A_239] in [0] : vector<16xf32>, vector<16xi32> -> vector<16xf32>
      %mul3A_241 = arith.mulf %get3A_212, %gather3A_240 : vector<16xf32>
      %gather3A_242 = vector.shape_cast %broadcast_in_dim3A_21 : vector<16x1xi32> to vector<16xi32>
      %gather3A_243 = tpu.dynamic_gather %exp3A[%gather3A_242] in [0] : vector<16xf32>, vector<16xi32> -> vector<16xf32>
      %mul3A_244 = arith.mulf %get3A_215, %gather3A_243 : vector<16xf32>
      %gather3A_245 = vector.shape_cast %broadcast_in_dim3A_23 : vector<16x1xi32> to vector<16xi32>
      %gather3A_246 = tpu.dynamic_gather %exp3A[%gather3A_245] in [0] : vector<16xf32>, vector<16xi32> -> vector<16xf32>
      %mul3A_247 = arith.mulf %get3A_218, %gather3A_246 : vector<16xf32>
      %swap3A_248 = arith.index_cast %add3A_187 : i32 to index
      %swap3A_249 = arith.constant 0 : index
      %swap3A_250 = tpu.vector_load %arg18[%swap3A_248, %swap3A_249] {strides = array<i32>} : memref<96x144xf32, #tpu.memory_space<vmem>>, vector<16xf32>,
      tpu.vector_store %arg18[%swap3A_248, %swap3A_249], %mul3A_226 {strides = array<i32>} : memref<96x144xf32, #tpu.memory_space<vmem>>, vector<16xf32>,
      %swap3A_251 = arith.index_cast %add3A_187 : i32 to index
      %swap3A_252 = arith.constant 16 : index
      %swap3A_253 = tpu.vector_load %arg18[%swap3A_251, %swap3A_252] {strides = array<i32>} : memref<96x144xf32, #tpu.memory_space<vmem>>, vector<16xf32>,
      tpu.vector_store %arg18[%swap3A_251, %swap3A_252], %mul3A_229 {strides = array<i32>} : memref<96x144xf32, #tpu.memory_space<vmem>>, vector<16xf32>,
      %swap3A_254 = arith.index_cast %add3A_187 : i32 to index
      %swap3A_255 = arith.constant 32 : index
      %swap3A_256 = tpu.vector_load %arg18[%swap3A_254, %swap3A_255] {strides = array<i32>} : memref<96x144xf32, #tpu.memory_space<vmem>>, vector<16xf32>,
      tpu.vector_store %arg18[%swap3A_254, %swap3A_255], %mul3A_232 {strides = array<i32>} : memref<96x144xf32, #tpu.memory_space<vmem>>, vector<16xf32>,
      %swap3A_257 = arith.index_cast %add3A_187 : i32 to index
      %swap3A_258 = arith.constant 48 : index
      %swap3A_259 = tpu.vector_load %arg18[%swap3A_257, %swap3A_258] {strides = array<i32>} : memref<96x144xf32, #tpu.memory_space<vmem>>, vector<16xf32>,
      tpu.vector_store %arg18[%swap3A_257, %swap3A_258], %mul3A_235 {strides = array<i32>} : memref<96x144xf32, #tpu.memory_space<vmem>>, vector<16xf32>,
      %swap3A_260 = arith.index_cast %add3A_187 : i32 to index
      %swap3A_261 = arith.constant 64 : index
      %swap3A_262 = tpu.vector_load %arg18[%swap3A_260, %swap3A_261] {strides = array<i32>} : memref<96x144xf32, #tpu.memory_space<vmem>>, vector<16xf32>,
      tpu.vector_store %arg18[%swap3A_260, %swap3A_261], %mul3A_238 {strides = array<i32>} : memref<96x144xf32, #tpu.memory_space<vmem>>, vector<16xf32>,
      %swap3A_263 = arith.index_cast %add3A_187 : i32 to index
      %swap3A_264 = arith.constant 80 : index
      %swap3A_265 = tpu.vector_load %arg18[%swap3A_263, %swap3A_264] {strides = array<i32>} : memref<96x144xf32, #tpu.memory_space<vmem>>, vector<16xf32>,
      tpu.vector_store %arg18[%swap3A_263, %swap3A_264], %mul3A_241 {strides = array<i32>} : memref<96x144xf32, #tpu.memory_space<vmem>>, vector<16xf32>,
      %swap3A_266 = arith.index_cast %add3A_187 : i32 to index
      %swap3A_267 = arith.constant 96 : index
      %swap3A_268 = tpu.vector_load %arg18[%swap3A_266, %swap3A_267] {strides = array<i32>} : memref<96x144xf32, #tpu.memory_space<vmem>>, vector<16xf32>,
      tpu.vector_store %arg18[%swap3A_266, %swap3A_267], %mul3A_244 {strides = array<i32>} : memref<96x144xf32, #tpu.memory_space<vmem>>, vector<16xf32>,
      %swap3A_269 = arith.index_cast %add3A_187 : i32 to index
      %swap3A_270 = arith.constant 112 : index
      %swap3A_271 = tpu.vector_load %arg18[%swap3A_269, %swap3A_270] {strides = array<i32>} : memref<96x144xf32, #tpu.memory_space<vmem>>, vector<16xf32>,
      tpu.vector_store %arg18[%swap3A_269, %swap3A_270], %mul3A_247 {strides = array<i32>} : memref<96x144xf32, #tpu.memory_space<vmem>>, vector<16xf32>,
    }
    %scan3A_149 = arith.constant 96 : i32
    %dma_start3A_150 = arith.constant 0 : i32
    %dma_start3A_151 = arith.constant 0 : i32
    %dma_start3A_152 = tpu.memref_slice %arg9[%dma_start3A_150, %dma_start3A_151] : memref<10240x144xf32, #tpu.memory_space<vmem_shared>> -> memref<10240x144xf32, #tpu.memory_space<vmem_shared>>
    tpu.enqueue_indirect_dma source(%arg18 : memref<96x144xf32, #tpu.memory_space<vmem>>) target(%dma_start3A_152 : memref<10240x144xf32, #tpu.memory_space<vmem_shared>>) offsets(%arg17 : memref<96xi32, #tpu.memory_space<vmem>>) semaphore(%arg34 : memref<!tpu.dma_semaphore, #tpu.memory_space<semaphore_mem>>) {add = true}
    %scan3A_153 = arith.constant 0 : i32
    %scan3A_154 = arith.constant 51 : i32
    %scan3A_155 = arith.addi %scan3A_153, %scan3A_154 : i32
    %scan3A_156 = arith.constant 1 : i32
    scf.for %scan3A_183 = %scan3A_153 to %scan3A_155 step %scan3A_156  : i32 {
      %mul3A_184 = arith.constant 2 : i32
      %mul3A_185 = arith.muli %scan3A_183, %mul3A_184 : i32
      %add3A_186 = arith.constant 2 : i32
      %add3A_187 = arith.addi %add3A_186, %mul3A_185 : i32
      %dma_wait3A_188 = arith.constant 0 : i32
      %dma_wait3A_189 = arith.constant 0 : i32
      %dma_wait3A_190 = tpu.memref_slice %arg9[%dma_wait3A_188, %dma_wait3A_189] : memref<10240x144xf32, #tpu.memory_space<vmem_shared>> -> memref<10240x144xf32, #tpu.memory_space<vmem_shared>>
      tpu.wait_indirect_dma semaphore(%arg29 : memref<!tpu.dma_semaphore, #tpu.memory_space<semaphore_mem>>) src(%arg13 : memref<96x144xf32, #tpu.memory_space<vmem>>) dst(%dma_wait3A_190 : memref<10240x144xf32, #tpu.memory_space<vmem_shared>>)
      %dma_wait3A_191 = arith.constant 0 : i32
      %dma_wait3A_192 = tpu.memref_slice %arg5[%dma_wait3A_191] : memref<320000xi32, #tpu.memory_space<hbm>> -> memref<96xi32, #tpu.memory_space<hbm>>
      %dma_wait3A_193 = arith.constant 0 : i32
      %dma_wait3A_194 = tpu.memref_slice %arg5[%dma_wait3A_193] : memref<320000xi32, #tpu.memory_space<hbm>> -> memref<96xi32, #tpu.memory_space<hbm>>
      tpu.wait_dma2 semaphore(%arg25 : memref<!tpu.dma_semaphore, #tpu.memory_space<semaphore_mem>>) src(%dma_wait3A_194 : memref<96xi32, #tpu.memory_space<hbm>>) dst(%arg10 : memref<96xi32, #tpu.memory_space<vmem>>)
      %dma_wait3A_195 = arith.constant 0 : i32
      %dma_wait3A_196 = tpu.memref_slice %arg6[%dma_wait3A_195] : memref<320000xi32, #tpu.memory_space<hbm>> -> memref<96xi32, #tpu.memory_space<hbm>>
      %dma_wait3A_197 = arith.constant 0 : i32
      %dma_wait3A_198 = tpu.memref_slice %arg6[%dma_wait3A_197] : memref<320000xi32, #tpu.memory_space<hbm>> -> memref<96xi32, #tpu.memory_space<hbm>>
      tpu.wait_dma2 semaphore(%arg26 : memref<!tpu.dma_semaphore, #tpu.memory_space<semaphore_mem>>) src(%dma_wait3A_198 : memref<96xi32, #tpu.memory_space<hbm>>) dst(%arg11 : memref<96xi32, #tpu.memory_space<vmem>>)
      %dma_start3A_199 = arith.constant 0 : i32
      %dma_start3A_200 = arith.constant 0 : i32
      %dma_start3A_201 = tpu.memref_slice %arg2[%dma_start3A_199, %dma_start3A_200] : memref<10240x144xf32, #tpu.memory_space<hbm>> -> memref<10240x144xf32, #tpu.memory_space<hbm>>
      tpu.enqueue_indirect_dma source(%dma_start3A_201 : memref<10240x144xf32, #tpu.memory_space<hbm>>) target(%arg13 : memref<96x144xf32, #tpu.memory_space<vmem>>) offsets(%arg10 : memref<96xi32, #tpu.memory_space<vmem>>) semaphore(%arg27 : memref<!tpu.dma_semaphore, #tpu.memory_space<semaphore_mem>>)
      %dma_start3A_202 = arith.constant 0 : i32
      %dma_start3A_203 = arith.constant 0 : i32
      %dma_start3A_204 = tpu.memref_slice %arg3[%dma_start3A_202, %dma_start3A_203] : memref<10240x16xf32, #tpu.memory_space<hbm>> -> memref<10240x16xf32, #tpu.memory_space<hbm>>
      tpu.enqueue_indirect_dma source(%dma_start3A_204 : memref<10240x16xf32, #tpu.memory_space<hbm>>) target(%arg14 : memref<96x16xf32, #tpu.memory_space<vmem>>) offsets(%arg11 : memref<96xi32, #tpu.memory_space<vmem>>) semaphore(%arg28 : memref<!tpu.dma_semaphore, #tpu.memory_space<semaphore_mem>>)
      %add3A_205 = arith.constant 1 : i32
      %add3A_206 = arith.addi %add3A_187, %add3A_205 : i32
      %min3A_207 = arith.constant 103 : i32
      %min3A_208 = arith.minsi %add3A_206, %min3A_207 : i32
      %mul3A_209 = arith.constant 96 : i32
      %mul3A_210 = arith.muli %min3A_208, %mul3A_209 : i32
      %add3A_211 = arith.addi %mul3A_8, %mul3A_210 : i32
      %dma_start3A_212 = tpu.memref_slice %arg5[%add3A_211] : memref<320000xi32, #tpu.memory_space<hbm>> -> memref<96xi32, #tpu.memory_space<hbm>>
      %dma_start3A_213 = tpu.memref_slice %arg5[%add3A_211] : memref<320000xi32, #tpu.memory_space<hbm>> -> memref<96xi32, #tpu.memory_space<hbm>>
      tpu.enqueue_dma source(%dma_start3A_213 : memref<96xi32, #tpu.memory_space<hbm>>) target(%arg15 : memref<96xi32, #tpu.memory_space<vmem>>) target_semaphore(%arg30 : memref<!tpu.dma_semaphore, #tpu.memory_space<semaphore_mem>>)
      %dma_start3A_214 = tpu.memref_slice %arg6[%add3A_211] : memref<320000xi32, #tpu.memory_space<hbm>> -> memref<96xi32, #tpu.memory_space<hbm>>
      %dma_start3A_215 = tpu.memref_slice %arg6[%add3A_211] : memref<320000xi32, #tpu.memory_space<hbm>> -> memref<96xi32, #tpu.memory_space<hbm>>
      tpu.enqueue_dma source(%dma_start3A_215 : memref<96xi32, #tpu.memory_space<hbm>>) target(%arg16 : memref<96xi32, #tpu.memory_space<vmem>>) target_semaphore(%arg31 : memref<!tpu.dma_semaphore, #tpu.memory_space<semaphore_mem>>)
      %dma_wait3A_216 = arith.constant 0 : i32
      %dma_wait3A_217 = arith.constant 0 : i32
      %dma_wait3A_218 = tpu.memref_slice %arg2[%dma_wait3A_216, %dma_wait3A_217] : memref<10240x144xf32, #tpu.memory_space<hbm>> -> memref<10240x144xf32, #tpu.memory_space<hbm>>
      tpu.wait_indirect_dma semaphore(%arg27 : memref<!tpu.dma_semaphore, #tpu.memory_space<semaphore_mem>>) src(%dma_wait3A_218 : memref<10240x144xf32, #tpu.memory_space<hbm>>) dst(%arg13 : memref<96x144xf32, #tpu.memory_space<vmem>>)
      %dma_wait3A_219 = arith.constant 0 : i32
      %dma_wait3A_220 = arith.constant 0 : i32
      %dma_wait3A_221 = tpu.memref_slice %arg3[%dma_wait3A_219, %dma_wait3A_220] : memref<10240x16xf32, #tpu.memory_space<hbm>> -> memref<10240x16xf32, #tpu.memory_space<hbm>>
      tpu.wait_indirect_dma semaphore(%arg28 : memref<!tpu.dma_semaphore, #tpu.memory_space<semaphore_mem>>) src(%dma_wait3A_221 : memref<10240x16xf32, #tpu.memory_space<hbm>>) dst(%arg14 : memref<96x16xf32, #tpu.memory_space<vmem>>)
      %get3A_222 = arith.constant 0 : index
      %get3A_223 = tpu.vector_load %arg11[%get3A_222] {strides = array<i32>} : memref<96xi32, #tpu.memory_space<vmem>>, vector<16xi32>,
      %swap3A_224 = arith.constant 0 : index
      %swap3A_225 = tpu.vector_load %arg12[%swap3A_224] {strides = array<i32>} : memref<96xi32, #tpu.memory_space<vmem>>, vector<16xi32>,
      tpu.vector_store %arg12[%swap3A_224], %get3A_223 {strides = array<i32>} : memref<96xi32, #tpu.memory_space<vmem>>, vector<16xi32>,
      %get3A_226 = arith.constant 16 : index
      %get3A_227 = tpu.vector_load %arg11[%get3A_226] {strides = array<i32>} : memref<96xi32, #tpu.memory_space<vmem>>, vector<16xi32>,
      %swap3A_228 = arith.constant 16 : index
      %swap3A_229 = tpu.vector_load %arg12[%swap3A_228] {strides = array<i32>} : memref<96xi32, #tpu.memory_space<vmem>>, vector<16xi32>,
      tpu.vector_store %arg12[%swap3A_228], %get3A_227 {strides = array<i32>} : memref<96xi32, #tpu.memory_space<vmem>>, vector<16xi32>,
      %get3A_230 = arith.constant 32 : index
      %get3A_231 = tpu.vector_load %arg11[%get3A_230] {strides = array<i32>} : memref<96xi32, #tpu.memory_space<vmem>>, vector<16xi32>,
      %swap3A_232 = arith.constant 32 : index
      %swap3A_233 = tpu.vector_load %arg12[%swap3A_232] {strides = array<i32>} : memref<96xi32, #tpu.memory_space<vmem>>, vector<16xi32>,
      tpu.vector_store %arg12[%swap3A_232], %get3A_231 {strides = array<i32>} : memref<96xi32, #tpu.memory_space<vmem>>, vector<16xi32>,
      %get3A_234 = arith.constant 48 : index
      %get3A_235 = tpu.vector_load %arg11[%get3A_234] {strides = array<i32>} : memref<96xi32, #tpu.memory_space<vmem>>, vector<16xi32>,
      %swap3A_236 = arith.constant 48 : index
      %swap3A_237 = tpu.vector_load %arg12[%swap3A_236] {strides = array<i32>} : memref<96xi32, #tpu.memory_space<vmem>>, vector<16xi32>,
      tpu.vector_store %arg12[%swap3A_236], %get3A_235 {strides = array<i32>} : memref<96xi32, #tpu.memory_space<vmem>>, vector<16xi32>,
      %get3A_238 = arith.constant 64 : index
      %get3A_239 = tpu.vector_load %arg11[%get3A_238] {strides = array<i32>} : memref<96xi32, #tpu.memory_space<vmem>>, vector<16xi32>,
      %swap3A_240 = arith.constant 64 : index
      %swap3A_241 = tpu.vector_load %arg12[%swap3A_240] {strides = array<i32>} : memref<96xi32, #tpu.memory_space<vmem>>, vector<16xi32>,
      tpu.vector_store %arg12[%swap3A_240], %get3A_239 {strides = array<i32>} : memref<96xi32, #tpu.memory_space<vmem>>, vector<16xi32>,
      %get3A_242 = arith.constant 80 : index
      %get3A_243 = tpu.vector_load %arg11[%get3A_242] {strides = array<i32>} : memref<96xi32, #tpu.memory_space<vmem>>, vector<16xi32>,
      %swap3A_244 = arith.constant 80 : index
      %swap3A_245 = tpu.vector_load %arg12[%swap3A_244] {strides = array<i32>} : memref<96xi32, #tpu.memory_space<vmem>>, vector<16xi32>,
      tpu.vector_store %arg12[%swap3A_244], %get3A_243 {strides = array<i32>} : memref<96xi32, #tpu.memory_space<vmem>>, vector<16xi32>,
      %scan3A_246 = arith.constant 0 : i32
      %scan3A_247 = arith.constant 96 : i32
      %scan3A_248 = arith.addi %scan3A_246, %scan3A_247 : i32
      %scan3A_249 = arith.constant 1 : i32
      scf.for %scan3A_322 = %scan3A_246 to %scan3A_248 step %scan3A_249  : i32 {
        %mul3A_323 = arith.constant 1 : i32
        %mul3A_324 = arith.muli %scan3A_322, %mul3A_323 : i32
        %add3A_325 = arith.constant 0 : i32
        %add3A_326 = arith.addi %add3A_325, %mul3A_324 : i32
        %get3A_327 = arith.index_cast %add3A_326 : i32 to index
        %get3A_328 = arith.constant 128 : index
        %get3A_329 = tpu.vector_load %arg13[%get3A_327, %get3A_328] {strides = array<i32>} : memref<96x144xf32, #tpu.memory_space<vmem>>, vector<16xf32>,
        %get3A_330 = arith.index_cast %add3A_326 : i32 to index
        %get3A_331 = arith.constant 0 : index
        %get3A_332 = tpu.vector_load %arg14[%get3A_330, %get3A_331] {strides = array<i32>} : memref<96x16xf32, #tpu.memory_space<vmem>>, vector<16xf32>,
        %add3A_333 = arith.addf %get3A_329, %get3A_332 : vector<16xf32>
        %get3A_334 = arith.index_cast %add3A_326 : i32 to index
        %get3A_335 = arith.constant 0 : index
        %get3A_336 = tpu.vector_load %arg13[%get3A_334, %get3A_335] {strides = array<i32>} : memref<96x144xf32, #tpu.memory_space<vmem>>, vector<16xf32>,
        %get3A_337 = arith.index_cast %add3A_326 : i32 to index
        %get3A_338 = arith.constant 16 : index
        %get3A_339 = tpu.vector_load %arg13[%get3A_337, %get3A_338] {strides = array<i32>} : memref<96x144xf32, #tpu.memory_space<vmem>>, vector<16xf32>,
        %get3A_340 = arith.index_cast %add3A_326 : i32 to index
        %get3A_341 = arith.constant 32 : index
        %get3A_342 = tpu.vector_load %arg13[%get3A_340, %get3A_341] {strides = array<i32>} : memref<96x144xf32, #tpu.memory_space<vmem>>, vector<16xf32>,
        %get3A_343 = arith.index_cast %add3A_326 : i32 to index
        %get3A_344 = arith.constant 48 : index
        %get3A_345 = tpu.vector_load %arg13[%get3A_343, %get3A_344] {strides = array<i32>} : memref<96x144xf32, #tpu.memory_space<vmem>>, vector<16xf32>,
        %get3A_346 = arith.index_cast %add3A_326 : i32 to index
        %get3A_347 = arith.constant 64 : index
        %get3A_348 = tpu.vector_load %arg13[%get3A_346, %get3A_347] {strides = array<i32>} : memref<96x144xf32, #tpu.memory_space<vmem>>, vector<16xf32>,
        %get3A_349 = arith.index_cast %add3A_326 : i32 to index
        %get3A_350 = arith.constant 80 : index
        %get3A_351 = tpu.vector_load %arg13[%get3A_349, %get3A_350] {strides = array<i32>} : memref<96x144xf32, #tpu.memory_space<vmem>>, vector<16xf32>,
        %get3A_352 = arith.index_cast %add3A_326 : i32 to index
        %get3A_353 = arith.constant 96 : index
        %get3A_354 = tpu.vector_load %arg13[%get3A_352, %get3A_353] {strides = array<i32>} : memref<96x144xf32, #tpu.memory_space<vmem>>, vector<16xf32>,
        %get3A_355 = arith.index_cast %add3A_326 : i32 to index
        %get3A_356 = arith.constant 112 : index
        %get3A_357 = tpu.vector_load %arg13[%get3A_355, %get3A_356] {strides = array<i32>} : memref<96x144xf32, #tpu.memory_space<vmem>>, vector<16xf32>,
        %mul3A_358 = arith.constant 2.000000e-01 : f32
        %mul3A_359 = vector.broadcast %mul3A_358 : f32 to vector<16xf32>
        %mul3A_360 = arith.mulf %mul3A_359, %add3A_333 : vector<16xf32>
        %max3A = arith.maximumf %add3A_333, %mul3A_360 : vector<16xf32>
        %sub3A = arith.subf %max3A, %get3A_3 : vector<16xf32>
        %exp3A = math.exp %sub3A : vector<16xf32>
        %swap3A_361 = arith.index_cast %add3A_326 : i32 to index
        %swap3A_362 = arith.constant 128 : index
        %swap3A_363 = tpu.vector_load %arg13[%swap3A_361, %swap3A_362] {strides = array<i32>} : memref<96x144xf32, #tpu.memory_space<vmem>>, vector<16xf32>,
        tpu.vector_store %arg13[%swap3A_361, %swap3A_362], %exp3A {strides = array<i32>} : memref<96x144xf32, #tpu.memory_space<vmem>>, vector<16xf32>,
        %gather3A = vector.shape_cast %broadcast_in_dim3A_9 : vector<16x1xi32> to vector<16xi32>
        %gather3A_364 = tpu.dynamic_gather %exp3A[%gather3A] in [0] : vector<16xf32>, vector<16xi32> -> vector<16xf32>
        %mul3A_365 = arith.mulf %get3A_336, %gather3A_364 : vector<16xf32>
        %gather3A_366 = vector.shape_cast %broadcast_in_dim3A_11 : vector<16x1xi32> to vector<16xi32>
        %gather3A_367 = tpu.dynamic_gather %exp3A[%gather3A_366] in [0] : vector<16xf32>, vector<16xi32> -> vector<16xf32>
        %mul3A_368 = arith.mulf %get3A_339, %gather3A_367 : vector<16xf32>
        %gather3A_369 = vector.shape_cast %broadcast_in_dim3A_13 : vector<16x1xi32> to vector<16xi32>
        %gather3A_370 = tpu.dynamic_gather %exp3A[%gather3A_369] in [0] : vector<16xf32>, vector<16xi32> -> vector<16xf32>
        %mul3A_371 = arith.mulf %get3A_342, %gather3A_370 : vector<16xf32>
        %gather3A_372 = vector.shape_cast %broadcast_in_dim3A_15 : vector<16x1xi32> to vector<16xi32>
        %gather3A_373 = tpu.dynamic_gather %exp3A[%gather3A_372] in [0] : vector<16xf32>, vector<16xi32> -> vector<16xf32>
        %mul3A_374 = arith.mulf %get3A_345, %gather3A_373 : vector<16xf32>
        %gather3A_375 = vector.shape_cast %broadcast_in_dim3A_17 : vector<16x1xi32> to vector<16xi32>
        %gather3A_376 = tpu.dynamic_gather %exp3A[%gather3A_375] in [0] : vector<16xf32>, vector<16xi32> -> vector<16xf32>
        %mul3A_377 = arith.mulf %get3A_348, %gather3A_376 : vector<16xf32>
        %gather3A_378 = vector.shape_cast %broadcast_in_dim3A_19 : vector<16x1xi32> to vector<16xi32>
        %gather3A_379 = tpu.dynamic_gather %exp3A[%gather3A_378] in [0] : vector<16xf32>, vector<16xi32> -> vector<16xf32>
        %mul3A_380 = arith.mulf %get3A_351, %gather3A_379 : vector<16xf32>
        %gather3A_381 = vector.shape_cast %broadcast_in_dim3A_21 : vector<16x1xi32> to vector<16xi32>
        %gather3A_382 = tpu.dynamic_gather %exp3A[%gather3A_381] in [0] : vector<16xf32>, vector<16xi32> -> vector<16xf32>
        %mul3A_383 = arith.mulf %get3A_354, %gather3A_382 : vector<16xf32>
        %gather3A_384 = vector.shape_cast %broadcast_in_dim3A_23 : vector<16x1xi32> to vector<16xi32>
        %gather3A_385 = tpu.dynamic_gather %exp3A[%gather3A_384] in [0] : vector<16xf32>, vector<16xi32> -> vector<16xf32>
        %mul3A_386 = arith.mulf %get3A_357, %gather3A_385 : vector<16xf32>
        %swap3A_387 = arith.index_cast %add3A_326 : i32 to index
        %swap3A_388 = arith.constant 0 : index
        %swap3A_389 = tpu.vector_load %arg13[%swap3A_387, %swap3A_388] {strides = array<i32>} : memref<96x144xf32, #tpu.memory_space<vmem>>, vector<16xf32>,
        tpu.vector_store %arg13[%swap3A_387, %swap3A_388], %mul3A_365 {strides = array<i32>} : memref<96x144xf32, #tpu.memory_space<vmem>>, vector<16xf32>,
        %swap3A_390 = arith.index_cast %add3A_326 : i32 to index
        %swap3A_391 = arith.constant 16 : index
        %swap3A_392 = tpu.vector_load %arg13[%swap3A_390, %swap3A_391] {strides = array<i32>} : memref<96x144xf32, #tpu.memory_space<vmem>>, vector<16xf32>,
        tpu.vector_store %arg13[%swap3A_390, %swap3A_391], %mul3A_368 {strides = array<i32>} : memref<96x144xf32, #tpu.memory_space<vmem>>, vector<16xf32>,
        %swap3A_393 = arith.index_cast %add3A_326 : i32 to index
        %swap3A_394 = arith.constant 32 : index
        %swap3A_395 = tpu.vector_load %arg13[%swap3A_393, %swap3A_394] {strides = array<i32>} : memref<96x144xf32, #tpu.memory_space<vmem>>, vector<16xf32>,
        tpu.vector_store %arg13[%swap3A_393, %swap3A_394], %mul3A_371 {strides = array<i32>} : memref<96x144xf32, #tpu.memory_space<vmem>>, vector<16xf32>,
        %swap3A_396 = arith.index_cast %add3A_326 : i32 to index
        %swap3A_397 = arith.constant 48 : index
        %swap3A_398 = tpu.vector_load %arg13[%swap3A_396, %swap3A_397] {strides = array<i32>} : memref<96x144xf32, #tpu.memory_space<vmem>>, vector<16xf32>,
        tpu.vector_store %arg13[%swap3A_396, %swap3A_397], %mul3A_374 {strides = array<i32>} : memref<96x144xf32, #tpu.memory_space<vmem>>, vector<16xf32>,
        %swap3A_399 = arith.index_cast %add3A_326 : i32 to index
        %swap3A_400 = arith.constant 64 : index
        %swap3A_401 = tpu.vector_load %arg13[%swap3A_399, %swap3A_400] {strides = array<i32>} : memref<96x144xf32, #tpu.memory_space<vmem>>, vector<16xf32>,
        tpu.vector_store %arg13[%swap3A_399, %swap3A_400], %mul3A_377 {strides = array<i32>} : memref<96x144xf32, #tpu.memory_space<vmem>>, vector<16xf32>,
        %swap3A_402 = arith.index_cast %add3A_326 : i32 to index
        %swap3A_403 = arith.constant 80 : index
        %swap3A_404 = tpu.vector_load %arg13[%swap3A_402, %swap3A_403] {strides = array<i32>} : memref<96x144xf32, #tpu.memory_space<vmem>>, vector<16xf32>,
        tpu.vector_store %arg13[%swap3A_402, %swap3A_403], %mul3A_380 {strides = array<i32>} : memref<96x144xf32, #tpu.memory_space<vmem>>, vector<16xf32>,
        %swap3A_405 = arith.index_cast %add3A_326 : i32 to index
        %swap3A_406 = arith.constant 96 : index
        %swap3A_407 = tpu.vector_load %arg13[%swap3A_405, %swap3A_406] {strides = array<i32>} : memref<96x144xf32, #tpu.memory_space<vmem>>, vector<16xf32>,
        tpu.vector_store %arg13[%swap3A_405, %swap3A_406], %mul3A_383 {strides = array<i32>} : memref<96x144xf32, #tpu.memory_space<vmem>>, vector<16xf32>,
        %swap3A_408 = arith.index_cast %add3A_326 : i32 to index
        %swap3A_409 = arith.constant 112 : index
        %swap3A_410 = tpu.vector_load %arg13[%swap3A_408, %swap3A_409] {strides = array<i32>} : memref<96x144xf32, #tpu.memory_space<vmem>>, vector<16xf32>,
        tpu.vector_store %arg13[%swap3A_408, %swap3A_409], %mul3A_386 {strides = array<i32>} : memref<96x144xf32, #tpu.memory_space<vmem>>, vector<16xf32>,
      }
      %scan3A_250 = arith.constant 96 : i32
      %dma_start3A_251 = arith.constant 0 : i32
      %dma_start3A_252 = arith.constant 0 : i32
      %dma_start3A_253 = tpu.memref_slice %arg9[%dma_start3A_251, %dma_start3A_252] : memref<10240x144xf32, #tpu.memory_space<vmem_shared>> -> memref<10240x144xf32, #tpu.memory_space<vmem_shared>>
      tpu.enqueue_indirect_dma source(%arg13 : memref<96x144xf32, #tpu.memory_space<vmem>>) target(%dma_start3A_253 : memref<10240x144xf32, #tpu.memory_space<vmem_shared>>) offsets(%arg12 : memref<96xi32, #tpu.memory_space<vmem>>) semaphore(%arg29 : memref<!tpu.dma_semaphore, #tpu.memory_space<semaphore_mem>>) {add = true}
      %add3A_254 = arith.constant 1 : i32
      %add3A_255 = arith.addi %add3A_187, %add3A_254 : i32
      %dma_wait3A_256 = arith.constant 0 : i32
      %dma_wait3A_257 = arith.constant 0 : i32
      %dma_wait3A_258 = tpu.memref_slice %arg9[%dma_wait3A_256, %dma_wait3A_257] : memref<10240x144xf32, #tpu.memory_space<vmem_shared>> -> memref<10240x144xf32, #tpu.memory_space<vmem_shared>>
      tpu.wait_indirect_dma semaphore(%arg34 : memref<!tpu.dma_semaphore, #tpu.memory_space<semaphore_mem>>) src(%arg18 : memref<96x144xf32, #tpu.memory_space<vmem>>) dst(%dma_wait3A_258 : memref<10240x144xf32, #tpu.memory_space<vmem_shared>>)
      %dma_wait3A_259 = arith.constant 0 : i32
      %dma_wait3A_260 = tpu.memref_slice %arg5[%dma_wait3A_259] : memref<320000xi32, #tpu.memory_space<hbm>> -> memref<96xi32, #tpu.memory_space<hbm>>
      %dma_wait3A_261 = arith.constant 0 : i32
      %dma_wait3A_262 = tpu.memref_slice %arg5[%dma_wait3A_261] : memref<320000xi32, #tpu.memory_space<hbm>> -> memref<96xi32, #tpu.memory_space<hbm>>
      tpu.wait_dma2 semaphore(%arg30 : memref<!tpu.dma_semaphore, #tpu.memory_space<semaphore_mem>>) src(%dma_wait3A_262 : memref<96xi32, #tpu.memory_space<hbm>>) dst(%arg15 : memref<96xi32, #tpu.memory_space<vmem>>)
      %dma_wait3A_263 = arith.constant 0 : i32
      %dma_wait3A_264 = tpu.memref_slice %arg6[%dma_wait3A_263] : memref<320000xi32, #tpu.memory_space<hbm>> -> memref<96xi32, #tpu.memory_space<hbm>>
      %dma_wait3A_265 = arith.constant 0 : i32
      %dma_wait3A_266 = tpu.memref_slice %arg6[%dma_wait3A_265] : memref<320000xi32, #tpu.memory_space<hbm>> -> memref<96xi32, #tpu.memory_space<hbm>>
      tpu.wait_dma2 semaphore(%arg31 : memref<!tpu.dma_semaphore, #tpu.memory_space<semaphore_mem>>) src(%dma_wait3A_266 : memref<96xi32, #tpu.memory_space<hbm>>) dst(%arg16 : memref<96xi32, #tpu.memory_space<vmem>>)
      %dma_start3A_267 = arith.constant 0 : i32
      %dma_start3A_268 = arith.constant 0 : i32
      %dma_start3A_269 = tpu.memref_slice %arg2[%dma_start3A_267, %dma_start3A_268] : memref<10240x144xf32, #tpu.memory_space<hbm>> -> memref<10240x144xf32, #tpu.memory_space<hbm>>
      tpu.enqueue_indirect_dma source(%dma_start3A_269 : memref<10240x144xf32, #tpu.memory_space<hbm>>) target(%arg18 : memref<96x144xf32, #tpu.memory_space<vmem>>) offsets(%arg15 : memref<96xi32, #tpu.memory_space<vmem>>) semaphore(%arg32 : memref<!tpu.dma_semaphore, #tpu.memory_space<semaphore_mem>>)
      %dma_start3A_270 = arith.constant 0 : i32
      %dma_start3A_271 = arith.constant 0 : i32
      %dma_start3A_272 = tpu.memref_slice %arg3[%dma_start3A_270, %dma_start3A_271] : memref<10240x16xf32, #tpu.memory_space<hbm>> -> memref<10240x16xf32, #tpu.memory_space<hbm>>
      tpu.enqueue_indirect_dma source(%dma_start3A_272 : memref<10240x16xf32, #tpu.memory_space<hbm>>) target(%arg19 : memref<96x16xf32, #tpu.memory_space<vmem>>) offsets(%arg16 : memref<96xi32, #tpu.memory_space<vmem>>) semaphore(%arg33 : memref<!tpu.dma_semaphore, #tpu.memory_space<semaphore_mem>>)
      %add3A_273 = arith.constant 1 : i32
      %add3A_274 = arith.addi %add3A_255, %add3A_273 : i32
      %min3A_275 = arith.constant 103 : i32
      %min3A_276 = arith.minsi %add3A_274, %min3A_275 : i32
      %mul3A_277 = arith.constant 96 : i32
      %mul3A_278 = arith.muli %min3A_276, %mul3A_277 : i32
      %add3A_279 = arith.addi %mul3A_8, %mul3A_278 : i32
      %dma_start3A_280 = tpu.memref_slice %arg5[%add3A_279] : memref<320000xi32, #tpu.memory_space<hbm>> -> memref<96xi32, #tpu.memory_space<hbm>>
      %dma_start3A_281 = tpu.memref_slice %arg5[%add3A_279] : memref<320000xi32, #tpu.memory_space<hbm>> -> memref<96xi32, #tpu.memory_space<hbm>>
      tpu.enqueue_dma source(%dma_start3A_281 : memref<96xi32, #tpu.memory_space<hbm>>) target(%arg10 : memref<96xi32, #tpu.memory_space<vmem>>) target_semaphore(%arg25 : memref<!tpu.dma_semaphore, #tpu.memory_space<semaphore_mem>>)
      %dma_start3A_282 = tpu.memref_slice %arg6[%add3A_279] : memref<320000xi32, #tpu.memory_space<hbm>> -> memref<96xi32, #tpu.memory_space<hbm>>
      %dma_start3A_283 = tpu.memref_slice %arg6[%add3A_279] : memref<320000xi32, #tpu.memory_space<hbm>> -> memref<96xi32, #tpu.memory_space<hbm>>
      tpu.enqueue_dma source(%dma_start3A_283 : memref<96xi32, #tpu.memory_space<hbm>>) target(%arg11 : memref<96xi32, #tpu.memory_space<vmem>>) target_semaphore(%arg26 : memref<!tpu.dma_semaphore, #tpu.memory_space<semaphore_mem>>)
      %dma_wait3A_284 = arith.constant 0 : i32
      %dma_wait3A_285 = arith.constant 0 : i32
      %dma_wait3A_286 = tpu.memref_slice %arg2[%dma_wait3A_284, %dma_wait3A_285] : memref<10240x144xf32, #tpu.memory_space<hbm>> -> memref<10240x144xf32, #tpu.memory_space<hbm>>
      tpu.wait_indirect_dma semaphore(%arg32 : memref<!tpu.dma_semaphore, #tpu.memory_space<semaphore_mem>>) src(%dma_wait3A_286 : memref<10240x144xf32, #tpu.memory_space<hbm>>) dst(%arg18 : memref<96x144xf32, #tpu.memory_space<vmem>>)
      %dma_wait3A_287 = arith.constant 0 : i32
      %dma_wait3A_288 = arith.constant 0 : i32
      %dma_wait3A_289 = tpu.memref_slice %arg3[%dma_wait3A_287, %dma_wait3A_288] : memref<10240x16xf32, #tpu.memory_space<hbm>> -> memref<10240x16xf32, #tpu.memory_space<hbm>>
      tpu.wait_indirect_dma semaphore(%arg33 : memref<!tpu.dma_semaphore, #tpu.memory_space<semaphore_mem>>) src(%dma_wait3A_289 : memref<10240x16xf32, #tpu.memory_space<hbm>>) dst(%arg19 : memref<96x16xf32, #tpu.memory_space<vmem>>)
      %get3A_290 = arith.constant 0 : index
      %get3A_291 = tpu.vector_load %arg16[%get3A_290] {strides = array<i32>} : memref<96xi32, #tpu.memory_space<vmem>>, vector<16xi32>,
      %swap3A_292 = arith.constant 0 : index
      %swap3A_293 = tpu.vector_load %arg17[%swap3A_292] {strides = array<i32>} : memref<96xi32, #tpu.memory_space<vmem>>, vector<16xi32>,
      tpu.vector_store %arg17[%swap3A_292], %get3A_291 {strides = array<i32>} : memref<96xi32, #tpu.memory_space<vmem>>, vector<16xi32>,
      %get3A_294 = arith.constant 16 : index
      %get3A_295 = tpu.vector_load %arg16[%get3A_294] {strides = array<i32>} : memref<96xi32, #tpu.memory_space<vmem>>, vector<16xi32>,
      %swap3A_296 = arith.constant 16 : index
      %swap3A_297 = tpu.vector_load %arg17[%swap3A_296] {strides = array<i32>} : memref<96xi32, #tpu.memory_space<vmem>>, vector<16xi32>,
      tpu.vector_store %arg17[%swap3A_296], %get3A_295 {strides = array<i32>} : memref<96xi32, #tpu.memory_space<vmem>>, vector<16xi32>,
      %get3A_298 = arith.constant 32 : index
      %get3A_299 = tpu.vector_load %arg16[%get3A_298] {strides = array<i32>} : memref<96xi32, #tpu.memory_space<vmem>>, vector<16xi32>,
      %swap3A_300 = arith.constant 32 : index
      %swap3A_301 = tpu.vector_load %arg17[%swap3A_300] {strides = array<i32>} : memref<96xi32, #tpu.memory_space<vmem>>, vector<16xi32>,
      tpu.vector_store %arg17[%swap3A_300], %get3A_299 {strides = array<i32>} : memref<96xi32, #tpu.memory_space<vmem>>, vector<16xi32>,
      %get3A_302 = arith.constant 48 : index
      %get3A_303 = tpu.vector_load %arg16[%get3A_302] {strides = array<i32>} : memref<96xi32, #tpu.memory_space<vmem>>, vector<16xi32>,
      %swap3A_304 = arith.constant 48 : index
      %swap3A_305 = tpu.vector_load %arg17[%swap3A_304] {strides = array<i32>} : memref<96xi32, #tpu.memory_space<vmem>>, vector<16xi32>,
      tpu.vector_store %arg17[%swap3A_304], %get3A_303 {strides = array<i32>} : memref<96xi32, #tpu.memory_space<vmem>>, vector<16xi32>,
      %get3A_306 = arith.constant 64 : index
      %get3A_307 = tpu.vector_load %arg16[%get3A_306] {strides = array<i32>} : memref<96xi32, #tpu.memory_space<vmem>>, vector<16xi32>,
      %swap3A_308 = arith.constant 64 : index
      %swap3A_309 = tpu.vector_load %arg17[%swap3A_308] {strides = array<i32>} : memref<96xi32, #tpu.memory_space<vmem>>, vector<16xi32>,
      tpu.vector_store %arg17[%swap3A_308], %get3A_307 {strides = array<i32>} : memref<96xi32, #tpu.memory_space<vmem>>, vector<16xi32>,
      %get3A_310 = arith.constant 80 : index
      %get3A_311 = tpu.vector_load %arg16[%get3A_310] {strides = array<i32>} : memref<96xi32, #tpu.memory_space<vmem>>, vector<16xi32>,
      %swap3A_312 = arith.constant 80 : index
      %swap3A_313 = tpu.vector_load %arg17[%swap3A_312] {strides = array<i32>} : memref<96xi32, #tpu.memory_space<vmem>>, vector<16xi32>,
      tpu.vector_store %arg17[%swap3A_312], %get3A_311 {strides = array<i32>} : memref<96xi32, #tpu.memory_space<vmem>>, vector<16xi32>,
      %scan3A_314 = arith.constant 0 : i32
      %scan3A_315 = arith.constant 96 : i32
      %scan3A_316 = arith.addi %scan3A_314, %scan3A_315 : i32
      %scan3A_317 = arith.constant 1 : i32
      scf.for %scan3A_322 = %scan3A_314 to %scan3A_316 step %scan3A_317  : i32 {
        %mul3A_323 = arith.constant 1 : i32
        %mul3A_324 = arith.muli %scan3A_322, %mul3A_323 : i32
        %add3A_325 = arith.constant 0 : i32
        %add3A_326 = arith.addi %add3A_325, %mul3A_324 : i32
        %get3A_327 = arith.index_cast %add3A_326 : i32 to index
        %get3A_328 = arith.constant 128 : index
        %get3A_329 = tpu.vector_load %arg18[%get3A_327, %get3A_328] {strides = array<i32>} : memref<96x144xf32, #tpu.memory_space<vmem>>, vector<16xf32>,
        %get3A_330 = arith.index_cast %add3A_326 : i32 to index
        %get3A_331 = arith.constant 0 : index
        %get3A_332 = tpu.vector_load %arg19[%get3A_330, %get3A_331] {strides = array<i32>} : memref<96x16xf32, #tpu.memory_space<vmem>>, vector<16xf32>,
        %add3A_333 = arith.addf %get3A_329, %get3A_332 : vector<16xf32>
        %get3A_334 = arith.index_cast %add3A_326 : i32 to index
        %get3A_335 = arith.constant 0 : index
        %get3A_336 = tpu.vector_load %arg18[%get3A_334, %get3A_335] {strides = array<i32>} : memref<96x144xf32, #tpu.memory_space<vmem>>, vector<16xf32>,
        %get3A_337 = arith.index_cast %add3A_326 : i32 to index
        %get3A_338 = arith.constant 16 : index
        %get3A_339 = tpu.vector_load %arg18[%get3A_337, %get3A_338] {strides = array<i32>} : memref<96x144xf32, #tpu.memory_space<vmem>>, vector<16xf32>,
        %get3A_340 = arith.index_cast %add3A_326 : i32 to index
        %get3A_341 = arith.constant 32 : index
        %get3A_342 = tpu.vector_load %arg18[%get3A_340, %get3A_341] {strides = array<i32>} : memref<96x144xf32, #tpu.memory_space<vmem>>, vector<16xf32>,
        %get3A_343 = arith.index_cast %add3A_326 : i32 to index
        %get3A_344 = arith.constant 48 : index
        %get3A_345 = tpu.vector_load %arg18[%get3A_343, %get3A_344] {strides = array<i32>} : memref<96x144xf32, #tpu.memory_space<vmem>>, vector<16xf32>,
        %get3A_346 = arith.index_cast %add3A_326 : i32 to index
        %get3A_347 = arith.constant 64 : index
        %get3A_348 = tpu.vector_load %arg18[%get3A_346, %get3A_347] {strides = array<i32>} : memref<96x144xf32, #tpu.memory_space<vmem>>, vector<16xf32>,
        %get3A_349 = arith.index_cast %add3A_326 : i32 to index
        %get3A_350 = arith.constant 80 : index
        %get3A_351 = tpu.vector_load %arg18[%get3A_349, %get3A_350] {strides = array<i32>} : memref<96x144xf32, #tpu.memory_space<vmem>>, vector<16xf32>,
        %get3A_352 = arith.index_cast %add3A_326 : i32 to index
        %get3A_353 = arith.constant 96 : index
        %get3A_354 = tpu.vector_load %arg18[%get3A_352, %get3A_353] {strides = array<i32>} : memref<96x144xf32, #tpu.memory_space<vmem>>, vector<16xf32>,
        %get3A_355 = arith.index_cast %add3A_326 : i32 to index
        %get3A_356 = arith.constant 112 : index
        %get3A_357 = tpu.vector_load %arg18[%get3A_355, %get3A_356] {strides = array<i32>} : memref<96x144xf32, #tpu.memory_space<vmem>>, vector<16xf32>,
        %mul3A_358 = arith.constant 2.000000e-01 : f32
        %mul3A_359 = vector.broadcast %mul3A_358 : f32 to vector<16xf32>
        %mul3A_360 = arith.mulf %mul3A_359, %add3A_333 : vector<16xf32>
        %max3A = arith.maximumf %add3A_333, %mul3A_360 : vector<16xf32>
        %sub3A = arith.subf %max3A, %get3A_3 : vector<16xf32>
        %exp3A = math.exp %sub3A : vector<16xf32>
        %swap3A_361 = arith.index_cast %add3A_326 : i32 to index
        %swap3A_362 = arith.constant 128 : index
        %swap3A_363 = tpu.vector_load %arg18[%swap3A_361, %swap3A_362] {strides = array<i32>} : memref<96x144xf32, #tpu.memory_space<vmem>>, vector<16xf32>,
        tpu.vector_store %arg18[%swap3A_361, %swap3A_362], %exp3A {strides = array<i32>} : memref<96x144xf32, #tpu.memory_space<vmem>>, vector<16xf32>,
        %gather3A = vector.shape_cast %broadcast_in_dim3A_9 : vector<16x1xi32> to vector<16xi32>
        %gather3A_364 = tpu.dynamic_gather %exp3A[%gather3A] in [0] : vector<16xf32>, vector<16xi32> -> vector<16xf32>
        %mul3A_365 = arith.mulf %get3A_336, %gather3A_364 : vector<16xf32>
        %gather3A_366 = vector.shape_cast %broadcast_in_dim3A_11 : vector<16x1xi32> to vector<16xi32>
        %gather3A_367 = tpu.dynamic_gather %exp3A[%gather3A_366] in [0] : vector<16xf32>, vector<16xi32> -> vector<16xf32>
        %mul3A_368 = arith.mulf %get3A_339, %gather3A_367 : vector<16xf32>
        %gather3A_369 = vector.shape_cast %broadcast_in_dim3A_13 : vector<16x1xi32> to vector<16xi32>
        %gather3A_370 = tpu.dynamic_gather %exp3A[%gather3A_369] in [0] : vector<16xf32>, vector<16xi32> -> vector<16xf32>
        %mul3A_371 = arith.mulf %get3A_342, %gather3A_370 : vector<16xf32>
        %gather3A_372 = vector.shape_cast %broadcast_in_dim3A_15 : vector<16x1xi32> to vector<16xi32>
        %gather3A_373 = tpu.dynamic_gather %exp3A[%gather3A_372] in [0] : vector<16xf32>, vector<16xi32> -> vector<16xf32>
        %mul3A_374 = arith.mulf %get3A_345, %gather3A_373 : vector<16xf32>
        %gather3A_375 = vector.shape_cast %broadcast_in_dim3A_17 : vector<16x1xi32> to vector<16xi32>
        %gather3A_376 = tpu.dynamic_gather %exp3A[%gather3A_375] in [0] : vector<16xf32>, vector<16xi32> -> vector<16xf32>
        %mul3A_377 = arith.mulf %get3A_348, %gather3A_376 : vector<16xf32>
        %gather3A_378 = vector.shape_cast %broadcast_in_dim3A_19 : vector<16x1xi32> to vector<16xi32>
        %gather3A_379 = tpu.dynamic_gather %exp3A[%gather3A_378] in [0] : vector<16xf32>, vector<16xi32> -> vector<16xf32>
        %mul3A_380 = arith.mulf %get3A_351, %gather3A_379 : vector<16xf32>
        %gather3A_381 = vector.shape_cast %broadcast_in_dim3A_21 : vector<16x1xi32> to vector<16xi32>
        %gather3A_382 = tpu.dynamic_gather %exp3A[%gather3A_381] in [0] : vector<16xf32>, vector<16xi32> -> vector<16xf32>
        %mul3A_383 = arith.mulf %get3A_354, %gather3A_382 : vector<16xf32>
        %gather3A_384 = vector.shape_cast %broadcast_in_dim3A_23 : vector<16x1xi32> to vector<16xi32>
        %gather3A_385 = tpu.dynamic_gather %exp3A[%gather3A_384] in [0] : vector<16xf32>, vector<16xi32> -> vector<16xf32>
        %mul3A_386 = arith.mulf %get3A_357, %gather3A_385 : vector<16xf32>
        %swap3A_387 = arith.index_cast %add3A_326 : i32 to index
        %swap3A_388 = arith.constant 0 : index
        %swap3A_389 = tpu.vector_load %arg18[%swap3A_387, %swap3A_388] {strides = array<i32>} : memref<96x144xf32, #tpu.memory_space<vmem>>, vector<16xf32>,
        tpu.vector_store %arg18[%swap3A_387, %swap3A_388], %mul3A_365 {strides = array<i32>} : memref<96x144xf32, #tpu.memory_space<vmem>>, vector<16xf32>,
        %swap3A_390 = arith.index_cast %add3A_326 : i32 to index
        %swap3A_391 = arith.constant 16 : index
        %swap3A_392 = tpu.vector_load %arg18[%swap3A_390, %swap3A_391] {strides = array<i32>} : memref<96x144xf32, #tpu.memory_space<vmem>>, vector<16xf32>,
        tpu.vector_store %arg18[%swap3A_390, %swap3A_391], %mul3A_368 {strides = array<i32>} : memref<96x144xf32, #tpu.memory_space<vmem>>, vector<16xf32>,
        %swap3A_393 = arith.index_cast %add3A_326 : i32 to index
        %swap3A_394 = arith.constant 32 : index
        %swap3A_395 = tpu.vector_load %arg18[%swap3A_393, %swap3A_394] {strides = array<i32>} : memref<96x144xf32, #tpu.memory_space<vmem>>, vector<16xf32>,
        tpu.vector_store %arg18[%swap3A_393, %swap3A_394], %mul3A_371 {strides = array<i32>} : memref<96x144xf32, #tpu.memory_space<vmem>>, vector<16xf32>,
        %swap3A_396 = arith.index_cast %add3A_326 : i32 to index
        %swap3A_397 = arith.constant 48 : index
        %swap3A_398 = tpu.vector_load %arg18[%swap3A_396, %swap3A_397] {strides = array<i32>} : memref<96x144xf32, #tpu.memory_space<vmem>>, vector<16xf32>,
        tpu.vector_store %arg18[%swap3A_396, %swap3A_397], %mul3A_374 {strides = array<i32>} : memref<96x144xf32, #tpu.memory_space<vmem>>, vector<16xf32>,
        %swap3A_399 = arith.index_cast %add3A_326 : i32 to index
        %swap3A_400 = arith.constant 64 : index
        %swap3A_401 = tpu.vector_load %arg18[%swap3A_399, %swap3A_400] {strides = array<i32>} : memref<96x144xf32, #tpu.memory_space<vmem>>, vector<16xf32>,
        tpu.vector_store %arg18[%swap3A_399, %swap3A_400], %mul3A_377 {strides = array<i32>} : memref<96x144xf32, #tpu.memory_space<vmem>>, vector<16xf32>,
        %swap3A_402 = arith.index_cast %add3A_326 : i32 to index
        %swap3A_403 = arith.constant 80 : index
        %swap3A_404 = tpu.vector_load %arg18[%swap3A_402, %swap3A_403] {strides = array<i32>} : memref<96x144xf32, #tpu.memory_space<vmem>>, vector<16xf32>,
        tpu.vector_store %arg18[%swap3A_402, %swap3A_403], %mul3A_380 {strides = array<i32>} : memref<96x144xf32, #tpu.memory_space<vmem>>, vector<16xf32>,
        %swap3A_405 = arith.index_cast %add3A_326 : i32 to index
        %swap3A_406 = arith.constant 96 : index
        %swap3A_407 = tpu.vector_load %arg18[%swap3A_405, %swap3A_406] {strides = array<i32>} : memref<96x144xf32, #tpu.memory_space<vmem>>, vector<16xf32>,
        tpu.vector_store %arg18[%swap3A_405, %swap3A_406], %mul3A_383 {strides = array<i32>} : memref<96x144xf32, #tpu.memory_space<vmem>>, vector<16xf32>,
        %swap3A_408 = arith.index_cast %add3A_326 : i32 to index
        %swap3A_409 = arith.constant 112 : index
        %swap3A_410 = tpu.vector_load %arg18[%swap3A_408, %swap3A_409] {strides = array<i32>} : memref<96x144xf32, #tpu.memory_space<vmem>>, vector<16xf32>,
        tpu.vector_store %arg18[%swap3A_408, %swap3A_409], %mul3A_386 {strides = array<i32>} : memref<96x144xf32, #tpu.memory_space<vmem>>, vector<16xf32>,
      }
      %scan3A_318 = arith.constant 96 : i32
      %dma_start3A_319 = arith.constant 0 : i32
      %dma_start3A_320 = arith.constant 0 : i32
      %dma_start3A_321 = tpu.memref_slice %arg9[%dma_start3A_319, %dma_start3A_320] : memref<10240x144xf32, #tpu.memory_space<vmem_shared>> -> memref<10240x144xf32, #tpu.memory_space<vmem_shared>>
      tpu.enqueue_indirect_dma source(%arg18 : memref<96x144xf32, #tpu.memory_space<vmem>>) target(%dma_start3A_321 : memref<10240x144xf32, #tpu.memory_space<vmem_shared>>) offsets(%arg17 : memref<96xi32, #tpu.memory_space<vmem>>) semaphore(%arg34 : memref<!tpu.dma_semaphore, #tpu.memory_space<semaphore_mem>>) {add = true}
    }
    %scan3A_157 = arith.constant 51 : i32
    %dma_wait3A_158 = arith.constant 0 : i32
    %dma_wait3A_159 = arith.constant 0 : i32
    %dma_wait3A_160 = tpu.memref_slice %arg9[%dma_wait3A_158, %dma_wait3A_159] : memref<10240x144xf32, #tpu.memory_space<vmem_shared>> -> memref<10240x144xf32, #tpu.memory_space<vmem_shared>>
    tpu.wait_indirect_dma semaphore(%arg29 : memref<!tpu.dma_semaphore, #tpu.memory_space<semaphore_mem>>) src(%arg13 : memref<96x144xf32, #tpu.memory_space<vmem>>) dst(%dma_wait3A_160 : memref<10240x144xf32, #tpu.memory_space<vmem_shared>>)
    %dma_wait3A_161 = arith.constant 0 : i32
    %dma_wait3A_162 = arith.constant 0 : i32
    %dma_wait3A_163 = tpu.memref_slice %arg9[%dma_wait3A_161, %dma_wait3A_162] : memref<10240x144xf32, #tpu.memory_space<vmem_shared>> -> memref<10240x144xf32, #tpu.memory_space<vmem_shared>>
    tpu.wait_indirect_dma semaphore(%arg34 : memref<!tpu.dma_semaphore, #tpu.memory_space<semaphore_mem>>) src(%arg18 : memref<96x144xf32, #tpu.memory_space<vmem>>) dst(%dma_wait3A_163 : memref<10240x144xf32, #tpu.memory_space<vmem_shared>>)
    %dma_wait3A_164 = arith.constant 0 : i32
    %dma_wait3A_165 = tpu.memref_slice %arg5[%dma_wait3A_164] : memref<320000xi32, #tpu.memory_space<hbm>> -> memref<96xi32, #tpu.memory_space<hbm>>
    %dma_wait3A_166 = arith.constant 0 : i32
    %dma_wait3A_167 = tpu.memref_slice %arg5[%dma_wait3A_166] : memref<320000xi32, #tpu.memory_space<hbm>> -> memref<96xi32, #tpu.memory_space<hbm>>
    tpu.wait_dma2 semaphore(%arg25 : memref<!tpu.dma_semaphore, #tpu.memory_space<semaphore_mem>>) src(%dma_wait3A_167 : memref<96xi32, #tpu.memory_space<hbm>>) dst(%arg10 : memref<96xi32, #tpu.memory_space<vmem>>)
    %dma_wait3A_168 = arith.constant 0 : i32
    %dma_wait3A_169 = tpu.memref_slice %arg6[%dma_wait3A_168] : memref<320000xi32, #tpu.memory_space<hbm>> -> memref<96xi32, #tpu.memory_space<hbm>>
    %dma_wait3A_170 = arith.constant 0 : i32
    %dma_wait3A_171 = tpu.memref_slice %arg6[%dma_wait3A_170] : memref<320000xi32, #tpu.memory_space<hbm>> -> memref<96xi32, #tpu.memory_space<hbm>>
    tpu.wait_dma2 semaphore(%arg26 : memref<!tpu.dma_semaphore, #tpu.memory_space<semaphore_mem>>) src(%dma_wait3A_171 : memref<96xi32, #tpu.memory_space<hbm>>) dst(%arg11 : memref<96xi32, #tpu.memory_space<vmem>>)
    %add3A_172 = arith.constant 9984 : i32
    %add3A_173 = arith.addi %mul3A_8, %add3A_172 : i32
    "tpu.region"() ({
      %run_scoped3A = tpu.sem_alloc : memref<!tpu.dma_semaphore, #tpu.memory_space<semaphore_mem>>
      %dma_start3A_183 = tpu.memref_slice %arg5[%add3A_173] : memref<320000xi32, #tpu.memory_space<hbm>> -> memref<16xi32, #tpu.memory_space<hbm>>
      %dma_start3A_184 = tpu.memref_slice %arg5[%add3A_173] : memref<320000xi32, #tpu.memory_space<hbm>> -> memref<16xi32, #tpu.memory_space<hbm>>
      tpu.enqueue_dma source(%dma_start3A_184 : memref<16xi32, #tpu.memory_space<hbm>>) target(%arg20 : memref<16xi32, #tpu.memory_space<vmem>>) target_semaphore(%run_scoped3A : memref<!tpu.dma_semaphore, #tpu.memory_space<semaphore_mem>>)
      %dma_wait3A_185 = tpu.memref_slice %arg5[%add3A_173] : memref<320000xi32, #tpu.memory_space<hbm>> -> memref<16xi32, #tpu.memory_space<hbm>>
      %dma_wait3A_186 = tpu.memref_slice %arg5[%add3A_173] : memref<320000xi32, #tpu.memory_space<hbm>> -> memref<16xi32, #tpu.memory_space<hbm>>
      tpu.wait_dma2 semaphore(%run_scoped3A : memref<!tpu.dma_semaphore, #tpu.memory_space<semaphore_mem>>) src(%dma_wait3A_186 : memref<16xi32, #tpu.memory_space<hbm>>) dst(%arg20 : memref<16xi32, #tpu.memory_space<vmem>>)
      tpu.yield
    }) : () -> ()
    "tpu.region"() ({
      %run_scoped3A = tpu.sem_alloc : memref<!tpu.dma_semaphore, #tpu.memory_space<semaphore_mem>>
      %dma_start3A_183 = tpu.memref_slice %arg6[%add3A_173] : memref<320000xi32, #tpu.memory_space<hbm>> -> memref<16xi32, #tpu.memory_space<hbm>>
      %dma_start3A_184 = tpu.memref_slice %arg6[%add3A_173] : memref<320000xi32, #tpu.memory_space<hbm>> -> memref<16xi32, #tpu.memory_space<hbm>>
      tpu.enqueue_dma source(%dma_start3A_184 : memref<16xi32, #tpu.memory_space<hbm>>) target(%arg21 : memref<16xi32, #tpu.memory_space<vmem>>) target_semaphore(%run_scoped3A : memref<!tpu.dma_semaphore, #tpu.memory_space<semaphore_mem>>)
      %dma_wait3A_185 = tpu.memref_slice %arg6[%add3A_173] : memref<320000xi32, #tpu.memory_space<hbm>> -> memref<16xi32, #tpu.memory_space<hbm>>
      %dma_wait3A_186 = tpu.memref_slice %arg6[%add3A_173] : memref<320000xi32, #tpu.memory_space<hbm>> -> memref<16xi32, #tpu.memory_space<hbm>>
      tpu.wait_dma2 semaphore(%run_scoped3A : memref<!tpu.dma_semaphore, #tpu.memory_space<semaphore_mem>>) src(%dma_wait3A_186 : memref<16xi32, #tpu.memory_space<hbm>>) dst(%arg21 : memref<16xi32, #tpu.memory_space<vmem>>)
      tpu.yield
    }) : () -> ()
    "tpu.region"() ({
      %run_scoped3A = tpu.sem_alloc : memref<!tpu.dma_semaphore, #tpu.memory_space<semaphore_mem>>
      %dma_start3A_183 = arith.constant 0 : i32
      %dma_start3A_184 = arith.constant 0 : i32
      %dma_start3A_185 = tpu.memref_slice %arg2[%dma_start3A_183, %dma_start3A_184] : memref<10240x144xf32, #tpu.memory_space<hbm>> -> memref<10240x144xf32, #tpu.memory_space<hbm>>
      tpu.enqueue_indirect_dma source(%dma_start3A_185 : memref<10240x144xf32, #tpu.memory_space<hbm>>) target(%arg22 : memref<16x144xf32, #tpu.memory_space<vmem>>) offsets(%arg20 : memref<16xi32, #tpu.memory_space<vmem>>) semaphore(%run_scoped3A : memref<!tpu.dma_semaphore, #tpu.memory_space<semaphore_mem>>)
      %dma_wait3A_186 = arith.constant 0 : i32
      %dma_wait3A_187 = arith.constant 0 : i32
      %dma_wait3A_188 = tpu.memref_slice %arg2[%dma_wait3A_186, %dma_wait3A_187] : memref<10240x144xf32, #tpu.memory_space<hbm>> -> memref<10240x144xf32, #tpu.memory_space<hbm>>
      tpu.wait_indirect_dma semaphore(%run_scoped3A : memref<!tpu.dma_semaphore, #tpu.memory_space<semaphore_mem>>) src(%dma_wait3A_188 : memref<10240x144xf32, #tpu.memory_space<hbm>>) dst(%arg22 : memref<16x144xf32, #tpu.memory_space<vmem>>)
      tpu.yield
    }) : () -> ()
    "tpu.region"() ({
      %run_scoped3A = tpu.sem_alloc : memref<!tpu.dma_semaphore, #tpu.memory_space<semaphore_mem>>
      %dma_start3A_183 = arith.constant 0 : i32
      %dma_start3A_184 = arith.constant 0 : i32
      %dma_start3A_185 = tpu.memref_slice %arg3[%dma_start3A_183, %dma_start3A_184] : memref<10240x16xf32, #tpu.memory_space<hbm>> -> memref<10240x16xf32, #tpu.memory_space<hbm>>
      tpu.enqueue_indirect_dma source(%dma_start3A_185 : memref<10240x16xf32, #tpu.memory_space<hbm>>) target(%arg23 : memref<16x16xf32, #tpu.memory_space<vmem>>) offsets(%arg21 : memref<16xi32, #tpu.memory_space<vmem>>) semaphore(%run_scoped3A : memref<!tpu.dma_semaphore, #tpu.memory_space<semaphore_mem>>)
      %dma_wait3A_186 = arith.constant 0 : i32
      %dma_wait3A_187 = arith.constant 0 : i32
      %dma_wait3A_188 = tpu.memref_slice %arg3[%dma_wait3A_186, %dma_wait3A_187] : memref<10240x16xf32, #tpu.memory_space<hbm>> -> memref<10240x16xf32, #tpu.memory_space<hbm>>
      tpu.wait_indirect_dma semaphore(%run_scoped3A : memref<!tpu.dma_semaphore, #tpu.memory_space<semaphore_mem>>) src(%dma_wait3A_188 : memref<10240x16xf32, #tpu.memory_space<hbm>>) dst(%arg23 : memref<16x16xf32, #tpu.memory_space<vmem>>)
      tpu.yield
    }) : () -> ()
    %scan3A_174 = arith.constant 0 : i32
    %scan3A_175 = arith.constant 16 : i32
    %scan3A_176 = arith.addi %scan3A_174, %scan3A_175 : i32
    %scan3A_177 = arith.constant 1 : i32
    scf.for %scan3A_183 = %scan3A_174 to %scan3A_176 step %scan3A_177  : i32 {
      %mul3A_184 = arith.constant 1 : i32
      %mul3A_185 = arith.muli %scan3A_183, %mul3A_184 : i32
      %add3A_186 = arith.constant 0 : i32
      %add3A_187 = arith.addi %add3A_186, %mul3A_185 : i32
      %get3A_188 = arith.index_cast %add3A_187 : i32 to index
      %get3A_189 = arith.constant 128 : index
      %get3A_190 = tpu.vector_load %arg22[%get3A_188, %get3A_189] {strides = array<i32>} : memref<16x144xf32, #tpu.memory_space<vmem>>, vector<16xf32>,
      %get3A_191 = arith.index_cast %add3A_187 : i32 to index
      %get3A_192 = arith.constant 0 : index
      %get3A_193 = tpu.vector_load %arg23[%get3A_191, %get3A_192] {strides = array<i32>} : memref<16x16xf32, #tpu.memory_space<vmem>>, vector<16xf32>,
      %add3A_194 = arith.addf %get3A_190, %get3A_193 : vector<16xf32>
      %get3A_195 = arith.index_cast %add3A_187 : i32 to index
      %get3A_196 = arith.constant 0 : index
      %get3A_197 = tpu.vector_load %arg22[%get3A_195, %get3A_196] {strides = array<i32>} : memref<16x144xf32, #tpu.memory_space<vmem>>, vector<16xf32>,
      %get3A_198 = arith.index_cast %add3A_187 : i32 to index
      %get3A_199 = arith.constant 16 : index
      %get3A_200 = tpu.vector_load %arg22[%get3A_198, %get3A_199] {strides = array<i32>} : memref<16x144xf32, #tpu.memory_space<vmem>>, vector<16xf32>,
      %get3A_201 = arith.index_cast %add3A_187 : i32 to index
      %get3A_202 = arith.constant 32 : index
      %get3A_203 = tpu.vector_load %arg22[%get3A_201, %get3A_202] {strides = array<i32>} : memref<16x144xf32, #tpu.memory_space<vmem>>, vector<16xf32>,
      %get3A_204 = arith.index_cast %add3A_187 : i32 to index
      %get3A_205 = arith.constant 48 : index
      %get3A_206 = tpu.vector_load %arg22[%get3A_204, %get3A_205] {strides = array<i32>} : memref<16x144xf32, #tpu.memory_space<vmem>>, vector<16xf32>,
      %get3A_207 = arith.index_cast %add3A_187 : i32 to index
      %get3A_208 = arith.constant 64 : index
      %get3A_209 = tpu.vector_load %arg22[%get3A_207, %get3A_208] {strides = array<i32>} : memref<16x144xf32, #tpu.memory_space<vmem>>, vector<16xf32>,
      %get3A_210 = arith.index_cast %add3A_187 : i32 to index
      %get3A_211 = arith.constant 80 : index
      %get3A_212 = tpu.vector_load %arg22[%get3A_210, %get3A_211] {strides = array<i32>} : memref<16x144xf32, #tpu.memory_space<vmem>>, vector<16xf32>,
      %get3A_213 = arith.index_cast %add3A_187 : i32 to index
      %get3A_214 = arith.constant 96 : index
      %get3A_215 = tpu.vector_load %arg22[%get3A_213, %get3A_214] {strides = array<i32>} : memref<16x144xf32, #tpu.memory_space<vmem>>, vector<16xf32>,
      %get3A_216 = arith.index_cast %add3A_187 : i32 to index
      %get3A_217 = arith.constant 112 : index
      %get3A_218 = tpu.vector_load %arg22[%get3A_216, %get3A_217] {strides = array<i32>} : memref<16x144xf32, #tpu.memory_space<vmem>>, vector<16xf32>,
      %mul3A_219 = arith.constant 2.000000e-01 : f32
      %mul3A_220 = vector.broadcast %mul3A_219 : f32 to vector<16xf32>
      %mul3A_221 = arith.mulf %mul3A_220, %add3A_194 : vector<16xf32>
      %max3A = arith.maximumf %add3A_194, %mul3A_221 : vector<16xf32>
      %sub3A = arith.subf %max3A, %get3A_3 : vector<16xf32>
      %exp3A = math.exp %sub3A : vector<16xf32>
      %swap3A_222 = arith.index_cast %add3A_187 : i32 to index
      %swap3A_223 = arith.constant 128 : index
      %swap3A_224 = tpu.vector_load %arg22[%swap3A_222, %swap3A_223] {strides = array<i32>} : memref<16x144xf32, #tpu.memory_space<vmem>>, vector<16xf32>,
      tpu.vector_store %arg22[%swap3A_222, %swap3A_223], %exp3A {strides = array<i32>} : memref<16x144xf32, #tpu.memory_space<vmem>>, vector<16xf32>,
      %gather3A = vector.shape_cast %broadcast_in_dim3A_9 : vector<16x1xi32> to vector<16xi32>
      %gather3A_225 = tpu.dynamic_gather %exp3A[%gather3A] in [0] : vector<16xf32>, vector<16xi32> -> vector<16xf32>
      %mul3A_226 = arith.mulf %get3A_197, %gather3A_225 : vector<16xf32>
      %gather3A_227 = vector.shape_cast %broadcast_in_dim3A_11 : vector<16x1xi32> to vector<16xi32>
      %gather3A_228 = tpu.dynamic_gather %exp3A[%gather3A_227] in [0] : vector<16xf32>, vector<16xi32> -> vector<16xf32>
      %mul3A_229 = arith.mulf %get3A_200, %gather3A_228 : vector<16xf32>
      %gather3A_230 = vector.shape_cast %broadcast_in_dim3A_13 : vector<16x1xi32> to vector<16xi32>
      %gather3A_231 = tpu.dynamic_gather %exp3A[%gather3A_230] in [0] : vector<16xf32>, vector<16xi32> -> vector<16xf32>
      %mul3A_232 = arith.mulf %get3A_203, %gather3A_231 : vector<16xf32>
      %gather3A_233 = vector.shape_cast %broadcast_in_dim3A_15 : vector<16x1xi32> to vector<16xi32>
      %gather3A_234 = tpu.dynamic_gather %exp3A[%gather3A_233] in [0] : vector<16xf32>, vector<16xi32> -> vector<16xf32>
      %mul3A_235 = arith.mulf %get3A_206, %gather3A_234 : vector<16xf32>
      %gather3A_236 = vector.shape_cast %broadcast_in_dim3A_17 : vector<16x1xi32> to vector<16xi32>
      %gather3A_237 = tpu.dynamic_gather %exp3A[%gather3A_236] in [0] : vector<16xf32>, vector<16xi32> -> vector<16xf32>
      %mul3A_238 = arith.mulf %get3A_209, %gather3A_237 : vector<16xf32>
      %gather3A_239 = vector.shape_cast %broadcast_in_dim3A_19 : vector<16x1xi32> to vector<16xi32>
      %gather3A_240 = tpu.dynamic_gather %exp3A[%gather3A_239] in [0] : vector<16xf32>, vector<16xi32> -> vector<16xf32>
      %mul3A_241 = arith.mulf %get3A_212, %gather3A_240 : vector<16xf32>
      %gather3A_242 = vector.shape_cast %broadcast_in_dim3A_21 : vector<16x1xi32> to vector<16xi32>
      %gather3A_243 = tpu.dynamic_gather %exp3A[%gather3A_242] in [0] : vector<16xf32>, vector<16xi32> -> vector<16xf32>
      %mul3A_244 = arith.mulf %get3A_215, %gather3A_243 : vector<16xf32>
      %gather3A_245 = vector.shape_cast %broadcast_in_dim3A_23 : vector<16x1xi32> to vector<16xi32>
      %gather3A_246 = tpu.dynamic_gather %exp3A[%gather3A_245] in [0] : vector<16xf32>, vector<16xi32> -> vector<16xf32>
      %mul3A_247 = arith.mulf %get3A_218, %gather3A_246 : vector<16xf32>
      %swap3A_248 = arith.index_cast %add3A_187 : i32 to index
      %swap3A_249 = arith.constant 0 : index
      %swap3A_250 = tpu.vector_load %arg22[%swap3A_248, %swap3A_249] {strides = array<i32>} : memref<16x144xf32, #tpu.memory_space<vmem>>, vector<16xf32>,
      tpu.vector_store %arg22[%swap3A_248, %swap3A_249], %mul3A_226 {strides = array<i32>} : memref<16x144xf32, #tpu.memory_space<vmem>>, vector<16xf32>,
      %swap3A_251 = arith.index_cast %add3A_187 : i32 to index
      %swap3A_252 = arith.constant 16 : index
      %swap3A_253 = tpu.vector_load %arg22[%swap3A_251, %swap3A_252] {strides = array<i32>} : memref<16x144xf32, #tpu.memory_space<vmem>>, vector<16xf32>,
      tpu.vector_store %arg22[%swap3A_251, %swap3A_252], %mul3A_229 {strides = array<i32>} : memref<16x144xf32, #tpu.memory_space<vmem>>, vector<16xf32>,
      %swap3A_254 = arith.index_cast %add3A_187 : i32 to index
      %swap3A_255 = arith.constant 32 : index
      %swap3A_256 = tpu.vector_load %arg22[%swap3A_254, %swap3A_255] {strides = array<i32>} : memref<16x144xf32, #tpu.memory_space<vmem>>, vector<16xf32>,
      tpu.vector_store %arg22[%swap3A_254, %swap3A_255], %mul3A_232 {strides = array<i32>} : memref<16x144xf32, #tpu.memory_space<vmem>>, vector<16xf32>,
      %swap3A_257 = arith.index_cast %add3A_187 : i32 to index
      %swap3A_258 = arith.constant 48 : index
      %swap3A_259 = tpu.vector_load %arg22[%swap3A_257, %swap3A_258] {strides = array<i32>} : memref<16x144xf32, #tpu.memory_space<vmem>>, vector<16xf32>,
      tpu.vector_store %arg22[%swap3A_257, %swap3A_258], %mul3A_235 {strides = array<i32>} : memref<16x144xf32, #tpu.memory_space<vmem>>, vector<16xf32>,
      %swap3A_260 = arith.index_cast %add3A_187 : i32 to index
      %swap3A_261 = arith.constant 64 : index
      %swap3A_262 = tpu.vector_load %arg22[%swap3A_260, %swap3A_261] {strides = array<i32>} : memref<16x144xf32, #tpu.memory_space<vmem>>, vector<16xf32>,
      tpu.vector_store %arg22[%swap3A_260, %swap3A_261], %mul3A_238 {strides = array<i32>} : memref<16x144xf32, #tpu.memory_space<vmem>>, vector<16xf32>,
      %swap3A_263 = arith.index_cast %add3A_187 : i32 to index
      %swap3A_264 = arith.constant 80 : index
      %swap3A_265 = tpu.vector_load %arg22[%swap3A_263, %swap3A_264] {strides = array<i32>} : memref<16x144xf32, #tpu.memory_space<vmem>>, vector<16xf32>,
      tpu.vector_store %arg22[%swap3A_263, %swap3A_264], %mul3A_241 {strides = array<i32>} : memref<16x144xf32, #tpu.memory_space<vmem>>, vector<16xf32>,
      %swap3A_266 = arith.index_cast %add3A_187 : i32 to index
      %swap3A_267 = arith.constant 96 : index
      %swap3A_268 = tpu.vector_load %arg22[%swap3A_266, %swap3A_267] {strides = array<i32>} : memref<16x144xf32, #tpu.memory_space<vmem>>, vector<16xf32>,
      tpu.vector_store %arg22[%swap3A_266, %swap3A_267], %mul3A_244 {strides = array<i32>} : memref<16x144xf32, #tpu.memory_space<vmem>>, vector<16xf32>,
      %swap3A_269 = arith.index_cast %add3A_187 : i32 to index
      %swap3A_270 = arith.constant 112 : index
      %swap3A_271 = tpu.vector_load %arg22[%swap3A_269, %swap3A_270] {strides = array<i32>} : memref<16x144xf32, #tpu.memory_space<vmem>>, vector<16xf32>,
      tpu.vector_store %arg22[%swap3A_269, %swap3A_270], %mul3A_247 {strides = array<i32>} : memref<16x144xf32, #tpu.memory_space<vmem>>, vector<16xf32>,
    }
    %scan3A_178 = arith.constant 16 : i32
    "tpu.region"() ({
      %run_scoped3A = tpu.sem_alloc : memref<!tpu.dma_semaphore, #tpu.memory_space<semaphore_mem>>
      %dma_start3A_183 = arith.constant 0 : i32
      %dma_start3A_184 = arith.constant 0 : i32
      %dma_start3A_185 = tpu.memref_slice %arg9[%dma_start3A_183, %dma_start3A_184] : memref<10240x144xf32, #tpu.memory_space<vmem_shared>> -> memref<10240x144xf32, #tpu.memory_space<vmem_shared>>
      tpu.enqueue_indirect_dma source(%arg22 : memref<16x144xf32, #tpu.memory_space<vmem>>) target(%dma_start3A_185 : memref<10240x144xf32, #tpu.memory_space<vmem_shared>>) offsets(%arg21 : memref<16xi32, #tpu.memory_space<vmem>>) semaphore(%run_scoped3A : memref<!tpu.dma_semaphore, #tpu.memory_space<semaphore_mem>>) {add = true}
      %dma_wait3A_186 = arith.constant 0 : i32
      %dma_wait3A_187 = arith.constant 0 : i32
      %dma_wait3A_188 = tpu.memref_slice %arg9[%dma_wait3A_186, %dma_wait3A_187] : memref<10240x144xf32, #tpu.memory_space<vmem_shared>> -> memref<10240x144xf32, #tpu.memory_space<vmem_shared>>
      tpu.wait_indirect_dma semaphore(%run_scoped3A : memref<!tpu.dma_semaphore, #tpu.memory_space<semaphore_mem>>) src(%arg22 : memref<16x144xf32, #tpu.memory_space<vmem>>) dst(%dma_wait3A_188 : memref<10240x144xf32, #tpu.memory_space<vmem_shared>>)
      tpu.yield
    }) : () -> ()
    %barrier3A_179 = arith.constant 0 : index
    tpu.barrier barrier_id(%barrier3A_179)
    %mul3A_180 = arith.constant 10240 : i32
    %mul3A_181 = arith.muli %arg0, %mul3A_180 : i32
    %add3A_182 = arith.addi %mul3A_181, %mul3A_0 : i32
    "tpu.region"() ({
      %run_scoped3A = tpu.sem_alloc : memref<!tpu.dma_semaphore, #tpu.memory_space<semaphore_mem>>
      %dma_start3A_183 = arith.constant 0 : i32
      %dma_start3A_184 = tpu.memref_slice %arg8[%add3A_182, %dma_start3A_183] : memref<20480x144xf32, #tpu.memory_space<hbm>> -> memref<640x144xf32, #tpu.memory_space<hbm>>
      %dma_start3A_185 = arith.constant 0 : i32
      %dma_start3A_186 = tpu.memref_slice %arg9[%mul3A_0, %dma_start3A_185] : memref<10240x144xf32, #tpu.memory_space<vmem_shared>> -> memref<640x144xf32, #tpu.memory_space<vmem_shared>>
      tpu.enqueue_dma source(%dma_start3A_186 : memref<640x144xf32, #tpu.memory_space<vmem_shared>>) target(%dma_start3A_184 : memref<640x144xf32, #tpu.memory_space<hbm>>) target_semaphore(%run_scoped3A : memref<!tpu.dma_semaphore, #tpu.memory_space<semaphore_mem>>)
      %dma_wait3A_187 = arith.constant 0 : i32
      %dma_wait3A_188 = tpu.memref_slice %arg8[%add3A_182, %dma_wait3A_187] : memref<20480x144xf32, #tpu.memory_space<hbm>> -> memref<640x144xf32, #tpu.memory_space<hbm>>
      %dma_wait3A_189 = arith.constant 0 : i32
      %dma_wait3A_190 = tpu.memref_slice %arg9[%mul3A_0, %dma_wait3A_189] : memref<10240x144xf32, #tpu.memory_space<vmem_shared>> -> memref<640x144xf32, #tpu.memory_space<vmem_shared>>
      tpu.wait_dma2 semaphore(%run_scoped3A : memref<!tpu.dma_semaphore, #tpu.memory_space<semaphore_mem>>) src(%dma_wait3A_190 : memref<640x144xf32, #tpu.memory_space<vmem_shared>>) dst(%dma_wait3A_188 : memref<640x144xf32, #tpu.memory_space<hbm>>)
      tpu.yield
    }) : () -> ()
    return
  }
}

#map = affine_map<(d0, d1) -> (0, 0)>
#map1 = affine_map<(d0, d1) -> (0)>
module attributes {stable_mosaic.version = 14 : i64} {
  func.func @body(%arg0: i32, %arg1: i32, %arg2: memref<10240x80xf32, #tpu.memory_space<hbm>>, %arg3: memref<10240x16xf32, #tpu.memory_space<hbm>>, %arg4: memref<16xf32, #tpu.memory_space<hbm>>, %arg5: memref<320000xi32, #tpu.memory_space<hbm>>, %arg6: memref<320000xi32, #tpu.memory_space<hbm>>, %arg7: memref<20480x80xf32, #tpu.memory_space<hbm>>, %arg8: memref<20480x80xf32, #tpu.memory_space<hbm>>, %arg9: memref<10240x80xf32, #tpu.memory_space<vmem_shared>>, %arg10: memref<128xi32, #tpu.memory_space<vmem>>, %arg11: memref<128xi32, #tpu.memory_space<vmem>>, %arg12: memref<128xi32, #tpu.memory_space<vmem>>, %arg13: memref<128x80xf32, #tpu.memory_space<vmem>>, %arg14: memref<128x16xf32, #tpu.memory_space<vmem>>, %arg15: memref<128xi32, #tpu.memory_space<vmem>>, %arg16: memref<128xi32, #tpu.memory_space<vmem>>, %arg17: memref<128xi32, #tpu.memory_space<vmem>>, %arg18: memref<128x80xf32, #tpu.memory_space<vmem>>, %arg19: memref<128x16xf32, #tpu.memory_space<vmem>>, %arg20: memref<16xi32, #tpu.memory_space<vmem>>, %arg21: memref<16xi32, #tpu.memory_space<vmem>>, %arg22: memref<16x80xf32, #tpu.memory_space<vmem>>, %arg23: memref<16x16xf32, #tpu.memory_space<vmem>>, %arg24: memref<16xf32, #tpu.memory_space<vmem>>, %arg25: memref<!tpu.dma_semaphore, #tpu.memory_space<semaphore_mem>>, %arg26: memref<!tpu.dma_semaphore, #tpu.memory_space<semaphore_mem>>, %arg27: memref<!tpu.dma_semaphore, #tpu.memory_space<semaphore_mem>>, %arg28: memref<!tpu.dma_semaphore, #tpu.memory_space<semaphore_mem>>, %arg29: memref<!tpu.dma_semaphore, #tpu.memory_space<semaphore_mem>>, %arg30: memref<!tpu.dma_semaphore, #tpu.memory_space<semaphore_mem>>, %arg31: memref<!tpu.dma_semaphore, #tpu.memory_space<semaphore_mem>>, %arg32: memref<!tpu.dma_semaphore, #tpu.memory_space<semaphore_mem>>, %arg33: memref<!tpu.dma_semaphore, #tpu.memory_space<semaphore_mem>>, %arg34: memref<!tpu.dma_semaphore, #tpu.memory_space<semaphore_mem>>) attributes {dimension_semantics = [#tpu.dimension_semantics<core_parallel>, #tpu.dimension_semantics<subcore_parallel>], iteration_bounds = array<i64: 2, 16>, scalar_prefetch = 0 : i64, scratch_operands = 26 : i64, tpu.core_type = #tpu.core_type<sc_vector_subcore>, window_params = [{transform_indices = #map}, {transform_indices = #map}, {transform_indices = #map1}, {transform_indices = #map1}, {transform_indices = #map1}, {transform_indices = #map}, {transform_indices = #map}]} {
    %mul3A = arith.constant 640 : i32
    %mul3A_0 = arith.muli %arg1, %mul3A : i32
    %mul3A_1 = arith.constant 10240 : i32
    %mul3A_2 = arith.muli %arg0, %mul3A_1 : i32
    %add3A = arith.addi %mul3A_2, %mul3A_0 : i32
    "tpu.region"() ({
      %run_scoped3A = tpu.sem_alloc : memref<!tpu.dma_semaphore, #tpu.memory_space<semaphore_mem>>
      %dma_start3A_191 = arith.constant 0 : i32
      %dma_start3A_192 = tpu.memref_slice %arg9[%mul3A_0, %dma_start3A_191] : memref<10240x80xf32, #tpu.memory_space<vmem_shared>> -> memref<640x80xf32, #tpu.memory_space<vmem_shared>>
      %dma_start3A_193 = arith.constant 0 : i32
      %dma_start3A_194 = tpu.memref_slice %arg7[%add3A, %dma_start3A_193] : memref<20480x80xf32, #tpu.memory_space<hbm>> -> memref<640x80xf32, #tpu.memory_space<hbm>>
      tpu.enqueue_dma source(%dma_start3A_194 : memref<640x80xf32, #tpu.memory_space<hbm>>) target(%dma_start3A_192 : memref<640x80xf32, #tpu.memory_space<vmem_shared>>) target_semaphore(%run_scoped3A : memref<!tpu.dma_semaphore, #tpu.memory_space<semaphore_mem>>)
      %dma_wait3A_195 = arith.constant 0 : i32
      %dma_wait3A_196 = tpu.memref_slice %arg9[%mul3A_0, %dma_wait3A_195] : memref<10240x80xf32, #tpu.memory_space<vmem_shared>> -> memref<640x80xf32, #tpu.memory_space<vmem_shared>>
      %dma_wait3A_197 = arith.constant 0 : i32
      %dma_wait3A_198 = tpu.memref_slice %arg7[%add3A, %dma_wait3A_197] : memref<20480x80xf32, #tpu.memory_space<hbm>> -> memref<640x80xf32, #tpu.memory_space<hbm>>
      tpu.wait_dma2 semaphore(%run_scoped3A : memref<!tpu.dma_semaphore, #tpu.memory_space<semaphore_mem>>) src(%dma_wait3A_198 : memref<640x80xf32, #tpu.memory_space<hbm>>) dst(%dma_wait3A_196 : memref<640x80xf32, #tpu.memory_space<vmem_shared>>)
      tpu.yield
    }) : () -> ()
    "tpu.region"() ({
      %run_scoped3A = tpu.sem_alloc : memref<!tpu.dma_semaphore, #tpu.memory_space<semaphore_mem>>
      tpu.enqueue_dma source(%arg4 : memref<16xf32, #tpu.memory_space<hbm>>) target(%arg24 : memref<16xf32, #tpu.memory_space<vmem>>) target_semaphore(%run_scoped3A : memref<!tpu.dma_semaphore, #tpu.memory_space<semaphore_mem>>)
      tpu.wait_dma2 semaphore(%run_scoped3A : memref<!tpu.dma_semaphore, #tpu.memory_space<semaphore_mem>>) src(%arg4 : memref<16xf32, #tpu.memory_space<hbm>>) dst(%arg24 : memref<16xf32, #tpu.memory_space<vmem>>)
      tpu.yield
    }) : () -> ()
    %barrier3A = arith.constant 0 : index
    tpu.barrier barrier_id(%barrier3A)
    %get3A = arith.constant 0 : index
    %get3A_3 = tpu.vector_load %arg24[%get3A] {strides = array<i32>} : memref<16xf32, #tpu.memory_space<vmem>>, vector<16xf32>,
    %mul3A_4 = arith.constant 16 : i32
    %mul3A_5 = arith.muli %arg0, %mul3A_4 : i32
    %add3A_6 = arith.addi %mul3A_5, %arg1 : i32
    %mul3A_7 = arith.constant 10000 : i32
    %mul3A_8 = arith.muli %add3A_6, %mul3A_7 : i32
    %broadcast_in_dim3A = arith.constant 0 : i32
    %broadcast_in_dim3A_9 = vector.broadcast %broadcast_in_dim3A : i32 to vector<16x1xi32>
    %broadcast_in_dim3A_10 = arith.constant 0 : i32
    %broadcast_in_dim3A_11 = vector.broadcast %broadcast_in_dim3A_10 : i32 to vector<16x1xi32>
    %broadcast_in_dim3A_12 = arith.constant 0 : i32
    %broadcast_in_dim3A_13 = vector.broadcast %broadcast_in_dim3A_12 : i32 to vector<16x1xi32>
    %broadcast_in_dim3A_14 = arith.constant 0 : i32
    %broadcast_in_dim3A_15 = vector.broadcast %broadcast_in_dim3A_14 : i32 to vector<16x1xi32>
    %min3A = arith.constant 0 : i32
    %min3A_16 = arith.constant 77 : i32
    %min3A_17 = arith.minsi %min3A, %min3A_16 : i32
    %mul3A_18 = arith.constant 128 : i32
    %mul3A_19 = arith.muli %min3A_17, %mul3A_18 : i32
    %add3A_20 = arith.addi %mul3A_8, %mul3A_19 : i32
    %dma_start3A = tpu.memref_slice %arg5[%add3A_20] : memref<320000xi32, #tpu.memory_space<hbm>> -> memref<128xi32, #tpu.memory_space<hbm>>
    %dma_start3A_21 = tpu.memref_slice %arg5[%add3A_20] : memref<320000xi32, #tpu.memory_space<hbm>> -> memref<128xi32, #tpu.memory_space<hbm>>
    tpu.enqueue_dma source(%dma_start3A_21 : memref<128xi32, #tpu.memory_space<hbm>>) target(%arg10 : memref<128xi32, #tpu.memory_space<vmem>>) target_semaphore(%arg25 : memref<!tpu.dma_semaphore, #tpu.memory_space<semaphore_mem>>)
    %dma_start3A_22 = tpu.memref_slice %arg6[%add3A_20] : memref<320000xi32, #tpu.memory_space<hbm>> -> memref<128xi32, #tpu.memory_space<hbm>>
    %dma_start3A_23 = tpu.memref_slice %arg6[%add3A_20] : memref<320000xi32, #tpu.memory_space<hbm>> -> memref<128xi32, #tpu.memory_space<hbm>>
    tpu.enqueue_dma source(%dma_start3A_23 : memref<128xi32, #tpu.memory_space<hbm>>) target(%arg11 : memref<128xi32, #tpu.memory_space<vmem>>) target_semaphore(%arg26 : memref<!tpu.dma_semaphore, #tpu.memory_space<semaphore_mem>>)
    %dma_wait3A = arith.constant 0 : i32
    %dma_wait3A_24 = tpu.memref_slice %arg5[%dma_wait3A] : memref<320000xi32, #tpu.memory_space<hbm>> -> memref<128xi32, #tpu.memory_space<hbm>>
    %dma_wait3A_25 = arith.constant 0 : i32
    %dma_wait3A_26 = tpu.memref_slice %arg5[%dma_wait3A_25] : memref<320000xi32, #tpu.memory_space<hbm>> -> memref<128xi32, #tpu.memory_space<hbm>>
    tpu.wait_dma2 semaphore(%arg25 : memref<!tpu.dma_semaphore, #tpu.memory_space<semaphore_mem>>) src(%dma_wait3A_26 : memref<128xi32, #tpu.memory_space<hbm>>) dst(%arg10 : memref<128xi32, #tpu.memory_space<vmem>>)
    %dma_wait3A_27 = arith.constant 0 : i32
    %dma_wait3A_28 = tpu.memref_slice %arg6[%dma_wait3A_27] : memref<320000xi32, #tpu.memory_space<hbm>> -> memref<128xi32, #tpu.memory_space<hbm>>
    %dma_wait3A_29 = arith.constant 0 : i32
    %dma_wait3A_30 = tpu.memref_slice %arg6[%dma_wait3A_29] : memref<320000xi32, #tpu.memory_space<hbm>> -> memref<128xi32, #tpu.memory_space<hbm>>
    tpu.wait_dma2 semaphore(%arg26 : memref<!tpu.dma_semaphore, #tpu.memory_space<semaphore_mem>>) src(%dma_wait3A_30 : memref<128xi32, #tpu.memory_space<hbm>>) dst(%arg11 : memref<128xi32, #tpu.memory_space<vmem>>)
    %dma_start3A_31 = arith.constant 0 : i32
    %dma_start3A_32 = arith.constant 0 : i32
    %dma_start3A_33 = tpu.memref_slice %arg2[%dma_start3A_31, %dma_start3A_32] : memref<10240x80xf32, #tpu.memory_space<hbm>> -> memref<10240x80xf32, #tpu.memory_space<hbm>>
    tpu.enqueue_indirect_dma source(%dma_start3A_33 : memref<10240x80xf32, #tpu.memory_space<hbm>>) target(%arg13 : memref<128x80xf32, #tpu.memory_space<vmem>>) offsets(%arg10 : memref<128xi32, #tpu.memory_space<vmem>>) semaphore(%arg27 : memref<!tpu.dma_semaphore, #tpu.memory_space<semaphore_mem>>)
    %dma_start3A_34 = arith.constant 0 : i32
    %dma_start3A_35 = arith.constant 0 : i32
    %dma_start3A_36 = tpu.memref_slice %arg3[%dma_start3A_34, %dma_start3A_35] : memref<10240x16xf32, #tpu.memory_space<hbm>> -> memref<10240x16xf32, #tpu.memory_space<hbm>>
    tpu.enqueue_indirect_dma source(%dma_start3A_36 : memref<10240x16xf32, #tpu.memory_space<hbm>>) target(%arg14 : memref<128x16xf32, #tpu.memory_space<vmem>>) offsets(%arg11 : memref<128xi32, #tpu.memory_space<vmem>>) semaphore(%arg28 : memref<!tpu.dma_semaphore, #tpu.memory_space<semaphore_mem>>)
    %min3A_37 = arith.constant 1 : i32
    %min3A_38 = arith.constant 77 : i32
    %min3A_39 = arith.minsi %min3A_37, %min3A_38 : i32
    %mul3A_40 = arith.constant 128 : i32
    %mul3A_41 = arith.muli %min3A_39, %mul3A_40 : i32
    %add3A_42 = arith.addi %mul3A_8, %mul3A_41 : i32
    %dma_start3A_43 = tpu.memref_slice %arg5[%add3A_42] : memref<320000xi32, #tpu.memory_space<hbm>> -> memref<128xi32, #tpu.memory_space<hbm>>
    %dma_start3A_44 = tpu.memref_slice %arg5[%add3A_42] : memref<320000xi32, #tpu.memory_space<hbm>> -> memref<128xi32, #tpu.memory_space<hbm>>
    tpu.enqueue_dma source(%dma_start3A_44 : memref<128xi32, #tpu.memory_space<hbm>>) target(%arg15 : memref<128xi32, #tpu.memory_space<vmem>>) target_semaphore(%arg30 : memref<!tpu.dma_semaphore, #tpu.memory_space<semaphore_mem>>)
    %dma_start3A_45 = tpu.memref_slice %arg6[%add3A_42] : memref<320000xi32, #tpu.memory_space<hbm>> -> memref<128xi32, #tpu.memory_space<hbm>>
    %dma_start3A_46 = tpu.memref_slice %arg6[%add3A_42] : memref<320000xi32, #tpu.memory_space<hbm>> -> memref<128xi32, #tpu.memory_space<hbm>>
    tpu.enqueue_dma source(%dma_start3A_46 : memref<128xi32, #tpu.memory_space<hbm>>) target(%arg16 : memref<128xi32, #tpu.memory_space<vmem>>) target_semaphore(%arg31 : memref<!tpu.dma_semaphore, #tpu.memory_space<semaphore_mem>>)
    %dma_wait3A_47 = arith.constant 0 : i32
    %dma_wait3A_48 = arith.constant 0 : i32
    %dma_wait3A_49 = tpu.memref_slice %arg2[%dma_wait3A_47, %dma_wait3A_48] : memref<10240x80xf32, #tpu.memory_space<hbm>> -> memref<10240x80xf32, #tpu.memory_space<hbm>>
    tpu.wait_indirect_dma semaphore(%arg27 : memref<!tpu.dma_semaphore, #tpu.memory_space<semaphore_mem>>) src(%dma_wait3A_49 : memref<10240x80xf32, #tpu.memory_space<hbm>>) dst(%arg13 : memref<128x80xf32, #tpu.memory_space<vmem>>)
    %dma_wait3A_50 = arith.constant 0 : i32
    %dma_wait3A_51 = arith.constant 0 : i32
    %dma_wait3A_52 = tpu.memref_slice %arg3[%dma_wait3A_50, %dma_wait3A_51] : memref<10240x16xf32, #tpu.memory_space<hbm>> -> memref<10240x16xf32, #tpu.memory_space<hbm>>
    tpu.wait_indirect_dma semaphore(%arg28 : memref<!tpu.dma_semaphore, #tpu.memory_space<semaphore_mem>>) src(%dma_wait3A_52 : memref<10240x16xf32, #tpu.memory_space<hbm>>) dst(%arg14 : memref<128x16xf32, #tpu.memory_space<vmem>>)
    %get3A_53 = arith.constant 0 : index
    %get3A_54 = tpu.vector_load %arg11[%get3A_53] {strides = array<i32>} : memref<128xi32, #tpu.memory_space<vmem>>, vector<16xi32>,
    %swap3A = arith.constant 0 : index
    %swap3A_55 = tpu.vector_load %arg12[%swap3A] {strides = array<i32>} : memref<128xi32, #tpu.memory_space<vmem>>, vector<16xi32>,
    tpu.vector_store %arg12[%swap3A], %get3A_54 {strides = array<i32>} : memref<128xi32, #tpu.memory_space<vmem>>, vector<16xi32>,
    %get3A_56 = arith.constant 16 : index
    %get3A_57 = tpu.vector_load %arg11[%get3A_56] {strides = array<i32>} : memref<128xi32, #tpu.memory_space<vmem>>, vector<16xi32>,
    %swap3A_58 = arith.constant 16 : index
    %swap3A_59 = tpu.vector_load %arg12[%swap3A_58] {strides = array<i32>} : memref<128xi32, #tpu.memory_space<vmem>>, vector<16xi32>,
    tpu.vector_store %arg12[%swap3A_58], %get3A_57 {strides = array<i32>} : memref<128xi32, #tpu.memory_space<vmem>>, vector<16xi32>,
    %get3A_60 = arith.constant 32 : index
    %get3A_61 = tpu.vector_load %arg11[%get3A_60] {strides = array<i32>} : memref<128xi32, #tpu.memory_space<vmem>>, vector<16xi32>,
    %swap3A_62 = arith.constant 32 : index
    %swap3A_63 = tpu.vector_load %arg12[%swap3A_62] {strides = array<i32>} : memref<128xi32, #tpu.memory_space<vmem>>, vector<16xi32>,
    tpu.vector_store %arg12[%swap3A_62], %get3A_61 {strides = array<i32>} : memref<128xi32, #tpu.memory_space<vmem>>, vector<16xi32>,
    %get3A_64 = arith.constant 48 : index
    %get3A_65 = tpu.vector_load %arg11[%get3A_64] {strides = array<i32>} : memref<128xi32, #tpu.memory_space<vmem>>, vector<16xi32>,
    %swap3A_66 = arith.constant 48 : index
    %swap3A_67 = tpu.vector_load %arg12[%swap3A_66] {strides = array<i32>} : memref<128xi32, #tpu.memory_space<vmem>>, vector<16xi32>,
    tpu.vector_store %arg12[%swap3A_66], %get3A_65 {strides = array<i32>} : memref<128xi32, #tpu.memory_space<vmem>>, vector<16xi32>,
    %get3A_68 = arith.constant 64 : index
    %get3A_69 = tpu.vector_load %arg11[%get3A_68] {strides = array<i32>} : memref<128xi32, #tpu.memory_space<vmem>>, vector<16xi32>,
    %swap3A_70 = arith.constant 64 : index
    %swap3A_71 = tpu.vector_load %arg12[%swap3A_70] {strides = array<i32>} : memref<128xi32, #tpu.memory_space<vmem>>, vector<16xi32>,
    tpu.vector_store %arg12[%swap3A_70], %get3A_69 {strides = array<i32>} : memref<128xi32, #tpu.memory_space<vmem>>, vector<16xi32>,
    %get3A_72 = arith.constant 80 : index
    %get3A_73 = tpu.vector_load %arg11[%get3A_72] {strides = array<i32>} : memref<128xi32, #tpu.memory_space<vmem>>, vector<16xi32>,
    %swap3A_74 = arith.constant 80 : index
    %swap3A_75 = tpu.vector_load %arg12[%swap3A_74] {strides = array<i32>} : memref<128xi32, #tpu.memory_space<vmem>>, vector<16xi32>,
    tpu.vector_store %arg12[%swap3A_74], %get3A_73 {strides = array<i32>} : memref<128xi32, #tpu.memory_space<vmem>>, vector<16xi32>,
    %get3A_76 = arith.constant 96 : index
    %get3A_77 = tpu.vector_load %arg11[%get3A_76] {strides = array<i32>} : memref<128xi32, #tpu.memory_space<vmem>>, vector<16xi32>,
    %swap3A_78 = arith.constant 96 : index
    %swap3A_79 = tpu.vector_load %arg12[%swap3A_78] {strides = array<i32>} : memref<128xi32, #tpu.memory_space<vmem>>, vector<16xi32>,
    tpu.vector_store %arg12[%swap3A_78], %get3A_77 {strides = array<i32>} : memref<128xi32, #tpu.memory_space<vmem>>, vector<16xi32>,
    %get3A_80 = arith.constant 112 : index
    %get3A_81 = tpu.vector_load %arg11[%get3A_80] {strides = array<i32>} : memref<128xi32, #tpu.memory_space<vmem>>, vector<16xi32>,
    %swap3A_82 = arith.constant 112 : index
    %swap3A_83 = tpu.vector_load %arg12[%swap3A_82] {strides = array<i32>} : memref<128xi32, #tpu.memory_space<vmem>>, vector<16xi32>,
    tpu.vector_store %arg12[%swap3A_82], %get3A_81 {strides = array<i32>} : memref<128xi32, #tpu.memory_space<vmem>>, vector<16xi32>,
    %scan3A = arith.constant 0 : i32
    %scan3A_84 = arith.constant 128 : i32
    %scan3A_85 = arith.addi %scan3A, %scan3A_84 : i32
    %scan3A_86 = arith.constant 1 : i32
    scf.for %scan3A_191 = %scan3A to %scan3A_85 step %scan3A_86  : i32 {
      %mul3A_192 = arith.constant 1 : i32
      %mul3A_193 = arith.muli %scan3A_191, %mul3A_192 : i32
      %add3A_194 = arith.constant 0 : i32
      %add3A_195 = arith.addi %add3A_194, %mul3A_193 : i32
      %get3A_196 = arith.index_cast %add3A_195 : i32 to index
      %get3A_197 = arith.constant 64 : index
      %get3A_198 = tpu.vector_load %arg13[%get3A_196, %get3A_197] {strides = array<i32>} : memref<128x80xf32, #tpu.memory_space<vmem>>, vector<16xf32>,
      %get3A_199 = arith.index_cast %add3A_195 : i32 to index
      %get3A_200 = arith.constant 0 : index
      %get3A_201 = tpu.vector_load %arg14[%get3A_199, %get3A_200] {strides = array<i32>} : memref<128x16xf32, #tpu.memory_space<vmem>>, vector<16xf32>,
      %add3A_202 = arith.addf %get3A_198, %get3A_201 : vector<16xf32>
      %get3A_203 = arith.index_cast %add3A_195 : i32 to index
      %get3A_204 = arith.constant 0 : index
      %get3A_205 = tpu.vector_load %arg13[%get3A_203, %get3A_204] {strides = array<i32>} : memref<128x80xf32, #tpu.memory_space<vmem>>, vector<16xf32>,
      %get3A_206 = arith.index_cast %add3A_195 : i32 to index
      %get3A_207 = arith.constant 16 : index
      %get3A_208 = tpu.vector_load %arg13[%get3A_206, %get3A_207] {strides = array<i32>} : memref<128x80xf32, #tpu.memory_space<vmem>>, vector<16xf32>,
      %get3A_209 = arith.index_cast %add3A_195 : i32 to index
      %get3A_210 = arith.constant 32 : index
      %get3A_211 = tpu.vector_load %arg13[%get3A_209, %get3A_210] {strides = array<i32>} : memref<128x80xf32, #tpu.memory_space<vmem>>, vector<16xf32>,
      %get3A_212 = arith.index_cast %add3A_195 : i32 to index
      %get3A_213 = arith.constant 48 : index
      %get3A_214 = tpu.vector_load %arg13[%get3A_212, %get3A_213] {strides = array<i32>} : memref<128x80xf32, #tpu.memory_space<vmem>>, vector<16xf32>,
      %mul3A_215 = arith.constant 2.000000e-01 : f32
      %mul3A_216 = vector.broadcast %mul3A_215 : f32 to vector<16xf32>
      %mul3A_217 = arith.mulf %mul3A_216, %add3A_202 : vector<16xf32>
      %max3A = arith.maximumf %add3A_202, %mul3A_217 : vector<16xf32>
      %sub3A = arith.subf %max3A, %get3A_3 : vector<16xf32>
      %exp3A = math.exp %sub3A : vector<16xf32>
      %swap3A_218 = arith.index_cast %add3A_195 : i32 to index
      %swap3A_219 = arith.constant 64 : index
      %swap3A_220 = tpu.vector_load %arg13[%swap3A_218, %swap3A_219] {strides = array<i32>} : memref<128x80xf32, #tpu.memory_space<vmem>>, vector<16xf32>,
      tpu.vector_store %arg13[%swap3A_218, %swap3A_219], %exp3A {strides = array<i32>} : memref<128x80xf32, #tpu.memory_space<vmem>>, vector<16xf32>,
      %gather3A = vector.shape_cast %broadcast_in_dim3A_9 : vector<16x1xi32> to vector<16xi32>
      %gather3A_221 = tpu.dynamic_gather %exp3A[%gather3A] in [0] : vector<16xf32>, vector<16xi32> -> vector<16xf32>
      %mul3A_222 = arith.mulf %get3A_205, %gather3A_221 : vector<16xf32>
      %gather3A_223 = vector.shape_cast %broadcast_in_dim3A_11 : vector<16x1xi32> to vector<16xi32>
      %gather3A_224 = tpu.dynamic_gather %exp3A[%gather3A_223] in [0] : vector<16xf32>, vector<16xi32> -> vector<16xf32>
      %mul3A_225 = arith.mulf %get3A_208, %gather3A_224 : vector<16xf32>
      %gather3A_226 = vector.shape_cast %broadcast_in_dim3A_13 : vector<16x1xi32> to vector<16xi32>
      %gather3A_227 = tpu.dynamic_gather %exp3A[%gather3A_226] in [0] : vector<16xf32>, vector<16xi32> -> vector<16xf32>
      %mul3A_228 = arith.mulf %get3A_211, %gather3A_227 : vector<16xf32>
      %gather3A_229 = vector.shape_cast %broadcast_in_dim3A_15 : vector<16x1xi32> to vector<16xi32>
      %gather3A_230 = tpu.dynamic_gather %exp3A[%gather3A_229] in [0] : vector<16xf32>, vector<16xi32> -> vector<16xf32>
      %mul3A_231 = arith.mulf %get3A_214, %gather3A_230 : vector<16xf32>
      %swap3A_232 = arith.index_cast %add3A_195 : i32 to index
      %swap3A_233 = arith.constant 0 : index
      %swap3A_234 = tpu.vector_load %arg13[%swap3A_232, %swap3A_233] {strides = array<i32>} : memref<128x80xf32, #tpu.memory_space<vmem>>, vector<16xf32>,
      tpu.vector_store %arg13[%swap3A_232, %swap3A_233], %mul3A_222 {strides = array<i32>} : memref<128x80xf32, #tpu.memory_space<vmem>>, vector<16xf32>,
      %swap3A_235 = arith.index_cast %add3A_195 : i32 to index
      %swap3A_236 = arith.constant 16 : index
      %swap3A_237 = tpu.vector_load %arg13[%swap3A_235, %swap3A_236] {strides = array<i32>} : memref<128x80xf32, #tpu.memory_space<vmem>>, vector<16xf32>,
      tpu.vector_store %arg13[%swap3A_235, %swap3A_236], %mul3A_225 {strides = array<i32>} : memref<128x80xf32, #tpu.memory_space<vmem>>, vector<16xf32>,
      %swap3A_238 = arith.index_cast %add3A_195 : i32 to index
      %swap3A_239 = arith.constant 32 : index
      %swap3A_240 = tpu.vector_load %arg13[%swap3A_238, %swap3A_239] {strides = array<i32>} : memref<128x80xf32, #tpu.memory_space<vmem>>, vector<16xf32>,
      tpu.vector_store %arg13[%swap3A_238, %swap3A_239], %mul3A_228 {strides = array<i32>} : memref<128x80xf32, #tpu.memory_space<vmem>>, vector<16xf32>,
      %swap3A_241 = arith.index_cast %add3A_195 : i32 to index
      %swap3A_242 = arith.constant 48 : index
      %swap3A_243 = tpu.vector_load %arg13[%swap3A_241, %swap3A_242] {strides = array<i32>} : memref<128x80xf32, #tpu.memory_space<vmem>>, vector<16xf32>,
      tpu.vector_store %arg13[%swap3A_241, %swap3A_242], %mul3A_231 {strides = array<i32>} : memref<128x80xf32, #tpu.memory_space<vmem>>, vector<16xf32>,
    }
    %scan3A_87 = arith.constant 128 : i32
    %dma_start3A_88 = arith.constant 0 : i32
    %dma_start3A_89 = arith.constant 0 : i32
    %dma_start3A_90 = tpu.memref_slice %arg9[%dma_start3A_88, %dma_start3A_89] : memref<10240x80xf32, #tpu.memory_space<vmem_shared>> -> memref<10240x80xf32, #tpu.memory_space<vmem_shared>>
    tpu.enqueue_indirect_dma source(%arg13 : memref<128x80xf32, #tpu.memory_space<vmem>>) target(%dma_start3A_90 : memref<10240x80xf32, #tpu.memory_space<vmem_shared>>) offsets(%arg12 : memref<128xi32, #tpu.memory_space<vmem>>) semaphore(%arg29 : memref<!tpu.dma_semaphore, #tpu.memory_space<semaphore_mem>>) {add = true}
    %dma_wait3A_91 = arith.constant 0 : i32
    %dma_wait3A_92 = tpu.memref_slice %arg5[%dma_wait3A_91] : memref<320000xi32, #tpu.memory_space<hbm>> -> memref<128xi32, #tpu.memory_space<hbm>>
    %dma_wait3A_93 = arith.constant 0 : i32
    %dma_wait3A_94 = tpu.memref_slice %arg5[%dma_wait3A_93] : memref<320000xi32, #tpu.memory_space<hbm>> -> memref<128xi32, #tpu.memory_space<hbm>>
    tpu.wait_dma2 semaphore(%arg30 : memref<!tpu.dma_semaphore, #tpu.memory_space<semaphore_mem>>) src(%dma_wait3A_94 : memref<128xi32, #tpu.memory_space<hbm>>) dst(%arg15 : memref<128xi32, #tpu.memory_space<vmem>>)
    %dma_wait3A_95 = arith.constant 0 : i32
    %dma_wait3A_96 = tpu.memref_slice %arg6[%dma_wait3A_95] : memref<320000xi32, #tpu.memory_space<hbm>> -> memref<128xi32, #tpu.memory_space<hbm>>
    %dma_wait3A_97 = arith.constant 0 : i32
    %dma_wait3A_98 = tpu.memref_slice %arg6[%dma_wait3A_97] : memref<320000xi32, #tpu.memory_space<hbm>> -> memref<128xi32, #tpu.memory_space<hbm>>
    tpu.wait_dma2 semaphore(%arg31 : memref<!tpu.dma_semaphore, #tpu.memory_space<semaphore_mem>>) src(%dma_wait3A_98 : memref<128xi32, #tpu.memory_space<hbm>>) dst(%arg16 : memref<128xi32, #tpu.memory_space<vmem>>)
    %dma_start3A_99 = arith.constant 0 : i32
    %dma_start3A_100 = arith.constant 0 : i32
    %dma_start3A_101 = tpu.memref_slice %arg2[%dma_start3A_99, %dma_start3A_100] : memref<10240x80xf32, #tpu.memory_space<hbm>> -> memref<10240x80xf32, #tpu.memory_space<hbm>>
    tpu.enqueue_indirect_dma source(%dma_start3A_101 : memref<10240x80xf32, #tpu.memory_space<hbm>>) target(%arg18 : memref<128x80xf32, #tpu.memory_space<vmem>>) offsets(%arg15 : memref<128xi32, #tpu.memory_space<vmem>>) semaphore(%arg32 : memref<!tpu.dma_semaphore, #tpu.memory_space<semaphore_mem>>)
    %dma_start3A_102 = arith.constant 0 : i32
    %dma_start3A_103 = arith.constant 0 : i32
    %dma_start3A_104 = tpu.memref_slice %arg3[%dma_start3A_102, %dma_start3A_103] : memref<10240x16xf32, #tpu.memory_space<hbm>> -> memref<10240x16xf32, #tpu.memory_space<hbm>>
    tpu.enqueue_indirect_dma source(%dma_start3A_104 : memref<10240x16xf32, #tpu.memory_space<hbm>>) target(%arg19 : memref<128x16xf32, #tpu.memory_space<vmem>>) offsets(%arg16 : memref<128xi32, #tpu.memory_space<vmem>>) semaphore(%arg33 : memref<!tpu.dma_semaphore, #tpu.memory_space<semaphore_mem>>)
    %min3A_105 = arith.constant 2 : i32
    %min3A_106 = arith.constant 77 : i32
    %min3A_107 = arith.minsi %min3A_105, %min3A_106 : i32
    %mul3A_108 = arith.constant 128 : i32
    %mul3A_109 = arith.muli %min3A_107, %mul3A_108 : i32
    %add3A_110 = arith.addi %mul3A_8, %mul3A_109 : i32
    %dma_start3A_111 = tpu.memref_slice %arg5[%add3A_110] : memref<320000xi32, #tpu.memory_space<hbm>> -> memref<128xi32, #tpu.memory_space<hbm>>
    %dma_start3A_112 = tpu.memref_slice %arg5[%add3A_110] : memref<320000xi32, #tpu.memory_space<hbm>> -> memref<128xi32, #tpu.memory_space<hbm>>
    tpu.enqueue_dma source(%dma_start3A_112 : memref<128xi32, #tpu.memory_space<hbm>>) target(%arg10 : memref<128xi32, #tpu.memory_space<vmem>>) target_semaphore(%arg25 : memref<!tpu.dma_semaphore, #tpu.memory_space<semaphore_mem>>)
    %dma_start3A_113 = tpu.memref_slice %arg6[%add3A_110] : memref<320000xi32, #tpu.memory_space<hbm>> -> memref<128xi32, #tpu.memory_space<hbm>>
    %dma_start3A_114 = tpu.memref_slice %arg6[%add3A_110] : memref<320000xi32, #tpu.memory_space<hbm>> -> memref<128xi32, #tpu.memory_space<hbm>>
    tpu.enqueue_dma source(%dma_start3A_114 : memref<128xi32, #tpu.memory_space<hbm>>) target(%arg11 : memref<128xi32, #tpu.memory_space<vmem>>) target_semaphore(%arg26 : memref<!tpu.dma_semaphore, #tpu.memory_space<semaphore_mem>>)
    %dma_wait3A_115 = arith.constant 0 : i32
    %dma_wait3A_116 = arith.constant 0 : i32
    %dma_wait3A_117 = tpu.memref_slice %arg2[%dma_wait3A_115, %dma_wait3A_116] : memref<10240x80xf32, #tpu.memory_space<hbm>> -> memref<10240x80xf32, #tpu.memory_space<hbm>>
    tpu.wait_indirect_dma semaphore(%arg32 : memref<!tpu.dma_semaphore, #tpu.memory_space<semaphore_mem>>) src(%dma_wait3A_117 : memref<10240x80xf32, #tpu.memory_space<hbm>>) dst(%arg18 : memref<128x80xf32, #tpu.memory_space<vmem>>)
    %dma_wait3A_118 = arith.constant 0 : i32
    %dma_wait3A_119 = arith.constant 0 : i32
    %dma_wait3A_120 = tpu.memref_slice %arg3[%dma_wait3A_118, %dma_wait3A_119] : memref<10240x16xf32, #tpu.memory_space<hbm>> -> memref<10240x16xf32, #tpu.memory_space<hbm>>
    tpu.wait_indirect_dma semaphore(%arg33 : memref<!tpu.dma_semaphore, #tpu.memory_space<semaphore_mem>>) src(%dma_wait3A_120 : memref<10240x16xf32, #tpu.memory_space<hbm>>) dst(%arg19 : memref<128x16xf32, #tpu.memory_space<vmem>>)
    %get3A_121 = arith.constant 0 : index
    %get3A_122 = tpu.vector_load %arg16[%get3A_121] {strides = array<i32>} : memref<128xi32, #tpu.memory_space<vmem>>, vector<16xi32>,
    %swap3A_123 = arith.constant 0 : index
    %swap3A_124 = tpu.vector_load %arg17[%swap3A_123] {strides = array<i32>} : memref<128xi32, #tpu.memory_space<vmem>>, vector<16xi32>,
    tpu.vector_store %arg17[%swap3A_123], %get3A_122 {strides = array<i32>} : memref<128xi32, #tpu.memory_space<vmem>>, vector<16xi32>,
    %get3A_125 = arith.constant 16 : index
    %get3A_126 = tpu.vector_load %arg16[%get3A_125] {strides = array<i32>} : memref<128xi32, #tpu.memory_space<vmem>>, vector<16xi32>,
    %swap3A_127 = arith.constant 16 : index
    %swap3A_128 = tpu.vector_load %arg17[%swap3A_127] {strides = array<i32>} : memref<128xi32, #tpu.memory_space<vmem>>, vector<16xi32>,
    tpu.vector_store %arg17[%swap3A_127], %get3A_126 {strides = array<i32>} : memref<128xi32, #tpu.memory_space<vmem>>, vector<16xi32>,
    %get3A_129 = arith.constant 32 : index
    %get3A_130 = tpu.vector_load %arg16[%get3A_129] {strides = array<i32>} : memref<128xi32, #tpu.memory_space<vmem>>, vector<16xi32>,
    %swap3A_131 = arith.constant 32 : index
    %swap3A_132 = tpu.vector_load %arg17[%swap3A_131] {strides = array<i32>} : memref<128xi32, #tpu.memory_space<vmem>>, vector<16xi32>,
    tpu.vector_store %arg17[%swap3A_131], %get3A_130 {strides = array<i32>} : memref<128xi32, #tpu.memory_space<vmem>>, vector<16xi32>,
    %get3A_133 = arith.constant 48 : index
    %get3A_134 = tpu.vector_load %arg16[%get3A_133] {strides = array<i32>} : memref<128xi32, #tpu.memory_space<vmem>>, vector<16xi32>,
    %swap3A_135 = arith.constant 48 : index
    %swap3A_136 = tpu.vector_load %arg17[%swap3A_135] {strides = array<i32>} : memref<128xi32, #tpu.memory_space<vmem>>, vector<16xi32>,
    tpu.vector_store %arg17[%swap3A_135], %get3A_134 {strides = array<i32>} : memref<128xi32, #tpu.memory_space<vmem>>, vector<16xi32>,
    %get3A_137 = arith.constant 64 : index
    %get3A_138 = tpu.vector_load %arg16[%get3A_137] {strides = array<i32>} : memref<128xi32, #tpu.memory_space<vmem>>, vector<16xi32>,
    %swap3A_139 = arith.constant 64 : index
    %swap3A_140 = tpu.vector_load %arg17[%swap3A_139] {strides = array<i32>} : memref<128xi32, #tpu.memory_space<vmem>>, vector<16xi32>,
    tpu.vector_store %arg17[%swap3A_139], %get3A_138 {strides = array<i32>} : memref<128xi32, #tpu.memory_space<vmem>>, vector<16xi32>,
    %get3A_141 = arith.constant 80 : index
    %get3A_142 = tpu.vector_load %arg16[%get3A_141] {strides = array<i32>} : memref<128xi32, #tpu.memory_space<vmem>>, vector<16xi32>,
    %swap3A_143 = arith.constant 80 : index
    %swap3A_144 = tpu.vector_load %arg17[%swap3A_143] {strides = array<i32>} : memref<128xi32, #tpu.memory_space<vmem>>, vector<16xi32>,
    tpu.vector_store %arg17[%swap3A_143], %get3A_142 {strides = array<i32>} : memref<128xi32, #tpu.memory_space<vmem>>, vector<16xi32>,
    %get3A_145 = arith.constant 96 : index
    %get3A_146 = tpu.vector_load %arg16[%get3A_145] {strides = array<i32>} : memref<128xi32, #tpu.memory_space<vmem>>, vector<16xi32>,
    %swap3A_147 = arith.constant 96 : index
    %swap3A_148 = tpu.vector_load %arg17[%swap3A_147] {strides = array<i32>} : memref<128xi32, #tpu.memory_space<vmem>>, vector<16xi32>,
    tpu.vector_store %arg17[%swap3A_147], %get3A_146 {strides = array<i32>} : memref<128xi32, #tpu.memory_space<vmem>>, vector<16xi32>,
    %get3A_149 = arith.constant 112 : index
    %get3A_150 = tpu.vector_load %arg16[%get3A_149] {strides = array<i32>} : memref<128xi32, #tpu.memory_space<vmem>>, vector<16xi32>,
    %swap3A_151 = arith.constant 112 : index
    %swap3A_152 = tpu.vector_load %arg17[%swap3A_151] {strides = array<i32>} : memref<128xi32, #tpu.memory_space<vmem>>, vector<16xi32>,
    tpu.vector_store %arg17[%swap3A_151], %get3A_150 {strides = array<i32>} : memref<128xi32, #tpu.memory_space<vmem>>, vector<16xi32>,
    %scan3A_153 = arith.constant 0 : i32
    %scan3A_154 = arith.constant 128 : i32
    %scan3A_155 = arith.addi %scan3A_153, %scan3A_154 : i32
    %scan3A_156 = arith.constant 1 : i32
    scf.for %scan3A_191 = %scan3A_153 to %scan3A_155 step %scan3A_156  : i32 {
      %mul3A_192 = arith.constant 1 : i32
      %mul3A_193 = arith.muli %scan3A_191, %mul3A_192 : i32
      %add3A_194 = arith.constant 0 : i32
      %add3A_195 = arith.addi %add3A_194, %mul3A_193 : i32
      %get3A_196 = arith.index_cast %add3A_195 : i32 to index
      %get3A_197 = arith.constant 64 : index
      %get3A_198 = tpu.vector_load %arg18[%get3A_196, %get3A_197] {strides = array<i32>} : memref<128x80xf32, #tpu.memory_space<vmem>>, vector<16xf32>,
      %get3A_199 = arith.index_cast %add3A_195 : i32 to index
      %get3A_200 = arith.constant 0 : index
      %get3A_201 = tpu.vector_load %arg19[%get3A_199, %get3A_200] {strides = array<i32>} : memref<128x16xf32, #tpu.memory_space<vmem>>, vector<16xf32>,
      %add3A_202 = arith.addf %get3A_198, %get3A_201 : vector<16xf32>
      %get3A_203 = arith.index_cast %add3A_195 : i32 to index
      %get3A_204 = arith.constant 0 : index
      %get3A_205 = tpu.vector_load %arg18[%get3A_203, %get3A_204] {strides = array<i32>} : memref<128x80xf32, #tpu.memory_space<vmem>>, vector<16xf32>,
      %get3A_206 = arith.index_cast %add3A_195 : i32 to index
      %get3A_207 = arith.constant 16 : index
      %get3A_208 = tpu.vector_load %arg18[%get3A_206, %get3A_207] {strides = array<i32>} : memref<128x80xf32, #tpu.memory_space<vmem>>, vector<16xf32>,
      %get3A_209 = arith.index_cast %add3A_195 : i32 to index
      %get3A_210 = arith.constant 32 : index
      %get3A_211 = tpu.vector_load %arg18[%get3A_209, %get3A_210] {strides = array<i32>} : memref<128x80xf32, #tpu.memory_space<vmem>>, vector<16xf32>,
      %get3A_212 = arith.index_cast %add3A_195 : i32 to index
      %get3A_213 = arith.constant 48 : index
      %get3A_214 = tpu.vector_load %arg18[%get3A_212, %get3A_213] {strides = array<i32>} : memref<128x80xf32, #tpu.memory_space<vmem>>, vector<16xf32>,
      %mul3A_215 = arith.constant 2.000000e-01 : f32
      %mul3A_216 = vector.broadcast %mul3A_215 : f32 to vector<16xf32>
      %mul3A_217 = arith.mulf %mul3A_216, %add3A_202 : vector<16xf32>
      %max3A = arith.maximumf %add3A_202, %mul3A_217 : vector<16xf32>
      %sub3A = arith.subf %max3A, %get3A_3 : vector<16xf32>
      %exp3A = math.exp %sub3A : vector<16xf32>
      %swap3A_218 = arith.index_cast %add3A_195 : i32 to index
      %swap3A_219 = arith.constant 64 : index
      %swap3A_220 = tpu.vector_load %arg18[%swap3A_218, %swap3A_219] {strides = array<i32>} : memref<128x80xf32, #tpu.memory_space<vmem>>, vector<16xf32>,
      tpu.vector_store %arg18[%swap3A_218, %swap3A_219], %exp3A {strides = array<i32>} : memref<128x80xf32, #tpu.memory_space<vmem>>, vector<16xf32>,
      %gather3A = vector.shape_cast %broadcast_in_dim3A_9 : vector<16x1xi32> to vector<16xi32>
      %gather3A_221 = tpu.dynamic_gather %exp3A[%gather3A] in [0] : vector<16xf32>, vector<16xi32> -> vector<16xf32>
      %mul3A_222 = arith.mulf %get3A_205, %gather3A_221 : vector<16xf32>
      %gather3A_223 = vector.shape_cast %broadcast_in_dim3A_11 : vector<16x1xi32> to vector<16xi32>
      %gather3A_224 = tpu.dynamic_gather %exp3A[%gather3A_223] in [0] : vector<16xf32>, vector<16xi32> -> vector<16xf32>
      %mul3A_225 = arith.mulf %get3A_208, %gather3A_224 : vector<16xf32>
      %gather3A_226 = vector.shape_cast %broadcast_in_dim3A_13 : vector<16x1xi32> to vector<16xi32>
      %gather3A_227 = tpu.dynamic_gather %exp3A[%gather3A_226] in [0] : vector<16xf32>, vector<16xi32> -> vector<16xf32>
      %mul3A_228 = arith.mulf %get3A_211, %gather3A_227 : vector<16xf32>
      %gather3A_229 = vector.shape_cast %broadcast_in_dim3A_15 : vector<16x1xi32> to vector<16xi32>
      %gather3A_230 = tpu.dynamic_gather %exp3A[%gather3A_229] in [0] : vector<16xf32>, vector<16xi32> -> vector<16xf32>
      %mul3A_231 = arith.mulf %get3A_214, %gather3A_230 : vector<16xf32>
      %swap3A_232 = arith.index_cast %add3A_195 : i32 to index
      %swap3A_233 = arith.constant 0 : index
      %swap3A_234 = tpu.vector_load %arg18[%swap3A_232, %swap3A_233] {strides = array<i32>} : memref<128x80xf32, #tpu.memory_space<vmem>>, vector<16xf32>,
      tpu.vector_store %arg18[%swap3A_232, %swap3A_233], %mul3A_222 {strides = array<i32>} : memref<128x80xf32, #tpu.memory_space<vmem>>, vector<16xf32>,
      %swap3A_235 = arith.index_cast %add3A_195 : i32 to index
      %swap3A_236 = arith.constant 16 : index
      %swap3A_237 = tpu.vector_load %arg18[%swap3A_235, %swap3A_236] {strides = array<i32>} : memref<128x80xf32, #tpu.memory_space<vmem>>, vector<16xf32>,
      tpu.vector_store %arg18[%swap3A_235, %swap3A_236], %mul3A_225 {strides = array<i32>} : memref<128x80xf32, #tpu.memory_space<vmem>>, vector<16xf32>,
      %swap3A_238 = arith.index_cast %add3A_195 : i32 to index
      %swap3A_239 = arith.constant 32 : index
      %swap3A_240 = tpu.vector_load %arg18[%swap3A_238, %swap3A_239] {strides = array<i32>} : memref<128x80xf32, #tpu.memory_space<vmem>>, vector<16xf32>,
      tpu.vector_store %arg18[%swap3A_238, %swap3A_239], %mul3A_228 {strides = array<i32>} : memref<128x80xf32, #tpu.memory_space<vmem>>, vector<16xf32>,
      %swap3A_241 = arith.index_cast %add3A_195 : i32 to index
      %swap3A_242 = arith.constant 48 : index
      %swap3A_243 = tpu.vector_load %arg18[%swap3A_241, %swap3A_242] {strides = array<i32>} : memref<128x80xf32, #tpu.memory_space<vmem>>, vector<16xf32>,
      tpu.vector_store %arg18[%swap3A_241, %swap3A_242], %mul3A_231 {strides = array<i32>} : memref<128x80xf32, #tpu.memory_space<vmem>>, vector<16xf32>,
    }
    %scan3A_157 = arith.constant 128 : i32
    %dma_start3A_158 = arith.constant 0 : i32
    %dma_start3A_159 = arith.constant 0 : i32
    %dma_start3A_160 = tpu.memref_slice %arg9[%dma_start3A_158, %dma_start3A_159] : memref<10240x80xf32, #tpu.memory_space<vmem_shared>> -> memref<10240x80xf32, #tpu.memory_space<vmem_shared>>
    tpu.enqueue_indirect_dma source(%arg18 : memref<128x80xf32, #tpu.memory_space<vmem>>) target(%dma_start3A_160 : memref<10240x80xf32, #tpu.memory_space<vmem_shared>>) offsets(%arg17 : memref<128xi32, #tpu.memory_space<vmem>>) semaphore(%arg34 : memref<!tpu.dma_semaphore, #tpu.memory_space<semaphore_mem>>) {add = true}
    %scan3A_161 = arith.constant 0 : i32
    %scan3A_162 = arith.constant 38 : i32
    %scan3A_163 = arith.addi %scan3A_161, %scan3A_162 : i32
    %scan3A_164 = arith.constant 1 : i32
    scf.for %scan3A_191 = %scan3A_161 to %scan3A_163 step %scan3A_164  : i32 {
      %mul3A_192 = arith.constant 2 : i32
      %mul3A_193 = arith.muli %scan3A_191, %mul3A_192 : i32
      %add3A_194 = arith.constant 2 : i32
      %add3A_195 = arith.addi %add3A_194, %mul3A_193 : i32
      %dma_wait3A_196 = arith.constant 0 : i32
      %dma_wait3A_197 = arith.constant 0 : i32
      %dma_wait3A_198 = tpu.memref_slice %arg9[%dma_wait3A_196, %dma_wait3A_197] : memref<10240x80xf32, #tpu.memory_space<vmem_shared>> -> memref<10240x80xf32, #tpu.memory_space<vmem_shared>>
      tpu.wait_indirect_dma semaphore(%arg29 : memref<!tpu.dma_semaphore, #tpu.memory_space<semaphore_mem>>) src(%arg13 : memref<128x80xf32, #tpu.memory_space<vmem>>) dst(%dma_wait3A_198 : memref<10240x80xf32, #tpu.memory_space<vmem_shared>>)
      %dma_wait3A_199 = arith.constant 0 : i32
      %dma_wait3A_200 = tpu.memref_slice %arg5[%dma_wait3A_199] : memref<320000xi32, #tpu.memory_space<hbm>> -> memref<128xi32, #tpu.memory_space<hbm>>
      %dma_wait3A_201 = arith.constant 0 : i32
      %dma_wait3A_202 = tpu.memref_slice %arg5[%dma_wait3A_201] : memref<320000xi32, #tpu.memory_space<hbm>> -> memref<128xi32, #tpu.memory_space<hbm>>
      tpu.wait_dma2 semaphore(%arg25 : memref<!tpu.dma_semaphore, #tpu.memory_space<semaphore_mem>>) src(%dma_wait3A_202 : memref<128xi32, #tpu.memory_space<hbm>>) dst(%arg10 : memref<128xi32, #tpu.memory_space<vmem>>)
      %dma_wait3A_203 = arith.constant 0 : i32
      %dma_wait3A_204 = tpu.memref_slice %arg6[%dma_wait3A_203] : memref<320000xi32, #tpu.memory_space<hbm>> -> memref<128xi32, #tpu.memory_space<hbm>>
      %dma_wait3A_205 = arith.constant 0 : i32
      %dma_wait3A_206 = tpu.memref_slice %arg6[%dma_wait3A_205] : memref<320000xi32, #tpu.memory_space<hbm>> -> memref<128xi32, #tpu.memory_space<hbm>>
      tpu.wait_dma2 semaphore(%arg26 : memref<!tpu.dma_semaphore, #tpu.memory_space<semaphore_mem>>) src(%dma_wait3A_206 : memref<128xi32, #tpu.memory_space<hbm>>) dst(%arg11 : memref<128xi32, #tpu.memory_space<vmem>>)
      %dma_start3A_207 = arith.constant 0 : i32
      %dma_start3A_208 = arith.constant 0 : i32
      %dma_start3A_209 = tpu.memref_slice %arg2[%dma_start3A_207, %dma_start3A_208] : memref<10240x80xf32, #tpu.memory_space<hbm>> -> memref<10240x80xf32, #tpu.memory_space<hbm>>
      tpu.enqueue_indirect_dma source(%dma_start3A_209 : memref<10240x80xf32, #tpu.memory_space<hbm>>) target(%arg13 : memref<128x80xf32, #tpu.memory_space<vmem>>) offsets(%arg10 : memref<128xi32, #tpu.memory_space<vmem>>) semaphore(%arg27 : memref<!tpu.dma_semaphore, #tpu.memory_space<semaphore_mem>>)
      %dma_start3A_210 = arith.constant 0 : i32
      %dma_start3A_211 = arith.constant 0 : i32
      %dma_start3A_212 = tpu.memref_slice %arg3[%dma_start3A_210, %dma_start3A_211] : memref<10240x16xf32, #tpu.memory_space<hbm>> -> memref<10240x16xf32, #tpu.memory_space<hbm>>
      tpu.enqueue_indirect_dma source(%dma_start3A_212 : memref<10240x16xf32, #tpu.memory_space<hbm>>) target(%arg14 : memref<128x16xf32, #tpu.memory_space<vmem>>) offsets(%arg11 : memref<128xi32, #tpu.memory_space<vmem>>) semaphore(%arg28 : memref<!tpu.dma_semaphore, #tpu.memory_space<semaphore_mem>>)
      %add3A_213 = arith.constant 1 : i32
      %add3A_214 = arith.addi %add3A_195, %add3A_213 : i32
      %min3A_215 = arith.constant 77 : i32
      %min3A_216 = arith.minsi %add3A_214, %min3A_215 : i32
      %mul3A_217 = arith.constant 128 : i32
      %mul3A_218 = arith.muli %min3A_216, %mul3A_217 : i32
      %add3A_219 = arith.addi %mul3A_8, %mul3A_218 : i32
      %dma_start3A_220 = tpu.memref_slice %arg5[%add3A_219] : memref<320000xi32, #tpu.memory_space<hbm>> -> memref<128xi32, #tpu.memory_space<hbm>>
      %dma_start3A_221 = tpu.memref_slice %arg5[%add3A_219] : memref<320000xi32, #tpu.memory_space<hbm>> -> memref<128xi32, #tpu.memory_space<hbm>>
      tpu.enqueue_dma source(%dma_start3A_221 : memref<128xi32, #tpu.memory_space<hbm>>) target(%arg15 : memref<128xi32, #tpu.memory_space<vmem>>) target_semaphore(%arg30 : memref<!tpu.dma_semaphore, #tpu.memory_space<semaphore_mem>>)
      %dma_start3A_222 = tpu.memref_slice %arg6[%add3A_219] : memref<320000xi32, #tpu.memory_space<hbm>> -> memref<128xi32, #tpu.memory_space<hbm>>
      %dma_start3A_223 = tpu.memref_slice %arg6[%add3A_219] : memref<320000xi32, #tpu.memory_space<hbm>> -> memref<128xi32, #tpu.memory_space<hbm>>
      tpu.enqueue_dma source(%dma_start3A_223 : memref<128xi32, #tpu.memory_space<hbm>>) target(%arg16 : memref<128xi32, #tpu.memory_space<vmem>>) target_semaphore(%arg31 : memref<!tpu.dma_semaphore, #tpu.memory_space<semaphore_mem>>)
      %dma_wait3A_224 = arith.constant 0 : i32
      %dma_wait3A_225 = arith.constant 0 : i32
      %dma_wait3A_226 = tpu.memref_slice %arg2[%dma_wait3A_224, %dma_wait3A_225] : memref<10240x80xf32, #tpu.memory_space<hbm>> -> memref<10240x80xf32, #tpu.memory_space<hbm>>
      tpu.wait_indirect_dma semaphore(%arg27 : memref<!tpu.dma_semaphore, #tpu.memory_space<semaphore_mem>>) src(%dma_wait3A_226 : memref<10240x80xf32, #tpu.memory_space<hbm>>) dst(%arg13 : memref<128x80xf32, #tpu.memory_space<vmem>>)
      %dma_wait3A_227 = arith.constant 0 : i32
      %dma_wait3A_228 = arith.constant 0 : i32
      %dma_wait3A_229 = tpu.memref_slice %arg3[%dma_wait3A_227, %dma_wait3A_228] : memref<10240x16xf32, #tpu.memory_space<hbm>> -> memref<10240x16xf32, #tpu.memory_space<hbm>>
      tpu.wait_indirect_dma semaphore(%arg28 : memref<!tpu.dma_semaphore, #tpu.memory_space<semaphore_mem>>) src(%dma_wait3A_229 : memref<10240x16xf32, #tpu.memory_space<hbm>>) dst(%arg14 : memref<128x16xf32, #tpu.memory_space<vmem>>)
      %get3A_230 = arith.constant 0 : index
      %get3A_231 = tpu.vector_load %arg11[%get3A_230] {strides = array<i32>} : memref<128xi32, #tpu.memory_space<vmem>>, vector<16xi32>,
      %swap3A_232 = arith.constant 0 : index
      %swap3A_233 = tpu.vector_load %arg12[%swap3A_232] {strides = array<i32>} : memref<128xi32, #tpu.memory_space<vmem>>, vector<16xi32>,
      tpu.vector_store %arg12[%swap3A_232], %get3A_231 {strides = array<i32>} : memref<128xi32, #tpu.memory_space<vmem>>, vector<16xi32>,
      %get3A_234 = arith.constant 16 : index
      %get3A_235 = tpu.vector_load %arg11[%get3A_234] {strides = array<i32>} : memref<128xi32, #tpu.memory_space<vmem>>, vector<16xi32>,
      %swap3A_236 = arith.constant 16 : index
      %swap3A_237 = tpu.vector_load %arg12[%swap3A_236] {strides = array<i32>} : memref<128xi32, #tpu.memory_space<vmem>>, vector<16xi32>,
      tpu.vector_store %arg12[%swap3A_236], %get3A_235 {strides = array<i32>} : memref<128xi32, #tpu.memory_space<vmem>>, vector<16xi32>,
      %get3A_238 = arith.constant 32 : index
      %get3A_239 = tpu.vector_load %arg11[%get3A_238] {strides = array<i32>} : memref<128xi32, #tpu.memory_space<vmem>>, vector<16xi32>,
      %swap3A_240 = arith.constant 32 : index
      %swap3A_241 = tpu.vector_load %arg12[%swap3A_240] {strides = array<i32>} : memref<128xi32, #tpu.memory_space<vmem>>, vector<16xi32>,
      tpu.vector_store %arg12[%swap3A_240], %get3A_239 {strides = array<i32>} : memref<128xi32, #tpu.memory_space<vmem>>, vector<16xi32>,
      %get3A_242 = arith.constant 48 : index
      %get3A_243 = tpu.vector_load %arg11[%get3A_242] {strides = array<i32>} : memref<128xi32, #tpu.memory_space<vmem>>, vector<16xi32>,
      %swap3A_244 = arith.constant 48 : index
      %swap3A_245 = tpu.vector_load %arg12[%swap3A_244] {strides = array<i32>} : memref<128xi32, #tpu.memory_space<vmem>>, vector<16xi32>,
      tpu.vector_store %arg12[%swap3A_244], %get3A_243 {strides = array<i32>} : memref<128xi32, #tpu.memory_space<vmem>>, vector<16xi32>,
      %get3A_246 = arith.constant 64 : index
      %get3A_247 = tpu.vector_load %arg11[%get3A_246] {strides = array<i32>} : memref<128xi32, #tpu.memory_space<vmem>>, vector<16xi32>,
      %swap3A_248 = arith.constant 64 : index
      %swap3A_249 = tpu.vector_load %arg12[%swap3A_248] {strides = array<i32>} : memref<128xi32, #tpu.memory_space<vmem>>, vector<16xi32>,
      tpu.vector_store %arg12[%swap3A_248], %get3A_247 {strides = array<i32>} : memref<128xi32, #tpu.memory_space<vmem>>, vector<16xi32>,
      %get3A_250 = arith.constant 80 : index
      %get3A_251 = tpu.vector_load %arg11[%get3A_250] {strides = array<i32>} : memref<128xi32, #tpu.memory_space<vmem>>, vector<16xi32>,
      %swap3A_252 = arith.constant 80 : index
      %swap3A_253 = tpu.vector_load %arg12[%swap3A_252] {strides = array<i32>} : memref<128xi32, #tpu.memory_space<vmem>>, vector<16xi32>,
      tpu.vector_store %arg12[%swap3A_252], %get3A_251 {strides = array<i32>} : memref<128xi32, #tpu.memory_space<vmem>>, vector<16xi32>,
      %get3A_254 = arith.constant 96 : index
      %get3A_255 = tpu.vector_load %arg11[%get3A_254] {strides = array<i32>} : memref<128xi32, #tpu.memory_space<vmem>>, vector<16xi32>,
      %swap3A_256 = arith.constant 96 : index
      %swap3A_257 = tpu.vector_load %arg12[%swap3A_256] {strides = array<i32>} : memref<128xi32, #tpu.memory_space<vmem>>, vector<16xi32>,
      tpu.vector_store %arg12[%swap3A_256], %get3A_255 {strides = array<i32>} : memref<128xi32, #tpu.memory_space<vmem>>, vector<16xi32>,
      %get3A_258 = arith.constant 112 : index
      %get3A_259 = tpu.vector_load %arg11[%get3A_258] {strides = array<i32>} : memref<128xi32, #tpu.memory_space<vmem>>, vector<16xi32>,
      %swap3A_260 = arith.constant 112 : index
      %swap3A_261 = tpu.vector_load %arg12[%swap3A_260] {strides = array<i32>} : memref<128xi32, #tpu.memory_space<vmem>>, vector<16xi32>,
      tpu.vector_store %arg12[%swap3A_260], %get3A_259 {strides = array<i32>} : memref<128xi32, #tpu.memory_space<vmem>>, vector<16xi32>,
      %scan3A_262 = arith.constant 0 : i32
      %scan3A_263 = arith.constant 128 : i32
      %scan3A_264 = arith.addi %scan3A_262, %scan3A_263 : i32
      %scan3A_265 = arith.constant 1 : i32
      scf.for %scan3A_346 = %scan3A_262 to %scan3A_264 step %scan3A_265  : i32 {
        %mul3A_347 = arith.constant 1 : i32
        %mul3A_348 = arith.muli %scan3A_346, %mul3A_347 : i32
        %add3A_349 = arith.constant 0 : i32
        %add3A_350 = arith.addi %add3A_349, %mul3A_348 : i32
        %get3A_351 = arith.index_cast %add3A_350 : i32 to index
        %get3A_352 = arith.constant 64 : index
        %get3A_353 = tpu.vector_load %arg13[%get3A_351, %get3A_352] {strides = array<i32>} : memref<128x80xf32, #tpu.memory_space<vmem>>, vector<16xf32>,
        %get3A_354 = arith.index_cast %add3A_350 : i32 to index
        %get3A_355 = arith.constant 0 : index
        %get3A_356 = tpu.vector_load %arg14[%get3A_354, %get3A_355] {strides = array<i32>} : memref<128x16xf32, #tpu.memory_space<vmem>>, vector<16xf32>,
        %add3A_357 = arith.addf %get3A_353, %get3A_356 : vector<16xf32>
        %get3A_358 = arith.index_cast %add3A_350 : i32 to index
        %get3A_359 = arith.constant 0 : index
        %get3A_360 = tpu.vector_load %arg13[%get3A_358, %get3A_359] {strides = array<i32>} : memref<128x80xf32, #tpu.memory_space<vmem>>, vector<16xf32>,
        %get3A_361 = arith.index_cast %add3A_350 : i32 to index
        %get3A_362 = arith.constant 16 : index
        %get3A_363 = tpu.vector_load %arg13[%get3A_361, %get3A_362] {strides = array<i32>} : memref<128x80xf32, #tpu.memory_space<vmem>>, vector<16xf32>,
        %get3A_364 = arith.index_cast %add3A_350 : i32 to index
        %get3A_365 = arith.constant 32 : index
        %get3A_366 = tpu.vector_load %arg13[%get3A_364, %get3A_365] {strides = array<i32>} : memref<128x80xf32, #tpu.memory_space<vmem>>, vector<16xf32>,
        %get3A_367 = arith.index_cast %add3A_350 : i32 to index
        %get3A_368 = arith.constant 48 : index
        %get3A_369 = tpu.vector_load %arg13[%get3A_367, %get3A_368] {strides = array<i32>} : memref<128x80xf32, #tpu.memory_space<vmem>>, vector<16xf32>,
        %mul3A_370 = arith.constant 2.000000e-01 : f32
        %mul3A_371 = vector.broadcast %mul3A_370 : f32 to vector<16xf32>
        %mul3A_372 = arith.mulf %mul3A_371, %add3A_357 : vector<16xf32>
        %max3A = arith.maximumf %add3A_357, %mul3A_372 : vector<16xf32>
        %sub3A = arith.subf %max3A, %get3A_3 : vector<16xf32>
        %exp3A = math.exp %sub3A : vector<16xf32>
        %swap3A_373 = arith.index_cast %add3A_350 : i32 to index
        %swap3A_374 = arith.constant 64 : index
        %swap3A_375 = tpu.vector_load %arg13[%swap3A_373, %swap3A_374] {strides = array<i32>} : memref<128x80xf32, #tpu.memory_space<vmem>>, vector<16xf32>,
        tpu.vector_store %arg13[%swap3A_373, %swap3A_374], %exp3A {strides = array<i32>} : memref<128x80xf32, #tpu.memory_space<vmem>>, vector<16xf32>,
        %gather3A = vector.shape_cast %broadcast_in_dim3A_9 : vector<16x1xi32> to vector<16xi32>
        %gather3A_376 = tpu.dynamic_gather %exp3A[%gather3A] in [0] : vector<16xf32>, vector<16xi32> -> vector<16xf32>
        %mul3A_377 = arith.mulf %get3A_360, %gather3A_376 : vector<16xf32>
        %gather3A_378 = vector.shape_cast %broadcast_in_dim3A_11 : vector<16x1xi32> to vector<16xi32>
        %gather3A_379 = tpu.dynamic_gather %exp3A[%gather3A_378] in [0] : vector<16xf32>, vector<16xi32> -> vector<16xf32>
        %mul3A_380 = arith.mulf %get3A_363, %gather3A_379 : vector<16xf32>
        %gather3A_381 = vector.shape_cast %broadcast_in_dim3A_13 : vector<16x1xi32> to vector<16xi32>
        %gather3A_382 = tpu.dynamic_gather %exp3A[%gather3A_381] in [0] : vector<16xf32>, vector<16xi32> -> vector<16xf32>
        %mul3A_383 = arith.mulf %get3A_366, %gather3A_382 : vector<16xf32>
        %gather3A_384 = vector.shape_cast %broadcast_in_dim3A_15 : vector<16x1xi32> to vector<16xi32>
        %gather3A_385 = tpu.dynamic_gather %exp3A[%gather3A_384] in [0] : vector<16xf32>, vector<16xi32> -> vector<16xf32>
        %mul3A_386 = arith.mulf %get3A_369, %gather3A_385 : vector<16xf32>
        %swap3A_387 = arith.index_cast %add3A_350 : i32 to index
        %swap3A_388 = arith.constant 0 : index
        %swap3A_389 = tpu.vector_load %arg13[%swap3A_387, %swap3A_388] {strides = array<i32>} : memref<128x80xf32, #tpu.memory_space<vmem>>, vector<16xf32>,
        tpu.vector_store %arg13[%swap3A_387, %swap3A_388], %mul3A_377 {strides = array<i32>} : memref<128x80xf32, #tpu.memory_space<vmem>>, vector<16xf32>,
        %swap3A_390 = arith.index_cast %add3A_350 : i32 to index
        %swap3A_391 = arith.constant 16 : index
        %swap3A_392 = tpu.vector_load %arg13[%swap3A_390, %swap3A_391] {strides = array<i32>} : memref<128x80xf32, #tpu.memory_space<vmem>>, vector<16xf32>,
        tpu.vector_store %arg13[%swap3A_390, %swap3A_391], %mul3A_380 {strides = array<i32>} : memref<128x80xf32, #tpu.memory_space<vmem>>, vector<16xf32>,
        %swap3A_393 = arith.index_cast %add3A_350 : i32 to index
        %swap3A_394 = arith.constant 32 : index
        %swap3A_395 = tpu.vector_load %arg13[%swap3A_393, %swap3A_394] {strides = array<i32>} : memref<128x80xf32, #tpu.memory_space<vmem>>, vector<16xf32>,
        tpu.vector_store %arg13[%swap3A_393, %swap3A_394], %mul3A_383 {strides = array<i32>} : memref<128x80xf32, #tpu.memory_space<vmem>>, vector<16xf32>,
        %swap3A_396 = arith.index_cast %add3A_350 : i32 to index
        %swap3A_397 = arith.constant 48 : index
        %swap3A_398 = tpu.vector_load %arg13[%swap3A_396, %swap3A_397] {strides = array<i32>} : memref<128x80xf32, #tpu.memory_space<vmem>>, vector<16xf32>,
        tpu.vector_store %arg13[%swap3A_396, %swap3A_397], %mul3A_386 {strides = array<i32>} : memref<128x80xf32, #tpu.memory_space<vmem>>, vector<16xf32>,
      }
      %scan3A_266 = arith.constant 128 : i32
      %dma_start3A_267 = arith.constant 0 : i32
      %dma_start3A_268 = arith.constant 0 : i32
      %dma_start3A_269 = tpu.memref_slice %arg9[%dma_start3A_267, %dma_start3A_268] : memref<10240x80xf32, #tpu.memory_space<vmem_shared>> -> memref<10240x80xf32, #tpu.memory_space<vmem_shared>>
      tpu.enqueue_indirect_dma source(%arg13 : memref<128x80xf32, #tpu.memory_space<vmem>>) target(%dma_start3A_269 : memref<10240x80xf32, #tpu.memory_space<vmem_shared>>) offsets(%arg12 : memref<128xi32, #tpu.memory_space<vmem>>) semaphore(%arg29 : memref<!tpu.dma_semaphore, #tpu.memory_space<semaphore_mem>>) {add = true}
      %add3A_270 = arith.constant 1 : i32
      %add3A_271 = arith.addi %add3A_195, %add3A_270 : i32
      %dma_wait3A_272 = arith.constant 0 : i32
      %dma_wait3A_273 = arith.constant 0 : i32
      %dma_wait3A_274 = tpu.memref_slice %arg9[%dma_wait3A_272, %dma_wait3A_273] : memref<10240x80xf32, #tpu.memory_space<vmem_shared>> -> memref<10240x80xf32, #tpu.memory_space<vmem_shared>>
      tpu.wait_indirect_dma semaphore(%arg34 : memref<!tpu.dma_semaphore, #tpu.memory_space<semaphore_mem>>) src(%arg18 : memref<128x80xf32, #tpu.memory_space<vmem>>) dst(%dma_wait3A_274 : memref<10240x80xf32, #tpu.memory_space<vmem_shared>>)
      %dma_wait3A_275 = arith.constant 0 : i32
      %dma_wait3A_276 = tpu.memref_slice %arg5[%dma_wait3A_275] : memref<320000xi32, #tpu.memory_space<hbm>> -> memref<128xi32, #tpu.memory_space<hbm>>
      %dma_wait3A_277 = arith.constant 0 : i32
      %dma_wait3A_278 = tpu.memref_slice %arg5[%dma_wait3A_277] : memref<320000xi32, #tpu.memory_space<hbm>> -> memref<128xi32, #tpu.memory_space<hbm>>
      tpu.wait_dma2 semaphore(%arg30 : memref<!tpu.dma_semaphore, #tpu.memory_space<semaphore_mem>>) src(%dma_wait3A_278 : memref<128xi32, #tpu.memory_space<hbm>>) dst(%arg15 : memref<128xi32, #tpu.memory_space<vmem>>)
      %dma_wait3A_279 = arith.constant 0 : i32
      %dma_wait3A_280 = tpu.memref_slice %arg6[%dma_wait3A_279] : memref<320000xi32, #tpu.memory_space<hbm>> -> memref<128xi32, #tpu.memory_space<hbm>>
      %dma_wait3A_281 = arith.constant 0 : i32
      %dma_wait3A_282 = tpu.memref_slice %arg6[%dma_wait3A_281] : memref<320000xi32, #tpu.memory_space<hbm>> -> memref<128xi32, #tpu.memory_space<hbm>>
      tpu.wait_dma2 semaphore(%arg31 : memref<!tpu.dma_semaphore, #tpu.memory_space<semaphore_mem>>) src(%dma_wait3A_282 : memref<128xi32, #tpu.memory_space<hbm>>) dst(%arg16 : memref<128xi32, #tpu.memory_space<vmem>>)
      %dma_start3A_283 = arith.constant 0 : i32
      %dma_start3A_284 = arith.constant 0 : i32
      %dma_start3A_285 = tpu.memref_slice %arg2[%dma_start3A_283, %dma_start3A_284] : memref<10240x80xf32, #tpu.memory_space<hbm>> -> memref<10240x80xf32, #tpu.memory_space<hbm>>
      tpu.enqueue_indirect_dma source(%dma_start3A_285 : memref<10240x80xf32, #tpu.memory_space<hbm>>) target(%arg18 : memref<128x80xf32, #tpu.memory_space<vmem>>) offsets(%arg15 : memref<128xi32, #tpu.memory_space<vmem>>) semaphore(%arg32 : memref<!tpu.dma_semaphore, #tpu.memory_space<semaphore_mem>>)
      %dma_start3A_286 = arith.constant 0 : i32
      %dma_start3A_287 = arith.constant 0 : i32
      %dma_start3A_288 = tpu.memref_slice %arg3[%dma_start3A_286, %dma_start3A_287] : memref<10240x16xf32, #tpu.memory_space<hbm>> -> memref<10240x16xf32, #tpu.memory_space<hbm>>
      tpu.enqueue_indirect_dma source(%dma_start3A_288 : memref<10240x16xf32, #tpu.memory_space<hbm>>) target(%arg19 : memref<128x16xf32, #tpu.memory_space<vmem>>) offsets(%arg16 : memref<128xi32, #tpu.memory_space<vmem>>) semaphore(%arg33 : memref<!tpu.dma_semaphore, #tpu.memory_space<semaphore_mem>>)
      %add3A_289 = arith.constant 1 : i32
      %add3A_290 = arith.addi %add3A_271, %add3A_289 : i32
      %min3A_291 = arith.constant 77 : i32
      %min3A_292 = arith.minsi %add3A_290, %min3A_291 : i32
      %mul3A_293 = arith.constant 128 : i32
      %mul3A_294 = arith.muli %min3A_292, %mul3A_293 : i32
      %add3A_295 = arith.addi %mul3A_8, %mul3A_294 : i32
      %dma_start3A_296 = tpu.memref_slice %arg5[%add3A_295] : memref<320000xi32, #tpu.memory_space<hbm>> -> memref<128xi32, #tpu.memory_space<hbm>>
      %dma_start3A_297 = tpu.memref_slice %arg5[%add3A_295] : memref<320000xi32, #tpu.memory_space<hbm>> -> memref<128xi32, #tpu.memory_space<hbm>>
      tpu.enqueue_dma source(%dma_start3A_297 : memref<128xi32, #tpu.memory_space<hbm>>) target(%arg10 : memref<128xi32, #tpu.memory_space<vmem>>) target_semaphore(%arg25 : memref<!tpu.dma_semaphore, #tpu.memory_space<semaphore_mem>>)
      %dma_start3A_298 = tpu.memref_slice %arg6[%add3A_295] : memref<320000xi32, #tpu.memory_space<hbm>> -> memref<128xi32, #tpu.memory_space<hbm>>
      %dma_start3A_299 = tpu.memref_slice %arg6[%add3A_295] : memref<320000xi32, #tpu.memory_space<hbm>> -> memref<128xi32, #tpu.memory_space<hbm>>
      tpu.enqueue_dma source(%dma_start3A_299 : memref<128xi32, #tpu.memory_space<hbm>>) target(%arg11 : memref<128xi32, #tpu.memory_space<vmem>>) target_semaphore(%arg26 : memref<!tpu.dma_semaphore, #tpu.memory_space<semaphore_mem>>)
      %dma_wait3A_300 = arith.constant 0 : i32
      %dma_wait3A_301 = arith.constant 0 : i32
      %dma_wait3A_302 = tpu.memref_slice %arg2[%dma_wait3A_300, %dma_wait3A_301] : memref<10240x80xf32, #tpu.memory_space<hbm>> -> memref<10240x80xf32, #tpu.memory_space<hbm>>
      tpu.wait_indirect_dma semaphore(%arg32 : memref<!tpu.dma_semaphore, #tpu.memory_space<semaphore_mem>>) src(%dma_wait3A_302 : memref<10240x80xf32, #tpu.memory_space<hbm>>) dst(%arg18 : memref<128x80xf32, #tpu.memory_space<vmem>>)
      %dma_wait3A_303 = arith.constant 0 : i32
      %dma_wait3A_304 = arith.constant 0 : i32
      %dma_wait3A_305 = tpu.memref_slice %arg3[%dma_wait3A_303, %dma_wait3A_304] : memref<10240x16xf32, #tpu.memory_space<hbm>> -> memref<10240x16xf32, #tpu.memory_space<hbm>>
      tpu.wait_indirect_dma semaphore(%arg33 : memref<!tpu.dma_semaphore, #tpu.memory_space<semaphore_mem>>) src(%dma_wait3A_305 : memref<10240x16xf32, #tpu.memory_space<hbm>>) dst(%arg19 : memref<128x16xf32, #tpu.memory_space<vmem>>)
      %get3A_306 = arith.constant 0 : index
      %get3A_307 = tpu.vector_load %arg16[%get3A_306] {strides = array<i32>} : memref<128xi32, #tpu.memory_space<vmem>>, vector<16xi32>,
      %swap3A_308 = arith.constant 0 : index
      %swap3A_309 = tpu.vector_load %arg17[%swap3A_308] {strides = array<i32>} : memref<128xi32, #tpu.memory_space<vmem>>, vector<16xi32>,
      tpu.vector_store %arg17[%swap3A_308], %get3A_307 {strides = array<i32>} : memref<128xi32, #tpu.memory_space<vmem>>, vector<16xi32>,
      %get3A_310 = arith.constant 16 : index
      %get3A_311 = tpu.vector_load %arg16[%get3A_310] {strides = array<i32>} : memref<128xi32, #tpu.memory_space<vmem>>, vector<16xi32>,
      %swap3A_312 = arith.constant 16 : index
      %swap3A_313 = tpu.vector_load %arg17[%swap3A_312] {strides = array<i32>} : memref<128xi32, #tpu.memory_space<vmem>>, vector<16xi32>,
      tpu.vector_store %arg17[%swap3A_312], %get3A_311 {strides = array<i32>} : memref<128xi32, #tpu.memory_space<vmem>>, vector<16xi32>,
      %get3A_314 = arith.constant 32 : index
      %get3A_315 = tpu.vector_load %arg16[%get3A_314] {strides = array<i32>} : memref<128xi32, #tpu.memory_space<vmem>>, vector<16xi32>,
      %swap3A_316 = arith.constant 32 : index
      %swap3A_317 = tpu.vector_load %arg17[%swap3A_316] {strides = array<i32>} : memref<128xi32, #tpu.memory_space<vmem>>, vector<16xi32>,
      tpu.vector_store %arg17[%swap3A_316], %get3A_315 {strides = array<i32>} : memref<128xi32, #tpu.memory_space<vmem>>, vector<16xi32>,
      %get3A_318 = arith.constant 48 : index
      %get3A_319 = tpu.vector_load %arg16[%get3A_318] {strides = array<i32>} : memref<128xi32, #tpu.memory_space<vmem>>, vector<16xi32>,
      %swap3A_320 = arith.constant 48 : index
      %swap3A_321 = tpu.vector_load %arg17[%swap3A_320] {strides = array<i32>} : memref<128xi32, #tpu.memory_space<vmem>>, vector<16xi32>,
      tpu.vector_store %arg17[%swap3A_320], %get3A_319 {strides = array<i32>} : memref<128xi32, #tpu.memory_space<vmem>>, vector<16xi32>,
      %get3A_322 = arith.constant 64 : index
      %get3A_323 = tpu.vector_load %arg16[%get3A_322] {strides = array<i32>} : memref<128xi32, #tpu.memory_space<vmem>>, vector<16xi32>,
      %swap3A_324 = arith.constant 64 : index
      %swap3A_325 = tpu.vector_load %arg17[%swap3A_324] {strides = array<i32>} : memref<128xi32, #tpu.memory_space<vmem>>, vector<16xi32>,
      tpu.vector_store %arg17[%swap3A_324], %get3A_323 {strides = array<i32>} : memref<128xi32, #tpu.memory_space<vmem>>, vector<16xi32>,
      %get3A_326 = arith.constant 80 : index
      %get3A_327 = tpu.vector_load %arg16[%get3A_326] {strides = array<i32>} : memref<128xi32, #tpu.memory_space<vmem>>, vector<16xi32>,
      %swap3A_328 = arith.constant 80 : index
      %swap3A_329 = tpu.vector_load %arg17[%swap3A_328] {strides = array<i32>} : memref<128xi32, #tpu.memory_space<vmem>>, vector<16xi32>,
      tpu.vector_store %arg17[%swap3A_328], %get3A_327 {strides = array<i32>} : memref<128xi32, #tpu.memory_space<vmem>>, vector<16xi32>,
      %get3A_330 = arith.constant 96 : index
      %get3A_331 = tpu.vector_load %arg16[%get3A_330] {strides = array<i32>} : memref<128xi32, #tpu.memory_space<vmem>>, vector<16xi32>,
      %swap3A_332 = arith.constant 96 : index
      %swap3A_333 = tpu.vector_load %arg17[%swap3A_332] {strides = array<i32>} : memref<128xi32, #tpu.memory_space<vmem>>, vector<16xi32>,
      tpu.vector_store %arg17[%swap3A_332], %get3A_331 {strides = array<i32>} : memref<128xi32, #tpu.memory_space<vmem>>, vector<16xi32>,
      %get3A_334 = arith.constant 112 : index
      %get3A_335 = tpu.vector_load %arg16[%get3A_334] {strides = array<i32>} : memref<128xi32, #tpu.memory_space<vmem>>, vector<16xi32>,
      %swap3A_336 = arith.constant 112 : index
      %swap3A_337 = tpu.vector_load %arg17[%swap3A_336] {strides = array<i32>} : memref<128xi32, #tpu.memory_space<vmem>>, vector<16xi32>,
      tpu.vector_store %arg17[%swap3A_336], %get3A_335 {strides = array<i32>} : memref<128xi32, #tpu.memory_space<vmem>>, vector<16xi32>,
      %scan3A_338 = arith.constant 0 : i32
      %scan3A_339 = arith.constant 128 : i32
      %scan3A_340 = arith.addi %scan3A_338, %scan3A_339 : i32
      %scan3A_341 = arith.constant 1 : i32
      scf.for %scan3A_346 = %scan3A_338 to %scan3A_340 step %scan3A_341  : i32 {
        %mul3A_347 = arith.constant 1 : i32
        %mul3A_348 = arith.muli %scan3A_346, %mul3A_347 : i32
        %add3A_349 = arith.constant 0 : i32
        %add3A_350 = arith.addi %add3A_349, %mul3A_348 : i32
        %get3A_351 = arith.index_cast %add3A_350 : i32 to index
        %get3A_352 = arith.constant 64 : index
        %get3A_353 = tpu.vector_load %arg18[%get3A_351, %get3A_352] {strides = array<i32>} : memref<128x80xf32, #tpu.memory_space<vmem>>, vector<16xf32>,
        %get3A_354 = arith.index_cast %add3A_350 : i32 to index
        %get3A_355 = arith.constant 0 : index
        %get3A_356 = tpu.vector_load %arg19[%get3A_354, %get3A_355] {strides = array<i32>} : memref<128x16xf32, #tpu.memory_space<vmem>>, vector<16xf32>,
        %add3A_357 = arith.addf %get3A_353, %get3A_356 : vector<16xf32>
        %get3A_358 = arith.index_cast %add3A_350 : i32 to index
        %get3A_359 = arith.constant 0 : index
        %get3A_360 = tpu.vector_load %arg18[%get3A_358, %get3A_359] {strides = array<i32>} : memref<128x80xf32, #tpu.memory_space<vmem>>, vector<16xf32>,
        %get3A_361 = arith.index_cast %add3A_350 : i32 to index
        %get3A_362 = arith.constant 16 : index
        %get3A_363 = tpu.vector_load %arg18[%get3A_361, %get3A_362] {strides = array<i32>} : memref<128x80xf32, #tpu.memory_space<vmem>>, vector<16xf32>,
        %get3A_364 = arith.index_cast %add3A_350 : i32 to index
        %get3A_365 = arith.constant 32 : index
        %get3A_366 = tpu.vector_load %arg18[%get3A_364, %get3A_365] {strides = array<i32>} : memref<128x80xf32, #tpu.memory_space<vmem>>, vector<16xf32>,
        %get3A_367 = arith.index_cast %add3A_350 : i32 to index
        %get3A_368 = arith.constant 48 : index
        %get3A_369 = tpu.vector_load %arg18[%get3A_367, %get3A_368] {strides = array<i32>} : memref<128x80xf32, #tpu.memory_space<vmem>>, vector<16xf32>,
        %mul3A_370 = arith.constant 2.000000e-01 : f32
        %mul3A_371 = vector.broadcast %mul3A_370 : f32 to vector<16xf32>
        %mul3A_372 = arith.mulf %mul3A_371, %add3A_357 : vector<16xf32>
        %max3A = arith.maximumf %add3A_357, %mul3A_372 : vector<16xf32>
        %sub3A = arith.subf %max3A, %get3A_3 : vector<16xf32>
        %exp3A = math.exp %sub3A : vector<16xf32>
        %swap3A_373 = arith.index_cast %add3A_350 : i32 to index
        %swap3A_374 = arith.constant 64 : index
        %swap3A_375 = tpu.vector_load %arg18[%swap3A_373, %swap3A_374] {strides = array<i32>} : memref<128x80xf32, #tpu.memory_space<vmem>>, vector<16xf32>,
        tpu.vector_store %arg18[%swap3A_373, %swap3A_374], %exp3A {strides = array<i32>} : memref<128x80xf32, #tpu.memory_space<vmem>>, vector<16xf32>,
        %gather3A = vector.shape_cast %broadcast_in_dim3A_9 : vector<16x1xi32> to vector<16xi32>
        %gather3A_376 = tpu.dynamic_gather %exp3A[%gather3A] in [0] : vector<16xf32>, vector<16xi32> -> vector<16xf32>
        %mul3A_377 = arith.mulf %get3A_360, %gather3A_376 : vector<16xf32>
        %gather3A_378 = vector.shape_cast %broadcast_in_dim3A_11 : vector<16x1xi32> to vector<16xi32>
        %gather3A_379 = tpu.dynamic_gather %exp3A[%gather3A_378] in [0] : vector<16xf32>, vector<16xi32> -> vector<16xf32>
        %mul3A_380 = arith.mulf %get3A_363, %gather3A_379 : vector<16xf32>
        %gather3A_381 = vector.shape_cast %broadcast_in_dim3A_13 : vector<16x1xi32> to vector<16xi32>
        %gather3A_382 = tpu.dynamic_gather %exp3A[%gather3A_381] in [0] : vector<16xf32>, vector<16xi32> -> vector<16xf32>
        %mul3A_383 = arith.mulf %get3A_366, %gather3A_382 : vector<16xf32>
        %gather3A_384 = vector.shape_cast %broadcast_in_dim3A_15 : vector<16x1xi32> to vector<16xi32>
        %gather3A_385 = tpu.dynamic_gather %exp3A[%gather3A_384] in [0] : vector<16xf32>, vector<16xi32> -> vector<16xf32>
        %mul3A_386 = arith.mulf %get3A_369, %gather3A_385 : vector<16xf32>
        %swap3A_387 = arith.index_cast %add3A_350 : i32 to index
        %swap3A_388 = arith.constant 0 : index
        %swap3A_389 = tpu.vector_load %arg18[%swap3A_387, %swap3A_388] {strides = array<i32>} : memref<128x80xf32, #tpu.memory_space<vmem>>, vector<16xf32>,
        tpu.vector_store %arg18[%swap3A_387, %swap3A_388], %mul3A_377 {strides = array<i32>} : memref<128x80xf32, #tpu.memory_space<vmem>>, vector<16xf32>,
        %swap3A_390 = arith.index_cast %add3A_350 : i32 to index
        %swap3A_391 = arith.constant 16 : index
        %swap3A_392 = tpu.vector_load %arg18[%swap3A_390, %swap3A_391] {strides = array<i32>} : memref<128x80xf32, #tpu.memory_space<vmem>>, vector<16xf32>,
        tpu.vector_store %arg18[%swap3A_390, %swap3A_391], %mul3A_380 {strides = array<i32>} : memref<128x80xf32, #tpu.memory_space<vmem>>, vector<16xf32>,
        %swap3A_393 = arith.index_cast %add3A_350 : i32 to index
        %swap3A_394 = arith.constant 32 : index
        %swap3A_395 = tpu.vector_load %arg18[%swap3A_393, %swap3A_394] {strides = array<i32>} : memref<128x80xf32, #tpu.memory_space<vmem>>, vector<16xf32>,
        tpu.vector_store %arg18[%swap3A_393, %swap3A_394], %mul3A_383 {strides = array<i32>} : memref<128x80xf32, #tpu.memory_space<vmem>>, vector<16xf32>,
        %swap3A_396 = arith.index_cast %add3A_350 : i32 to index
        %swap3A_397 = arith.constant 48 : index
        %swap3A_398 = tpu.vector_load %arg18[%swap3A_396, %swap3A_397] {strides = array<i32>} : memref<128x80xf32, #tpu.memory_space<vmem>>, vector<16xf32>,
        tpu.vector_store %arg18[%swap3A_396, %swap3A_397], %mul3A_386 {strides = array<i32>} : memref<128x80xf32, #tpu.memory_space<vmem>>, vector<16xf32>,
      }
      %scan3A_342 = arith.constant 128 : i32
      %dma_start3A_343 = arith.constant 0 : i32
      %dma_start3A_344 = arith.constant 0 : i32
      %dma_start3A_345 = tpu.memref_slice %arg9[%dma_start3A_343, %dma_start3A_344] : memref<10240x80xf32, #tpu.memory_space<vmem_shared>> -> memref<10240x80xf32, #tpu.memory_space<vmem_shared>>
      tpu.enqueue_indirect_dma source(%arg18 : memref<128x80xf32, #tpu.memory_space<vmem>>) target(%dma_start3A_345 : memref<10240x80xf32, #tpu.memory_space<vmem_shared>>) offsets(%arg17 : memref<128xi32, #tpu.memory_space<vmem>>) semaphore(%arg34 : memref<!tpu.dma_semaphore, #tpu.memory_space<semaphore_mem>>) {add = true}
    }
    %scan3A_165 = arith.constant 38 : i32
    %dma_wait3A_166 = arith.constant 0 : i32
    %dma_wait3A_167 = arith.constant 0 : i32
    %dma_wait3A_168 = tpu.memref_slice %arg9[%dma_wait3A_166, %dma_wait3A_167] : memref<10240x80xf32, #tpu.memory_space<vmem_shared>> -> memref<10240x80xf32, #tpu.memory_space<vmem_shared>>
    tpu.wait_indirect_dma semaphore(%arg29 : memref<!tpu.dma_semaphore, #tpu.memory_space<semaphore_mem>>) src(%arg13 : memref<128x80xf32, #tpu.memory_space<vmem>>) dst(%dma_wait3A_168 : memref<10240x80xf32, #tpu.memory_space<vmem_shared>>)
    %dma_wait3A_169 = arith.constant 0 : i32
    %dma_wait3A_170 = arith.constant 0 : i32
    %dma_wait3A_171 = tpu.memref_slice %arg9[%dma_wait3A_169, %dma_wait3A_170] : memref<10240x80xf32, #tpu.memory_space<vmem_shared>> -> memref<10240x80xf32, #tpu.memory_space<vmem_shared>>
    tpu.wait_indirect_dma semaphore(%arg34 : memref<!tpu.dma_semaphore, #tpu.memory_space<semaphore_mem>>) src(%arg18 : memref<128x80xf32, #tpu.memory_space<vmem>>) dst(%dma_wait3A_171 : memref<10240x80xf32, #tpu.memory_space<vmem_shared>>)
    %dma_wait3A_172 = arith.constant 0 : i32
    %dma_wait3A_173 = tpu.memref_slice %arg5[%dma_wait3A_172] : memref<320000xi32, #tpu.memory_space<hbm>> -> memref<128xi32, #tpu.memory_space<hbm>>
    %dma_wait3A_174 = arith.constant 0 : i32
    %dma_wait3A_175 = tpu.memref_slice %arg5[%dma_wait3A_174] : memref<320000xi32, #tpu.memory_space<hbm>> -> memref<128xi32, #tpu.memory_space<hbm>>
    tpu.wait_dma2 semaphore(%arg25 : memref<!tpu.dma_semaphore, #tpu.memory_space<semaphore_mem>>) src(%dma_wait3A_175 : memref<128xi32, #tpu.memory_space<hbm>>) dst(%arg10 : memref<128xi32, #tpu.memory_space<vmem>>)
    %dma_wait3A_176 = arith.constant 0 : i32
    %dma_wait3A_177 = tpu.memref_slice %arg6[%dma_wait3A_176] : memref<320000xi32, #tpu.memory_space<hbm>> -> memref<128xi32, #tpu.memory_space<hbm>>
    %dma_wait3A_178 = arith.constant 0 : i32
    %dma_wait3A_179 = tpu.memref_slice %arg6[%dma_wait3A_178] : memref<320000xi32, #tpu.memory_space<hbm>> -> memref<128xi32, #tpu.memory_space<hbm>>
    tpu.wait_dma2 semaphore(%arg26 : memref<!tpu.dma_semaphore, #tpu.memory_space<semaphore_mem>>) src(%dma_wait3A_179 : memref<128xi32, #tpu.memory_space<hbm>>) dst(%arg11 : memref<128xi32, #tpu.memory_space<vmem>>)
    %add3A_180 = arith.constant 9984 : i32
    %add3A_181 = arith.addi %mul3A_8, %add3A_180 : i32
    "tpu.region"() ({
      %run_scoped3A = tpu.sem_alloc : memref<!tpu.dma_semaphore, #tpu.memory_space<semaphore_mem>>
      %dma_start3A_191 = tpu.memref_slice %arg5[%add3A_181] : memref<320000xi32, #tpu.memory_space<hbm>> -> memref<16xi32, #tpu.memory_space<hbm>>
      %dma_start3A_192 = tpu.memref_slice %arg5[%add3A_181] : memref<320000xi32, #tpu.memory_space<hbm>> -> memref<16xi32, #tpu.memory_space<hbm>>
      tpu.enqueue_dma source(%dma_start3A_192 : memref<16xi32, #tpu.memory_space<hbm>>) target(%arg20 : memref<16xi32, #tpu.memory_space<vmem>>) target_semaphore(%run_scoped3A : memref<!tpu.dma_semaphore, #tpu.memory_space<semaphore_mem>>)
      %dma_wait3A_193 = tpu.memref_slice %arg5[%add3A_181] : memref<320000xi32, #tpu.memory_space<hbm>> -> memref<16xi32, #tpu.memory_space<hbm>>
      %dma_wait3A_194 = tpu.memref_slice %arg5[%add3A_181] : memref<320000xi32, #tpu.memory_space<hbm>> -> memref<16xi32, #tpu.memory_space<hbm>>
      tpu.wait_dma2 semaphore(%run_scoped3A : memref<!tpu.dma_semaphore, #tpu.memory_space<semaphore_mem>>) src(%dma_wait3A_194 : memref<16xi32, #tpu.memory_space<hbm>>) dst(%arg20 : memref<16xi32, #tpu.memory_space<vmem>>)
      tpu.yield
    }) : () -> ()
    "tpu.region"() ({
      %run_scoped3A = tpu.sem_alloc : memref<!tpu.dma_semaphore, #tpu.memory_space<semaphore_mem>>
      %dma_start3A_191 = tpu.memref_slice %arg6[%add3A_181] : memref<320000xi32, #tpu.memory_space<hbm>> -> memref<16xi32, #tpu.memory_space<hbm>>
      %dma_start3A_192 = tpu.memref_slice %arg6[%add3A_181] : memref<320000xi32, #tpu.memory_space<hbm>> -> memref<16xi32, #tpu.memory_space<hbm>>
      tpu.enqueue_dma source(%dma_start3A_192 : memref<16xi32, #tpu.memory_space<hbm>>) target(%arg21 : memref<16xi32, #tpu.memory_space<vmem>>) target_semaphore(%run_scoped3A : memref<!tpu.dma_semaphore, #tpu.memory_space<semaphore_mem>>)
      %dma_wait3A_193 = tpu.memref_slice %arg6[%add3A_181] : memref<320000xi32, #tpu.memory_space<hbm>> -> memref<16xi32, #tpu.memory_space<hbm>>
      %dma_wait3A_194 = tpu.memref_slice %arg6[%add3A_181] : memref<320000xi32, #tpu.memory_space<hbm>> -> memref<16xi32, #tpu.memory_space<hbm>>
      tpu.wait_dma2 semaphore(%run_scoped3A : memref<!tpu.dma_semaphore, #tpu.memory_space<semaphore_mem>>) src(%dma_wait3A_194 : memref<16xi32, #tpu.memory_space<hbm>>) dst(%arg21 : memref<16xi32, #tpu.memory_space<vmem>>)
      tpu.yield
    }) : () -> ()
    "tpu.region"() ({
      %run_scoped3A = tpu.sem_alloc : memref<!tpu.dma_semaphore, #tpu.memory_space<semaphore_mem>>
      %dma_start3A_191 = arith.constant 0 : i32
      %dma_start3A_192 = arith.constant 0 : i32
      %dma_start3A_193 = tpu.memref_slice %arg2[%dma_start3A_191, %dma_start3A_192] : memref<10240x80xf32, #tpu.memory_space<hbm>> -> memref<10240x80xf32, #tpu.memory_space<hbm>>
      tpu.enqueue_indirect_dma source(%dma_start3A_193 : memref<10240x80xf32, #tpu.memory_space<hbm>>) target(%arg22 : memref<16x80xf32, #tpu.memory_space<vmem>>) offsets(%arg20 : memref<16xi32, #tpu.memory_space<vmem>>) semaphore(%run_scoped3A : memref<!tpu.dma_semaphore, #tpu.memory_space<semaphore_mem>>)
      %dma_wait3A_194 = arith.constant 0 : i32
      %dma_wait3A_195 = arith.constant 0 : i32
      %dma_wait3A_196 = tpu.memref_slice %arg2[%dma_wait3A_194, %dma_wait3A_195] : memref<10240x80xf32, #tpu.memory_space<hbm>> -> memref<10240x80xf32, #tpu.memory_space<hbm>>
      tpu.wait_indirect_dma semaphore(%run_scoped3A : memref<!tpu.dma_semaphore, #tpu.memory_space<semaphore_mem>>) src(%dma_wait3A_196 : memref<10240x80xf32, #tpu.memory_space<hbm>>) dst(%arg22 : memref<16x80xf32, #tpu.memory_space<vmem>>)
      tpu.yield
    }) : () -> ()
    "tpu.region"() ({
      %run_scoped3A = tpu.sem_alloc : memref<!tpu.dma_semaphore, #tpu.memory_space<semaphore_mem>>
      %dma_start3A_191 = arith.constant 0 : i32
      %dma_start3A_192 = arith.constant 0 : i32
      %dma_start3A_193 = tpu.memref_slice %arg3[%dma_start3A_191, %dma_start3A_192] : memref<10240x16xf32, #tpu.memory_space<hbm>> -> memref<10240x16xf32, #tpu.memory_space<hbm>>
      tpu.enqueue_indirect_dma source(%dma_start3A_193 : memref<10240x16xf32, #tpu.memory_space<hbm>>) target(%arg23 : memref<16x16xf32, #tpu.memory_space<vmem>>) offsets(%arg21 : memref<16xi32, #tpu.memory_space<vmem>>) semaphore(%run_scoped3A : memref<!tpu.dma_semaphore, #tpu.memory_space<semaphore_mem>>)
      %dma_wait3A_194 = arith.constant 0 : i32
      %dma_wait3A_195 = arith.constant 0 : i32
      %dma_wait3A_196 = tpu.memref_slice %arg3[%dma_wait3A_194, %dma_wait3A_195] : memref<10240x16xf32, #tpu.memory_space<hbm>> -> memref<10240x16xf32, #tpu.memory_space<hbm>>
      tpu.wait_indirect_dma semaphore(%run_scoped3A : memref<!tpu.dma_semaphore, #tpu.memory_space<semaphore_mem>>) src(%dma_wait3A_196 : memref<10240x16xf32, #tpu.memory_space<hbm>>) dst(%arg23 : memref<16x16xf32, #tpu.memory_space<vmem>>)
      tpu.yield
    }) : () -> ()
    %scan3A_182 = arith.constant 0 : i32
    %scan3A_183 = arith.constant 16 : i32
    %scan3A_184 = arith.addi %scan3A_182, %scan3A_183 : i32
    %scan3A_185 = arith.constant 1 : i32
    scf.for %scan3A_191 = %scan3A_182 to %scan3A_184 step %scan3A_185  : i32 {
      %mul3A_192 = arith.constant 1 : i32
      %mul3A_193 = arith.muli %scan3A_191, %mul3A_192 : i32
      %add3A_194 = arith.constant 0 : i32
      %add3A_195 = arith.addi %add3A_194, %mul3A_193 : i32
      %get3A_196 = arith.index_cast %add3A_195 : i32 to index
      %get3A_197 = arith.constant 64 : index
      %get3A_198 = tpu.vector_load %arg22[%get3A_196, %get3A_197] {strides = array<i32>} : memref<16x80xf32, #tpu.memory_space<vmem>>, vector<16xf32>,
      %get3A_199 = arith.index_cast %add3A_195 : i32 to index
      %get3A_200 = arith.constant 0 : index
      %get3A_201 = tpu.vector_load %arg23[%get3A_199, %get3A_200] {strides = array<i32>} : memref<16x16xf32, #tpu.memory_space<vmem>>, vector<16xf32>,
      %add3A_202 = arith.addf %get3A_198, %get3A_201 : vector<16xf32>
      %get3A_203 = arith.index_cast %add3A_195 : i32 to index
      %get3A_204 = arith.constant 0 : index
      %get3A_205 = tpu.vector_load %arg22[%get3A_203, %get3A_204] {strides = array<i32>} : memref<16x80xf32, #tpu.memory_space<vmem>>, vector<16xf32>,
      %get3A_206 = arith.index_cast %add3A_195 : i32 to index
      %get3A_207 = arith.constant 16 : index
      %get3A_208 = tpu.vector_load %arg22[%get3A_206, %get3A_207] {strides = array<i32>} : memref<16x80xf32, #tpu.memory_space<vmem>>, vector<16xf32>,
      %get3A_209 = arith.index_cast %add3A_195 : i32 to index
      %get3A_210 = arith.constant 32 : index
      %get3A_211 = tpu.vector_load %arg22[%get3A_209, %get3A_210] {strides = array<i32>} : memref<16x80xf32, #tpu.memory_space<vmem>>, vector<16xf32>,
      %get3A_212 = arith.index_cast %add3A_195 : i32 to index
      %get3A_213 = arith.constant 48 : index
      %get3A_214 = tpu.vector_load %arg22[%get3A_212, %get3A_213] {strides = array<i32>} : memref<16x80xf32, #tpu.memory_space<vmem>>, vector<16xf32>,
      %mul3A_215 = arith.constant 2.000000e-01 : f32
      %mul3A_216 = vector.broadcast %mul3A_215 : f32 to vector<16xf32>
      %mul3A_217 = arith.mulf %mul3A_216, %add3A_202 : vector<16xf32>
      %max3A = arith.maximumf %add3A_202, %mul3A_217 : vector<16xf32>
      %sub3A = arith.subf %max3A, %get3A_3 : vector<16xf32>
      %exp3A = math.exp %sub3A : vector<16xf32>
      %swap3A_218 = arith.index_cast %add3A_195 : i32 to index
      %swap3A_219 = arith.constant 64 : index
      %swap3A_220 = tpu.vector_load %arg22[%swap3A_218, %swap3A_219] {strides = array<i32>} : memref<16x80xf32, #tpu.memory_space<vmem>>, vector<16xf32>,
      tpu.vector_store %arg22[%swap3A_218, %swap3A_219], %exp3A {strides = array<i32>} : memref<16x80xf32, #tpu.memory_space<vmem>>, vector<16xf32>,
      %gather3A = vector.shape_cast %broadcast_in_dim3A_9 : vector<16x1xi32> to vector<16xi32>
      %gather3A_221 = tpu.dynamic_gather %exp3A[%gather3A] in [0] : vector<16xf32>, vector<16xi32> -> vector<16xf32>
      %mul3A_222 = arith.mulf %get3A_205, %gather3A_221 : vector<16xf32>
      %gather3A_223 = vector.shape_cast %broadcast_in_dim3A_11 : vector<16x1xi32> to vector<16xi32>
      %gather3A_224 = tpu.dynamic_gather %exp3A[%gather3A_223] in [0] : vector<16xf32>, vector<16xi32> -> vector<16xf32>
      %mul3A_225 = arith.mulf %get3A_208, %gather3A_224 : vector<16xf32>
      %gather3A_226 = vector.shape_cast %broadcast_in_dim3A_13 : vector<16x1xi32> to vector<16xi32>
      %gather3A_227 = tpu.dynamic_gather %exp3A[%gather3A_226] in [0] : vector<16xf32>, vector<16xi32> -> vector<16xf32>
      %mul3A_228 = arith.mulf %get3A_211, %gather3A_227 : vector<16xf32>
      %gather3A_229 = vector.shape_cast %broadcast_in_dim3A_15 : vector<16x1xi32> to vector<16xi32>
      %gather3A_230 = tpu.dynamic_gather %exp3A[%gather3A_229] in [0] : vector<16xf32>, vector<16xi32> -> vector<16xf32>
      %mul3A_231 = arith.mulf %get3A_214, %gather3A_230 : vector<16xf32>
      %swap3A_232 = arith.index_cast %add3A_195 : i32 to index
      %swap3A_233 = arith.constant 0 : index
      %swap3A_234 = tpu.vector_load %arg22[%swap3A_232, %swap3A_233] {strides = array<i32>} : memref<16x80xf32, #tpu.memory_space<vmem>>, vector<16xf32>,
      tpu.vector_store %arg22[%swap3A_232, %swap3A_233], %mul3A_222 {strides = array<i32>} : memref<16x80xf32, #tpu.memory_space<vmem>>, vector<16xf32>,
      %swap3A_235 = arith.index_cast %add3A_195 : i32 to index
      %swap3A_236 = arith.constant 16 : index
      %swap3A_237 = tpu.vector_load %arg22[%swap3A_235, %swap3A_236] {strides = array<i32>} : memref<16x80xf32, #tpu.memory_space<vmem>>, vector<16xf32>,
      tpu.vector_store %arg22[%swap3A_235, %swap3A_236], %mul3A_225 {strides = array<i32>} : memref<16x80xf32, #tpu.memory_space<vmem>>, vector<16xf32>,
      %swap3A_238 = arith.index_cast %add3A_195 : i32 to index
      %swap3A_239 = arith.constant 32 : index
      %swap3A_240 = tpu.vector_load %arg22[%swap3A_238, %swap3A_239] {strides = array<i32>} : memref<16x80xf32, #tpu.memory_space<vmem>>, vector<16xf32>,
      tpu.vector_store %arg22[%swap3A_238, %swap3A_239], %mul3A_228 {strides = array<i32>} : memref<16x80xf32, #tpu.memory_space<vmem>>, vector<16xf32>,
      %swap3A_241 = arith.index_cast %add3A_195 : i32 to index
      %swap3A_242 = arith.constant 48 : index
      %swap3A_243 = tpu.vector_load %arg22[%swap3A_241, %swap3A_242] {strides = array<i32>} : memref<16x80xf32, #tpu.memory_space<vmem>>, vector<16xf32>,
      tpu.vector_store %arg22[%swap3A_241, %swap3A_242], %mul3A_231 {strides = array<i32>} : memref<16x80xf32, #tpu.memory_space<vmem>>, vector<16xf32>,
    }
    %scan3A_186 = arith.constant 16 : i32
    "tpu.region"() ({
      %run_scoped3A = tpu.sem_alloc : memref<!tpu.dma_semaphore, #tpu.memory_space<semaphore_mem>>
      %dma_start3A_191 = arith.constant 0 : i32
      %dma_start3A_192 = arith.constant 0 : i32
      %dma_start3A_193 = tpu.memref_slice %arg9[%dma_start3A_191, %dma_start3A_192] : memref<10240x80xf32, #tpu.memory_space<vmem_shared>> -> memref<10240x80xf32, #tpu.memory_space<vmem_shared>>
      tpu.enqueue_indirect_dma source(%arg22 : memref<16x80xf32, #tpu.memory_space<vmem>>) target(%dma_start3A_193 : memref<10240x80xf32, #tpu.memory_space<vmem_shared>>) offsets(%arg21 : memref<16xi32, #tpu.memory_space<vmem>>) semaphore(%run_scoped3A : memref<!tpu.dma_semaphore, #tpu.memory_space<semaphore_mem>>) {add = true}
      %dma_wait3A_194 = arith.constant 0 : i32
      %dma_wait3A_195 = arith.constant 0 : i32
      %dma_wait3A_196 = tpu.memref_slice %arg9[%dma_wait3A_194, %dma_wait3A_195] : memref<10240x80xf32, #tpu.memory_space<vmem_shared>> -> memref<10240x80xf32, #tpu.memory_space<vmem_shared>>
      tpu.wait_indirect_dma semaphore(%run_scoped3A : memref<!tpu.dma_semaphore, #tpu.memory_space<semaphore_mem>>) src(%arg22 : memref<16x80xf32, #tpu.memory_space<vmem>>) dst(%dma_wait3A_196 : memref<10240x80xf32, #tpu.memory_space<vmem_shared>>)
      tpu.yield
    }) : () -> ()
    %barrier3A_187 = arith.constant 0 : index
    tpu.barrier barrier_id(%barrier3A_187)
    %mul3A_188 = arith.constant 10240 : i32
    %mul3A_189 = arith.muli %arg0, %mul3A_188 : i32
    %add3A_190 = arith.addi %mul3A_189, %mul3A_0 : i32
    "tpu.region"() ({
      %run_scoped3A = tpu.sem_alloc : memref<!tpu.dma_semaphore, #tpu.memory_space<semaphore_mem>>
      %dma_start3A_191 = arith.constant 0 : i32
      %dma_start3A_192 = tpu.memref_slice %arg8[%add3A_190, %dma_start3A_191] : memref<20480x80xf32, #tpu.memory_space<hbm>> -> memref<640x80xf32, #tpu.memory_space<hbm>>
      %dma_start3A_193 = arith.constant 0 : i32
      %dma_start3A_194 = tpu.memref_slice %arg9[%mul3A_0, %dma_start3A_193] : memref<10240x80xf32, #tpu.memory_space<vmem_shared>> -> memref<640x80xf32, #tpu.memory_space<vmem_shared>>
      tpu.enqueue_dma source(%dma_start3A_194 : memref<640x80xf32, #tpu.memory_space<vmem_shared>>) target(%dma_start3A_192 : memref<640x80xf32, #tpu.memory_space<hbm>>) target_semaphore(%run_scoped3A : memref<!tpu.dma_semaphore, #tpu.memory_space<semaphore_mem>>)
      %dma_wait3A_195 = arith.constant 0 : i32
      %dma_wait3A_196 = tpu.memref_slice %arg8[%add3A_190, %dma_wait3A_195] : memref<20480x80xf32, #tpu.memory_space<hbm>> -> memref<640x80xf32, #tpu.memory_space<hbm>>
      %dma_wait3A_197 = arith.constant 0 : i32
      %dma_wait3A_198 = tpu.memref_slice %arg9[%mul3A_0, %dma_wait3A_197] : memref<10240x80xf32, #tpu.memory_space<vmem_shared>> -> memref<640x80xf32, #tpu.memory_space<vmem_shared>>
      tpu.wait_dma2 semaphore(%run_scoped3A : memref<!tpu.dma_semaphore, #tpu.memory_space<semaphore_mem>>) src(%dma_wait3A_198 : memref<640x80xf32, #tpu.memory_space<vmem_shared>>) dst(%dma_wait3A_196 : memref<640x80xf32, #tpu.memory_space<hbm>>)
      tpu.yield
    }) : () -> ()
    return
  }
}

module attributes {stable_mosaic.version = 14 : i64} {
  func.func @_prep_body(%arg0: memref<10240x128xf32, #tpu.memory_space<vmem>>, %arg1: memref<128x128xf32, #tpu.memory_space<vmem>>, %arg2: memref<128x16xf32, #tpu.memory_space<vmem>>, %arg3: memref<128x16xf32, #tpu.memory_space<vmem>>, %arg4: memref<10240x144xf32, #tpu.memory_space<vmem>>, %arg5: memref<10240x16xf32, #tpu.memory_space<vmem>>, %arg6: memref<1x16xf32, #tpu.memory_space<vmem>>, %arg7: memref<20480x144xf32, #tpu.memory_space<vmem>>) attributes {dimension_semantics = [], scalar_prefetch = 0 : i64, scratch_operands = 0 : i64, tpu.core_type = #tpu.core_type<tc>} {
    %get3A = arith.constant 0 : index
    %get3A_0 = arith.constant 0 : index
    %get3A_1 = vector.load %arg0[%get3A, %get3A_0] : memref<10240x128xf32, #tpu.memory_space<vmem>>, vector<10240x128xf32>
    %get3A_2 = arith.constant 0 : index
    %get3A_3 = arith.constant 0 : index
    %get3A_4 = vector.load %arg1[%get3A_2, %get3A_3] : memref<128x128xf32, #tpu.memory_space<vmem>>, vector<128x128xf32>
    %dot_general3A = arith.constant dense<0.000000e+00> : vector<10240x128xf32>
    %dot_general3A_5 = tpu.matmul %get3A_1, %get3A_4, %dot_general3A {dimension_numbers = #tpu.dot_dimension_numbers<[1], [0], [0], [1], [0, 0, 1, 1], [], []>, transpose_lhs_hint = false} : vector<10240x128xf32>, vector<128x128xf32>, vector<10240x128xf32> -> vector<10240x128xf32>
    %get3A_6 = arith.constant 0 : index
    %get3A_7 = arith.constant 0 : index
    %get3A_8 = vector.load %arg2[%get3A_6, %get3A_7] : memref<128x16xf32, #tpu.memory_space<vmem>>, vector<128x16xf32>
    %dot_general3A_9 = arith.constant dense<0.000000e+00> : vector<10240x16xf32>
    %dot_general3A_10 = tpu.matmul %dot_general3A_5, %get3A_8, %dot_general3A_9 {dimension_numbers = #tpu.dot_dimension_numbers<[1], [0], [0], [1], [0, 0, 1, 1], [], []>, transpose_lhs_hint = false} : vector<10240x128xf32>, vector<128x16xf32>, vector<10240x16xf32> -> vector<10240x16xf32>
    %get3A_11 = arith.constant 0 : index
    %get3A_12 = arith.constant 0 : index
    %get3A_13 = vector.load %arg3[%get3A_11, %get3A_12] : memref<128x16xf32, #tpu.memory_space<vmem>>, vector<128x16xf32>
    %dot_general3A_14 = arith.constant dense<0.000000e+00> : vector<10240x16xf32>
    %dot_general3A_15 = tpu.matmul %dot_general3A_5, %get3A_13, %dot_general3A_14 {dimension_numbers = #tpu.dot_dimension_numbers<[1], [0], [0], [1], [0, 0, 1, 1], [], []>, transpose_lhs_hint = false} : vector<10240x128xf32>, vector<128x16xf32>, vector<10240x16xf32> -> vector<10240x16xf32>
    %concatenate3A = tpu.concatenate %dot_general3A_5, %dot_general3A_10 in 1 : vector<10240x128xf32>, vector<10240x16xf32> -> vector<10240x144xf32>
    %swap3A = arith.constant 0 : index
    %swap3A_16 = arith.constant 0 : index
    %swap3A_17 = vector.load %arg4[%swap3A, %swap3A_16] : memref<10240x144xf32, #tpu.memory_space<vmem>>, vector<10240x144xf32>
    tpu.vector_store %arg4[%swap3A, %swap3A_16], %concatenate3A {strides = array<i32>} : memref<10240x144xf32, #tpu.memory_space<vmem>>, vector<10240x144xf32>,
    %swap3A_18 = arith.constant 0 : index
    %swap3A_19 = arith.constant 0 : index
    %swap3A_20 = vector.load %arg5[%swap3A_18, %swap3A_19] : memref<10240x16xf32, #tpu.memory_space<vmem>>, vector<10240x16xf32>
    tpu.vector_store %arg5[%swap3A_18, %swap3A_19], %dot_general3A_15 {strides = array<i32>} : memref<10240x16xf32, #tpu.memory_space<vmem>>, vector<10240x16xf32>,
    %iota3A = tpu.iota {dimensions = array<i32: 1>} : vector<1x16xi32>
    %reduce_max3A = arith.constant dense<0xFF800000> : vector<16xf32>
    %reduce_max3A_21 = vector.multi_reduction <maximumf>, %dot_general3A_10, %reduce_max3A [0] : vector<10240x16xf32> to vector<16xf32>
    %broadcast_in_dim3A = vector.shape_cast %reduce_max3A_21 : vector<16xf32> to vector<1x16xf32>
    %reduce_max3A_22 = arith.constant dense<0xFF800000> : vector<16xf32>
    %reduce_max3A_23 = vector.multi_reduction <maximumf>, %dot_general3A_15, %reduce_max3A_22 [0] : vector<10240x16xf32> to vector<16xf32>
    %broadcast_in_dim3A_24 = vector.shape_cast %reduce_max3A_23 : vector<16xf32> to vector<1x16xf32>
    %add3A = arith.addf %broadcast_in_dim3A, %broadcast_in_dim3A_24 : vector<1x16xf32>
    %lt3A = arith.constant 8 : i32
    %lt3A_25 = vector.broadcast %lt3A : i32 to vector<1x16xi32>
    %lt3A_26 = arith.cmpi slt, %iota3A, %lt3A_25 : vector<1x16xi32>
    %max3A = arith.constant 0.000000e+00 : f32
    %max3A_27 = vector.broadcast %max3A : f32 to vector<1x16xf32>
    %max3A_28 = arith.maximumf %add3A, %max3A_27 : vector<1x16xf32>
    %jit3A = arith.constant 1.000000e+30 : f32
    %broadcast_in_dim3A_29 = vector.broadcast %jit3A : f32 to vector<1x16xf32>
    %select_n3A = arith.select %lt3A_26, %max3A_28, %broadcast_in_dim3A_29 : vector<1x16xi1>, vector<1x16xf32>
    %swap3A_30 = arith.constant 0 : index
    %swap3A_31 = arith.constant 0 : index
    %swap3A_32 = vector.load %arg6[%swap3A_30, %swap3A_31] : memref<1x16xf32, #tpu.memory_space<vmem>>, vector<1x16xf32>
    tpu.vector_store %arg6[%swap3A_30, %swap3A_31], %select_n3A {strides = array<i32>} : memref<1x16xf32, #tpu.memory_space<vmem>>, vector<1x16xf32>,
    %add3A_33 = arith.addf %dot_general3A_10, %dot_general3A_15 : vector<10240x16xf32>
    %mul3A = arith.constant 2.000000e-01 : f32
    %mul3A_34 = vector.broadcast %mul3A : f32 to vector<10240x16xf32>
    %mul3A_35 = arith.mulf %mul3A_34, %add3A_33 : vector<10240x16xf32>
    %max3A_36 = arith.maximumf %add3A_33, %mul3A_35 : vector<10240x16xf32>
    %sub3A = vector.broadcast %select_n3A : vector<1x16xf32> to vector<10240x16xf32>
    %sub3A_37 = arith.subf %max3A_36, %sub3A : vector<10240x16xf32>
    %exp3A = math.exp %sub3A_37 : vector<10240x16xf32>
    %slice3A = vector.extract_strided_slice %dot_general3A_5 {offsets = [0, 0], sizes = [10240, 16], strides = [1, 1]} : vector<10240x128xf32> to vector<10240x16xf32>
    %slice3A_38 = vector.extract_strided_slice %exp3A {offsets = [0, 0], sizes = [10240, 1], strides = [1, 1]} : vector<10240x16xf32> to vector<10240x1xf32>
    %mul3A_39 = vector.broadcast %slice3A_38 : vector<10240x1xf32> to vector<10240x16xf32>
    %mul3A_40 = arith.mulf %slice3A, %mul3A_39 : vector<10240x16xf32>
    %slice3A_41 = vector.extract_strided_slice %dot_general3A_5 {offsets = [0, 16], sizes = [10240, 16], strides = [1, 1]} : vector<10240x128xf32> to vector<10240x16xf32>
    %slice3A_42 = vector.extract_strided_slice %exp3A {offsets = [0, 1], sizes = [10240, 1], strides = [1, 1]} : vector<10240x16xf32> to vector<10240x1xf32>
    %mul3A_43 = vector.broadcast %slice3A_42 : vector<10240x1xf32> to vector<10240x16xf32>
    %mul3A_44 = arith.mulf %slice3A_41, %mul3A_43 : vector<10240x16xf32>
    %slice3A_45 = vector.extract_strided_slice %dot_general3A_5 {offsets = [0, 32], sizes = [10240, 16], strides = [1, 1]} : vector<10240x128xf32> to vector<10240x16xf32>
    %slice3A_46 = vector.extract_strided_slice %exp3A {offsets = [0, 2], sizes = [10240, 1], strides = [1, 1]} : vector<10240x16xf32> to vector<10240x1xf32>
    %mul3A_47 = vector.broadcast %slice3A_46 : vector<10240x1xf32> to vector<10240x16xf32>
    %mul3A_48 = arith.mulf %slice3A_45, %mul3A_47 : vector<10240x16xf32>
    %slice3A_49 = vector.extract_strided_slice %dot_general3A_5 {offsets = [0, 48], sizes = [10240, 16], strides = [1, 1]} : vector<10240x128xf32> to vector<10240x16xf32>
    %slice3A_50 = vector.extract_strided_slice %exp3A {offsets = [0, 3], sizes = [10240, 1], strides = [1, 1]} : vector<10240x16xf32> to vector<10240x1xf32>
    %mul3A_51 = vector.broadcast %slice3A_50 : vector<10240x1xf32> to vector<10240x16xf32>
    %mul3A_52 = arith.mulf %slice3A_49, %mul3A_51 : vector<10240x16xf32>
    %slice3A_53 = vector.extract_strided_slice %dot_general3A_5 {offsets = [0, 64], sizes = [10240, 16], strides = [1, 1]} : vector<10240x128xf32> to vector<10240x16xf32>
    %slice3A_54 = vector.extract_strided_slice %exp3A {offsets = [0, 4], sizes = [10240, 1], strides = [1, 1]} : vector<10240x16xf32> to vector<10240x1xf32>
    %mul3A_55 = vector.broadcast %slice3A_54 : vector<10240x1xf32> to vector<10240x16xf32>
    %mul3A_56 = arith.mulf %slice3A_53, %mul3A_55 : vector<10240x16xf32>
    %slice3A_57 = vector.extract_strided_slice %dot_general3A_5 {offsets = [0, 80], sizes = [10240, 16], strides = [1, 1]} : vector<10240x128xf32> to vector<10240x16xf32>
    %slice3A_58 = vector.extract_strided_slice %exp3A {offsets = [0, 5], sizes = [10240, 1], strides = [1, 1]} : vector<10240x16xf32> to vector<10240x1xf32>
    %mul3A_59 = vector.broadcast %slice3A_58 : vector<10240x1xf32> to vector<10240x16xf32>
    %mul3A_60 = arith.mulf %slice3A_57, %mul3A_59 : vector<10240x16xf32>
    %slice3A_61 = vector.extract_strided_slice %dot_general3A_5 {offsets = [0, 96], sizes = [10240, 16], strides = [1, 1]} : vector<10240x128xf32> to vector<10240x16xf32>
    %slice3A_62 = vector.extract_strided_slice %exp3A {offsets = [0, 6], sizes = [10240, 1], strides = [1, 1]} : vector<10240x16xf32> to vector<10240x1xf32>
    %mul3A_63 = vector.broadcast %slice3A_62 : vector<10240x1xf32> to vector<10240x16xf32>
    %mul3A_64 = arith.mulf %slice3A_61, %mul3A_63 : vector<10240x16xf32>
    %slice3A_65 = vector.extract_strided_slice %dot_general3A_5 {offsets = [0, 112], sizes = [10240, 16], strides = [1, 1]} : vector<10240x128xf32> to vector<10240x16xf32>
    %slice3A_66 = vector.extract_strided_slice %exp3A {offsets = [0, 7], sizes = [10240, 1], strides = [1, 1]} : vector<10240x16xf32> to vector<10240x1xf32>
    %mul3A_67 = vector.broadcast %slice3A_66 : vector<10240x1xf32> to vector<10240x16xf32>
    %mul3A_68 = arith.mulf %slice3A_65, %mul3A_67 : vector<10240x16xf32>
    %concatenate3A_69 = tpu.concatenate %mul3A_40, %mul3A_44, %mul3A_48, %mul3A_52, %mul3A_56, %mul3A_60, %mul3A_64, %mul3A_68, %exp3A in 1 : vector<10240x16xf32>, vector<10240x16xf32>, vector<10240x16xf32>, vector<10240x16xf32>, vector<10240x16xf32>, vector<10240x16xf32>, vector<10240x16xf32>, vector<10240x16xf32>, vector<10240x16xf32> -> vector<10240x144xf32>
    %broadcast_in_dim3A_70 = arith.constant 0.000000e+00 : f32
    %broadcast_in_dim3A_71 = vector.broadcast %broadcast_in_dim3A_70 : f32 to vector<10240x144xf32>
    %concatenate3A_72 = tpu.concatenate %concatenate3A_69, %broadcast_in_dim3A_71 in 0 : vector<10240x144xf32>, vector<10240x144xf32> -> vector<20480x144xf32>
    %swap3A_73 = arith.constant 0 : index
    %swap3A_74 = arith.constant 0 : index
    %swap3A_75 = vector.load %arg7[%swap3A_73, %swap3A_74] : memref<20480x144xf32, #tpu.memory_space<vmem>>, vector<20480x144xf32>
    tpu.vector_store %arg7[%swap3A_73, %swap3A_74], %concatenate3A_72 {strides = array<i32>} : memref<20480x144xf32, #tpu.memory_space<vmem>>, vector<20480x144xf32>,
    return
  }
}

module attributes {stable_mosaic.version = 14 : i64} {
  func.func @_combine_body(%arg0: memref<20480x144xf32, #tpu.memory_space<vmem>>, %arg1: memref<1x128xf32, #tpu.memory_space<vmem>>, %arg2: memref<10240x128xf32, #tpu.memory_space<vmem>>) attributes {dimension_semantics = [], scalar_prefetch = 0 : i64, scratch_operands = 0 : i64, tpu.core_type = #tpu.core_type<tc>} {
    %get3A = arith.constant 0 : index
    %get3A_0 = arith.constant 0 : index
    %get3A_1 = vector.load %arg0[%get3A, %get3A_0] : memref<20480x144xf32, #tpu.memory_space<vmem>>, vector<10240x144xf32>
    %get3A_2 = arith.constant 10240 : index
    %get3A_3 = arith.constant 0 : index
    %get3A_4 = vector.load %arg0[%get3A_2, %get3A_3] : memref<20480x144xf32, #tpu.memory_space<vmem>>, vector<10240x144xf32>
    %add3A = arith.addf %get3A_1, %get3A_4 : vector<10240x144xf32>
    %slice3A = vector.extract_strided_slice %add3A {offsets = [0, 0], sizes = [10240, 128], strides = [1, 1]} : vector<10240x144xf32> to vector<10240x128xf32>
    %slice3A_5 = vector.extract_strided_slice %add3A {offsets = [0, 128], sizes = [10240, 16], strides = [1, 1]} : vector<10240x144xf32> to vector<10240x16xf32>
    %slice3A_6 = vector.extract_strided_slice %slice3A {offsets = [0, 0], sizes = [10240, 16], strides = [1, 1]} : vector<10240x128xf32> to vector<10240x16xf32>
    %slice3A_7 = vector.extract_strided_slice %slice3A_5 {offsets = [0, 0], sizes = [10240, 1], strides = [1, 1]} : vector<10240x16xf32> to vector<10240x1xf32>
    %add3A_8 = arith.constant 1.000000e-16 : f32
    %add3A_9 = vector.broadcast %add3A_8 : f32 to vector<10240x1xf32>
    %add3A_10 = arith.addf %slice3A_7, %add3A_9 : vector<10240x1xf32>
    %div3A = vector.broadcast %add3A_10 : vector<10240x1xf32> to vector<10240x16xf32>
    %div3A_11 = arith.divf %slice3A_6, %div3A : vector<10240x16xf32>
    %slice3A_12 = vector.extract_strided_slice %slice3A {offsets = [0, 16], sizes = [10240, 16], strides = [1, 1]} : vector<10240x128xf32> to vector<10240x16xf32>
    %slice3A_13 = vector.extract_strided_slice %slice3A_5 {offsets = [0, 1], sizes = [10240, 1], strides = [1, 1]} : vector<10240x16xf32> to vector<10240x1xf32>
    %add3A_14 = arith.constant 1.000000e-16 : f32
    %add3A_15 = vector.broadcast %add3A_14 : f32 to vector<10240x1xf32>
    %add3A_16 = arith.addf %slice3A_13, %add3A_15 : vector<10240x1xf32>
    %div3A_17 = vector.broadcast %add3A_16 : vector<10240x1xf32> to vector<10240x16xf32>
    %div3A_18 = arith.divf %slice3A_12, %div3A_17 : vector<10240x16xf32>
    %slice3A_19 = vector.extract_strided_slice %slice3A {offsets = [0, 32], sizes = [10240, 16], strides = [1, 1]} : vector<10240x128xf32> to vector<10240x16xf32>
    %slice3A_20 = vector.extract_strided_slice %slice3A_5 {offsets = [0, 2], sizes = [10240, 1], strides = [1, 1]} : vector<10240x16xf32> to vector<10240x1xf32>
    %add3A_21 = arith.constant 1.000000e-16 : f32
    %add3A_22 = vector.broadcast %add3A_21 : f32 to vector<10240x1xf32>
    %add3A_23 = arith.addf %slice3A_20, %add3A_22 : vector<10240x1xf32>
    %div3A_24 = vector.broadcast %add3A_23 : vector<10240x1xf32> to vector<10240x16xf32>
    %div3A_25 = arith.divf %slice3A_19, %div3A_24 : vector<10240x16xf32>
    %slice3A_26 = vector.extract_strided_slice %slice3A {offsets = [0, 48], sizes = [10240, 16], strides = [1, 1]} : vector<10240x128xf32> to vector<10240x16xf32>
    %slice3A_27 = vector.extract_strided_slice %slice3A_5 {offsets = [0, 3], sizes = [10240, 1], strides = [1, 1]} : vector<10240x16xf32> to vector<10240x1xf32>
    %add3A_28 = arith.constant 1.000000e-16 : f32
    %add3A_29 = vector.broadcast %add3A_28 : f32 to vector<10240x1xf32>
    %add3A_30 = arith.addf %slice3A_27, %add3A_29 : vector<10240x1xf32>
    %div3A_31 = vector.broadcast %add3A_30 : vector<10240x1xf32> to vector<10240x16xf32>
    %div3A_32 = arith.divf %slice3A_26, %div3A_31 : vector<10240x16xf32>
    %slice3A_33 = vector.extract_strided_slice %slice3A {offsets = [0, 64], sizes = [10240, 16], strides = [1, 1]} : vector<10240x128xf32> to vector<10240x16xf32>
    %slice3A_34 = vector.extract_strided_slice %slice3A_5 {offsets = [0, 4], sizes = [10240, 1], strides = [1, 1]} : vector<10240x16xf32> to vector<10240x1xf32>
    %add3A_35 = arith.constant 1.000000e-16 : f32
    %add3A_36 = vector.broadcast %add3A_35 : f32 to vector<10240x1xf32>
    %add3A_37 = arith.addf %slice3A_34, %add3A_36 : vector<10240x1xf32>
    %div3A_38 = vector.broadcast %add3A_37 : vector<10240x1xf32> to vector<10240x16xf32>
    %div3A_39 = arith.divf %slice3A_33, %div3A_38 : vector<10240x16xf32>
    %slice3A_40 = vector.extract_strided_slice %slice3A {offsets = [0, 80], sizes = [10240, 16], strides = [1, 1]} : vector<10240x128xf32> to vector<10240x16xf32>
    %slice3A_41 = vector.extract_strided_slice %slice3A_5 {offsets = [0, 5], sizes = [10240, 1], strides = [1, 1]} : vector<10240x16xf32> to vector<10240x1xf32>
    %add3A_42 = arith.constant 1.000000e-16 : f32
    %add3A_43 = vector.broadcast %add3A_42 : f32 to vector<10240x1xf32>
    %add3A_44 = arith.addf %slice3A_41, %add3A_43 : vector<10240x1xf32>
    %div3A_45 = vector.broadcast %add3A_44 : vector<10240x1xf32> to vector<10240x16xf32>
    %div3A_46 = arith.divf %slice3A_40, %div3A_45 : vector<10240x16xf32>
    %slice3A_47 = vector.extract_strided_slice %slice3A {offsets = [0, 96], sizes = [10240, 16], strides = [1, 1]} : vector<10240x128xf32> to vector<10240x16xf32>
    %slice3A_48 = vector.extract_strided_slice %slice3A_5 {offsets = [0, 6], sizes = [10240, 1], strides = [1, 1]} : vector<10240x16xf32> to vector<10240x1xf32>
    %add3A_49 = arith.constant 1.000000e-16 : f32
    %add3A_50 = vector.broadcast %add3A_49 : f32 to vector<10240x1xf32>
    %add3A_51 = arith.addf %slice3A_48, %add3A_50 : vector<10240x1xf32>
    %div3A_52 = vector.broadcast %add3A_51 : vector<10240x1xf32> to vector<10240x16xf32>
    %div3A_53 = arith.divf %slice3A_47, %div3A_52 : vector<10240x16xf32>
    %slice3A_54 = vector.extract_strided_slice %slice3A {offsets = [0, 112], sizes = [10240, 16], strides = [1, 1]} : vector<10240x128xf32> to vector<10240x16xf32>
    %slice3A_55 = vector.extract_strided_slice %slice3A_5 {offsets = [0, 7], sizes = [10240, 1], strides = [1, 1]} : vector<10240x16xf32> to vector<10240x1xf32>
    %add3A_56 = arith.constant 1.000000e-16 : f32
    %add3A_57 = vector.broadcast %add3A_56 : f32 to vector<10240x1xf32>
    %add3A_58 = arith.addf %slice3A_55, %add3A_57 : vector<10240x1xf32>
    %div3A_59 = vector.broadcast %add3A_58 : vector<10240x1xf32> to vector<10240x16xf32>
    %div3A_60 = arith.divf %slice3A_54, %div3A_59 : vector<10240x16xf32>
    %concatenate3A = tpu.concatenate %div3A_11, %div3A_18, %div3A_25, %div3A_32, %div3A_39, %div3A_46, %div3A_53, %div3A_60 in 1 : vector<10240x16xf32>, vector<10240x16xf32>, vector<10240x16xf32>, vector<10240x16xf32>, vector<10240x16xf32>, vector<10240x16xf32>, vector<10240x16xf32>, vector<10240x16xf32> -> vector<10240x128xf32>
    %get3A_61 = arith.constant 0 : index
    %get3A_62 = arith.constant 0 : index
    %get3A_63 = vector.load %arg1[%get3A_61, %get3A_62] : memref<1x128xf32, #tpu.memory_space<vmem>>, vector<1x128xf32>
    %add3A_64 = vector.broadcast %get3A_63 : vector<1x128xf32> to vector<10240x128xf32>
    %add3A_65 = arith.addf %concatenate3A, %add3A_64 : vector<10240x128xf32>
    %gt3A = arith.constant 0.000000e+00 : f32
    %gt3A_66 = vector.broadcast %gt3A : f32 to vector<10240x128xf32>
    %gt3A_67 = arith.cmpf ogt, %add3A_65, %gt3A_66 : vector<10240x128xf32>
    %exp3A = math.exp %add3A_65 : vector<10240x128xf32>
    %sub3A = arith.constant 1.000000e+00 : f32
    %sub3A_68 = vector.broadcast %sub3A : f32 to vector<10240x128xf32>
    %sub3A_69 = arith.subf %exp3A, %sub3A_68 : vector<10240x128xf32>
    %select_n3A = arith.select %gt3A_67, %add3A_65, %sub3A_69 : vector<10240x128xi1>, vector<10240x128xf32>
    %swap3A = arith.constant 0 : index
    %swap3A_70 = arith.constant 0 : index
    %swap3A_71 = vector.load %arg2[%swap3A, %swap3A_70] : memref<10240x128xf32, #tpu.memory_space<vmem>>, vector<10240x128xf32>
    tpu.vector_store %arg2[%swap3A, %swap3A_70], %select_n3A {strides = array<i32>} : memref<10240x128xf32, #tpu.memory_space<vmem>>, vector<10240x128xf32>,
    return
  }
}

module attributes {stable_mosaic.version = 14 : i64} {
  func.func @_prep_body(%arg0: memref<10240x128xf32, #tpu.memory_space<vmem>>, %arg1: memref<128x64xf32, #tpu.memory_space<vmem>>, %arg2: memref<64x16xf32, #tpu.memory_space<vmem>>, %arg3: memref<64x16xf32, #tpu.memory_space<vmem>>, %arg4: memref<10240x80xf32, #tpu.memory_space<vmem>>, %arg5: memref<10240x16xf32, #tpu.memory_space<vmem>>, %arg6: memref<1x16xf32, #tpu.memory_space<vmem>>, %arg7: memref<20480x80xf32, #tpu.memory_space<vmem>>) attributes {dimension_semantics = [], scalar_prefetch = 0 : i64, scratch_operands = 0 : i64, tpu.core_type = #tpu.core_type<tc>} {
    %get3A = arith.constant 0 : index
    %get3A_0 = arith.constant 0 : index
    %get3A_1 = vector.load %arg0[%get3A, %get3A_0] : memref<10240x128xf32, #tpu.memory_space<vmem>>, vector<10240x128xf32>
    %get3A_2 = arith.constant 0 : index
    %get3A_3 = arith.constant 0 : index
    %get3A_4 = vector.load %arg1[%get3A_2, %get3A_3] : memref<128x64xf32, #tpu.memory_space<vmem>>, vector<128x64xf32>
    %dot_general3A = arith.constant dense<0.000000e+00> : vector<10240x64xf32>
    %dot_general3A_5 = tpu.matmul %get3A_1, %get3A_4, %dot_general3A {dimension_numbers = #tpu.dot_dimension_numbers<[1], [0], [0], [1], [0, 0, 1, 1], [], []>, transpose_lhs_hint = false} : vector<10240x128xf32>, vector<128x64xf32>, vector<10240x64xf32> -> vector<10240x64xf32>
    %get3A_6 = arith.constant 0 : index
    %get3A_7 = arith.constant 0 : index
    %get3A_8 = vector.load %arg2[%get3A_6, %get3A_7] : memref<64x16xf32, #tpu.memory_space<vmem>>, vector<64x16xf32>
    %dot_general3A_9 = arith.constant dense<0.000000e+00> : vector<10240x16xf32>
    %dot_general3A_10 = tpu.matmul %dot_general3A_5, %get3A_8, %dot_general3A_9 {dimension_numbers = #tpu.dot_dimension_numbers<[1], [0], [0], [1], [0, 0, 1, 1], [], []>, transpose_lhs_hint = false} : vector<10240x64xf32>, vector<64x16xf32>, vector<10240x16xf32> -> vector<10240x16xf32>
    %get3A_11 = arith.constant 0 : index
    %get3A_12 = arith.constant 0 : index
    %get3A_13 = vector.load %arg3[%get3A_11, %get3A_12] : memref<64x16xf32, #tpu.memory_space<vmem>>, vector<64x16xf32>
    %dot_general3A_14 = arith.constant dense<0.000000e+00> : vector<10240x16xf32>
    %dot_general3A_15 = tpu.matmul %dot_general3A_5, %get3A_13, %dot_general3A_14 {dimension_numbers = #tpu.dot_dimension_numbers<[1], [0], [0], [1], [0, 0, 1, 1], [], []>, transpose_lhs_hint = false} : vector<10240x64xf32>, vector<64x16xf32>, vector<10240x16xf32> -> vector<10240x16xf32>
    %concatenate3A = tpu.concatenate %dot_general3A_5, %dot_general3A_10 in 1 : vector<10240x64xf32>, vector<10240x16xf32> -> vector<10240x80xf32>
    %swap3A = arith.constant 0 : index
    %swap3A_16 = arith.constant 0 : index
    %swap3A_17 = vector.load %arg4[%swap3A, %swap3A_16] : memref<10240x80xf32, #tpu.memory_space<vmem>>, vector<10240x80xf32>
    tpu.vector_store %arg4[%swap3A, %swap3A_16], %concatenate3A {strides = array<i32>} : memref<10240x80xf32, #tpu.memory_space<vmem>>, vector<10240x80xf32>,
    %swap3A_18 = arith.constant 0 : index
    %swap3A_19 = arith.constant 0 : index
    %swap3A_20 = vector.load %arg5[%swap3A_18, %swap3A_19] : memref<10240x16xf32, #tpu.memory_space<vmem>>, vector<10240x16xf32>
    tpu.vector_store %arg5[%swap3A_18, %swap3A_19], %dot_general3A_15 {strides = array<i32>} : memref<10240x16xf32, #tpu.memory_space<vmem>>, vector<10240x16xf32>,
    %iota3A = tpu.iota {dimensions = array<i32: 1>} : vector<1x16xi32>
    %reduce_max3A = arith.constant dense<0xFF800000> : vector<16xf32>
    %reduce_max3A_21 = vector.multi_reduction <maximumf>, %dot_general3A_10, %reduce_max3A [0] : vector<10240x16xf32> to vector<16xf32>
    %broadcast_in_dim3A = vector.shape_cast %reduce_max3A_21 : vector<16xf32> to vector<1x16xf32>
    %reduce_max3A_22 = arith.constant dense<0xFF800000> : vector<16xf32>
    %reduce_max3A_23 = vector.multi_reduction <maximumf>, %dot_general3A_15, %reduce_max3A_22 [0] : vector<10240x16xf32> to vector<16xf32>
    %broadcast_in_dim3A_24 = vector.shape_cast %reduce_max3A_23 : vector<16xf32> to vector<1x16xf32>
    %add3A = arith.addf %broadcast_in_dim3A, %broadcast_in_dim3A_24 : vector<1x16xf32>
    %lt3A = arith.constant 1 : i32
    %lt3A_25 = vector.broadcast %lt3A : i32 to vector<1x16xi32>
    %lt3A_26 = arith.cmpi slt, %iota3A, %lt3A_25 : vector<1x16xi32>
    %max3A = arith.constant 0.000000e+00 : f32
    %max3A_27 = vector.broadcast %max3A : f32 to vector<1x16xf32>
    %max3A_28 = arith.maximumf %add3A, %max3A_27 : vector<1x16xf32>
    %jit3A = arith.constant 1.000000e+30 : f32
    %broadcast_in_dim3A_29 = vector.broadcast %jit3A : f32 to vector<1x16xf32>
    %select_n3A = arith.select %lt3A_26, %max3A_28, %broadcast_in_dim3A_29 : vector<1x16xi1>, vector<1x16xf32>
    %swap3A_30 = arith.constant 0 : index
    %swap3A_31 = arith.constant 0 : index
    %swap3A_32 = vector.load %arg6[%swap3A_30, %swap3A_31] : memref<1x16xf32, #tpu.memory_space<vmem>>, vector<1x16xf32>
    tpu.vector_store %arg6[%swap3A_30, %swap3A_31], %select_n3A {strides = array<i32>} : memref<1x16xf32, #tpu.memory_space<vmem>>, vector<1x16xf32>,
    %add3A_33 = arith.addf %dot_general3A_10, %dot_general3A_15 : vector<10240x16xf32>
    %mul3A = arith.constant 2.000000e-01 : f32
    %mul3A_34 = vector.broadcast %mul3A : f32 to vector<10240x16xf32>
    %mul3A_35 = arith.mulf %mul3A_34, %add3A_33 : vector<10240x16xf32>
    %max3A_36 = arith.maximumf %add3A_33, %mul3A_35 : vector<10240x16xf32>
    %sub3A = vector.broadcast %select_n3A : vector<1x16xf32> to vector<10240x16xf32>
    %sub3A_37 = arith.subf %max3A_36, %sub3A : vector<10240x16xf32>
    %exp3A = math.exp %sub3A_37 : vector<10240x16xf32>
    %slice3A = vector.extract_strided_slice %exp3A {offsets = [0, 0], sizes = [10240, 1], strides = [1, 1]} : vector<10240x16xf32> to vector<10240x1xf32>
    %mul3A_38 = vector.broadcast %slice3A : vector<10240x1xf32> to vector<10240x64xf32>
    %mul3A_39 = arith.mulf %dot_general3A_5, %mul3A_38 : vector<10240x64xf32>
    %concatenate3A_40 = tpu.concatenate %mul3A_39, %exp3A in 1 : vector<10240x64xf32>, vector<10240x16xf32> -> vector<10240x80xf32>
    %broadcast_in_dim3A_41 = arith.constant 0.000000e+00 : f32
    %broadcast_in_dim3A_42 = vector.broadcast %broadcast_in_dim3A_41 : f32 to vector<10240x80xf32>
    %concatenate3A_43 = tpu.concatenate %concatenate3A_40, %broadcast_in_dim3A_42 in 0 : vector<10240x80xf32>, vector<10240x80xf32> -> vector<20480x80xf32>
    %swap3A_44 = arith.constant 0 : index
    %swap3A_45 = arith.constant 0 : index
    %swap3A_46 = vector.load %arg7[%swap3A_44, %swap3A_45] : memref<20480x80xf32, #tpu.memory_space<vmem>>, vector<20480x80xf32>
    tpu.vector_store %arg7[%swap3A_44, %swap3A_45], %concatenate3A_43 {strides = array<i32>} : memref<20480x80xf32, #tpu.memory_space<vmem>>, vector<20480x80xf32>,
    return
  }
}

module attributes {stable_mosaic.version = 14 : i64} {
  func.func @_combine_body(%arg0: memref<20480x80xf32, #tpu.memory_space<vmem>>, %arg1: memref<1x64xf32, #tpu.memory_space<vmem>>, %arg2: memref<10240x64xf32, #tpu.memory_space<vmem>>) attributes {dimension_semantics = [], scalar_prefetch = 0 : i64, scratch_operands = 0 : i64, tpu.core_type = #tpu.core_type<tc>} {
    %get3A = arith.constant 0 : index
    %get3A_0 = arith.constant 0 : index
    %get3A_1 = vector.load %arg0[%get3A, %get3A_0] : memref<20480x80xf32, #tpu.memory_space<vmem>>, vector<10240x80xf32>
    %get3A_2 = arith.constant 10240 : index
    %get3A_3 = arith.constant 0 : index
    %get3A_4 = vector.load %arg0[%get3A_2, %get3A_3] : memref<20480x80xf32, #tpu.memory_space<vmem>>, vector<10240x80xf32>
    %add3A = arith.addf %get3A_1, %get3A_4 : vector<10240x80xf32>
    %slice3A = vector.extract_strided_slice %add3A {offsets = [0, 0], sizes = [10240, 64], strides = [1, 1]} : vector<10240x80xf32> to vector<10240x64xf32>
    %slice3A_5 = vector.extract_strided_slice %add3A {offsets = [0, 64], sizes = [10240, 16], strides = [1, 1]} : vector<10240x80xf32> to vector<10240x16xf32>
    %slice3A_6 = vector.extract_strided_slice %slice3A_5 {offsets = [0, 0], sizes = [10240, 1], strides = [1, 1]} : vector<10240x16xf32> to vector<10240x1xf32>
    %add3A_7 = arith.constant 1.000000e-16 : f32
    %add3A_8 = vector.broadcast %add3A_7 : f32 to vector<10240x1xf32>
    %add3A_9 = arith.addf %slice3A_6, %add3A_8 : vector<10240x1xf32>
    %div3A = vector.broadcast %add3A_9 : vector<10240x1xf32> to vector<10240x64xf32>
    %div3A_10 = arith.divf %slice3A, %div3A : vector<10240x64xf32>
    %get3A_11 = arith.constant 0 : index
    %get3A_12 = arith.constant 0 : index
    %get3A_13 = vector.load %arg1[%get3A_11, %get3A_12] : memref<1x64xf32, #tpu.memory_space<vmem>>, vector<1x64xf32>
    %add3A_14 = vector.broadcast %get3A_13 : vector<1x64xf32> to vector<10240x64xf32>
    %add3A_15 = arith.addf %div3A_10, %add3A_14 : vector<10240x64xf32>
    %swap3A = arith.constant 0 : index
    %swap3A_16 = arith.constant 0 : index
    %swap3A_17 = vector.load %arg2[%swap3A, %swap3A_16] : memref<10240x64xf32, #tpu.memory_space<vmem>>, vector<10240x64xf32>
    tpu.vector_store %arg2[%swap3A, %swap3A_16], %add3A_15 {strides = array<i32>} : memref<10240x64xf32, #tpu.memory_space<vmem>>, vector<10240x64xf32>,
    return
  }
}

</mosaic_0001>

<sc_bundles>
// kernel: kernel.11.cloned.1.call-start
scs
__scs_entry_jumppad:
0x0: {  	(pc) =	sbr.rel $0x88, $3  }
0x1: {  	(tag) =	ssettag $0x0;
	lr =	simm.s32 $0x1  }
0x2: {  	[smem:$0x3F97] =	sst lr;
	_ =	strace $0xD0000000  }
0x3: {  	_ = 	snop  }
0x4: {  	_ = 	snop  }
0x5: {  	_ = 	snop  }
0x6: {  	_ = 	snop  }
0x7: {  	_ = 	snop  }
__scs_overlays_trampoline_lowered:
0x8: {  	[smem:$0x3FA6] =	sst s0  }
0x9: {  	[smem:$0x3FA7] =	sst s1  }
0xa: {  	[smem:$0x3FA8] =	sst s2  }
0xb: {  	[smem:$0x3FA9] =	sst s3  }
0xc: {  	[smem:$0x3FAA] =	sst s4  }
0xd: {  	[smem:$0x3FAB] =	sst s5  }
0xe: {  	[smem:$0x3FAC] =	sst s6  }
0xf: {  	[smem:$0x3FAD] =	sst s7  }
0x10: {  	[smem:$0x3FAE] =	sst s8  }
0x11: {  	[smem:$0x3FAF] =	sst s9;
	s0 =	simm.s32 @!p0 $0x0  }
0x12: {  	s1 =	sld [smem:$0x3F95];
	s0 =	simm.s32 @p0 $0x1  }
0x13: {  	[smem:$0x3FB0] =	sst s0;
	s0 =	simm.s32 @!p1 $0x0  }
0x14: {  	s2 =	sld [smem:$0x3F94];
	s0 =	simm.s32 @p1 $0x1  }
0x15: {  	[smem:$0x3FB1] =	sst s0;
	s0 =	simm.s32 @!p2 $0x0  }
0x16: {  	s3 =	sld [smem:$0x3FDB];
	s0 =	simm.s32 @p2 $0x1  }
0x17: {  	s4 =	simm.s32 $0x1BF5;
	[smem:$0x3FB3] =	sst s0  }
0x18: {  	s0 =	sld [smem:$0x3F96];
	_ =	swait.ge [sflag:s4], $0x0  }
0x19: {  	s7 =	sld [smem:$0x3F97]  }
0x1a: {  	s8 =	sadd.s32 $0xFFFFE003, lr  }
0x1b: {  	s9 =	sadd.s32 $0xFFFFFEF7, lr;
	s5 =	simm.s32 $0xFFFFFFFF;
	p2 =	slt.u32 s8, $0xFFFFF086  }
0x1c: {  	p1 =	slt.u32 s9, $0xF7A;
	s5 =	simm.s32 @!p2 $0x0  }
0x1d: {  	s5 =	simm.s32 @p1 $0x1;
	p0 =	seq.s32 s7, s2  }
0x1e: {  	s7 =	smul.u32 @!p0 $0xF7A, s2;
	p2 =	seq.s32 @!p0 s5, $0x0  }
0x1f: {  	s9 =	smul.u32 $0xF7A, s1;
	s8 =	simm.s32 @!p0 $0x1BF5;
	p2 =	por !p2, p0  }
0x20: {  	[sflag:s8] =	ssyncset.s32 @!p0 $0xFFFFF086;
	s6 =	sadd.s32 @!p0 s3, s7;
	s7 =	simm.s32 @!p0 $0x108  }
0x21: {  	s3 =	sadd.s32 s3, s9;
	s6 =	sadd.s32 @!p0 $0x88, s6;
	s7 =	simm.s32 @p2 $0x1082  }
0x22: {  	[simem:s7], [sflag:s8] =	dma.local @!p0 [hbm:s6], $0xF7A  }
0x23: {  	s9 =	sor.u32 $0xD0000000, s2;
	s6 =	simm.s32 $0x108;
	_ =	swait.ge @!p0 [sflag:s8], $0x0  }
0x24: {  	s3 =	sadd.s32 $0x88, s3;
	s6 =	simm.s32 @!p1 $0x1082;
	[sflag:s4] =	ssyncset.s32 $0xFFFFF086  }
0x25: {  	[simem:s6], [sflag:s4] =	dma.local [hbm:s3], $0xF7A  }
0x26: {  	[smem:$0x3F97] =	sst s1;
	(tag) =	ssettag s2;
	_ =	strace s9  }
0x27: {  	s1 =	sld [smem:$0x3FA7]  }
0x28: {  	s2 =	sld [smem:$0x3FA8]  }
0x29: {  	s4 =	sld [smem:$0x3FAA]  }
0x2a: {  	p0 =	seq.s32 s5, $0x0;
	s5 =	sld [smem:$0x3FAB]  }
0x2b: {  	s6 =	sld [smem:$0x3FAC]  }
0x2c: {  	s7 =	sld [smem:$0x3FAD]  }
0x2d: {  	s3 =	simm.s32 $0x108;
	s8 =	sld [smem:$0x3FAE]  }
0x2e: {  	s3 =	simm.s32 @!p0 $0x1082;
	s9 =	sld [smem:$0x3FAF]  }
0x2f: {  	lr =	sadd.s32 s0, s3;
	s0 =	sld [smem:$0x3FA6]  }
0x30: {  	s3 =	sld [smem:$0x3FA9]  }
0x31: {  	[smem:$0x3FB2] =	sst s10  }
0x32: {  	s10 =	sld [smem:$0x3FB0];
	_ =	sdelay $0x3  }
0x33: {  	p0 =	seq.s32 s10, $0x1;
	s10 =	sld [smem:$0x3FB2];
	_ =	sdelay $0x3  }
0x34: {  	[smem:$0x3FB2] =	sst s10  }
0x35: {  	s10 =	sld [smem:$0x3FB1];
	_ =	sdelay $0x3  }
0x36: {  	p1 =	seq.s32 s10, $0x1;
	s10 =	sld [smem:$0x3FB2];
	_ =	sdelay $0x3  }
0x37: {  	[smem:$0x3FB2] =	sst s10  }
0x38: {  	s10 =	sld [smem:$0x3FB3]  }
0x39: {  	_ = 	snop;
	(pc) =	sbr.ind lr, $3  }
0x3a: {  	_ = 	snop  }
0x3b: {  	_ = 	snop  }
0x3c: {  	p2 =	seq.s32 s10, $0x1;
	s10 =	sld [smem:$0x3FB2]  }
0x3d: {  	_ =	shalt  }
0x3e: {  	_ =	shalt  }
0x3f: {  	_ =	shalt  }
0x40: {  	_ =	shalt  }
0x41: {  	_ =	shalt  }
0x42: {  	_ =	shalt  }
0x43: {  	_ =	shalt  }
0x44: {  	_ =	shalt  }
0x45: {  	_ =	shalt  }
0x46: {  	_ =	shalt  }
0x47: {  	_ =	shalt  }
0x48: {  	_ =	shalt  }
0x49: {  	_ =	shalt  }
0x4a: {  	_ =	shalt  }
0x4b: {  	_ =	shalt  }
0x4c: {  	_ =	shalt  }
0x4d: {  	_ =	shalt  }
0x4e: {  	_ =	shalt  }
0x4f: {  	_ =	shalt  }
0x50: {  	_ =	shalt  }
0x51: {  	_ =	shalt  }
0x52: {  	_ =	shalt  }
0x53: {  	_ =	shalt  }
0x54: {  	_ =	shalt  }
0x55: {  	_ =	shalt  }
0x56: {  	_ =	shalt  }
0x57: {  	_ =	shalt  }
0x58: {  	_ =	shalt  }
0x59: {  	_ =	shalt  }
0x5a: {  	_ =	shalt  }
0x5b: {  	_ =	shalt  }
0x5c: {  	_ =	shalt  }
0x5d: {  	_ =	shalt  }
0x5e: {  	_ =	shalt  }
0x5f: {  	_ =	shalt  }
0x60: {  	_ =	shalt  }
0x61: {  	_ =	shalt  }
0x62: {  	_ =	shalt  }
0x63: {  	_ =	shalt  }
0x64: {  	_ =	shalt  }
0x65: {  	_ =	shalt  }
0x66: {  	_ =	shalt  }
0x67: {  	_ =	shalt  }
0x68: {  	_ =	shalt  }
0x69: {  	_ =	shalt  }
0x6a: {  	_ =	shalt  }
0x6b: {  	_ =	shalt  }
0x6c: {  	_ =	shalt  }
0x6d: {  	_ =	shalt  }
0x6e: {  	_ =	shalt  }
0x6f: {  	_ =	shalt  }
0x70: {  	_ =	shalt  }
0x71: {  	_ =	shalt  }
0x72: {  	_ =	shalt  }
0x73: {  	_ =	shalt  }
0x74: {  	_ =	shalt  }
0x75: {  	_ =	shalt  }
0x76: {  	_ =	shalt  }
0x77: {  	_ =	shalt  }
0x78: {  	_ =	shalt  }
0x79: {  	_ =	shalt  }
0x7a: {  	_ =	shalt  }
0x7b: {  	_ =	shalt  }
0x7c: {  	_ =	shalt  }
0x7d: {  	_ =	shalt  }
0x7e: {  	_ =	shalt  }
0x7f: {  	_ =	shalt  }
0x80: {  	_ =	shalt  }
0x81: {  	_ =	shalt  }
0x82: {  	_ =	shalt  }
0x83: {  	_ =	shalt  }
0x84: {  	_ =	shalt  }
0x85: {  	_ =	shalt  }
0x86: {  	_ =	shalt  }
0x87: {  	_ =	shalt  }
.Lfunc_end0:
.L_simem_size_0:
called_computation.1_lowered:
.L_overlay_start_0:
0x88: {  	s2 =	sld [smem:$0x3FD9]  }
0x89: {  	s3 =	sld [smem:$0x3FFE];
	_ =	sdelay $0x1  }
0x8a: {  	s1 =	srdreg.scid  }
0x8b: {  	s0 =	sand.u32 $0x1, s1  }
0x8c: {  	s17 =	sshll.u32 s0, $0xA;
	s2 =	sadd.s32 s3, s2  }
0x8d: {  	s2 =	sadd.s32 s2, s17  }
0x8e: {  	[smem:$0x3FBE] =	sst s2  }
0x8f: {  	_ = 	snop  }
0x90: {  	s2 =	sld [smem:$0x3FD0];
	(tm) =	ssettm $0x1  }
0x91: {  	s18 =	sld [smem:$0x3FFB];
	_ =	sdelay $0x3  }
0x92: {  	_ =	strace s18  }
0x93: {  	s3 =	sld [smem:$0x3FFC];
	_ =	sdelay $0x3  }
0x94: {  	_ =	strace s3  }
0x95: {  	s3 =	sld [smem:$0x3FFD];
	_ =	sdelay $0x3  }
0x96: {  	_ =	strace s3  }
0x97: {  	_ =	strace $0x8FFFFFFF  }
0x98: {  	s19 =	sld [smem:$0x3FDB];
	_ =	sdelay $0x1  }
0x99: {  	s4 =	simm.s32 $_scs_section_size  }
0x9a: {  	s5 =	simm.s32 $_size__tile_overlayer_lowered;
	s6 =	simm.s32 $_tile_overlayer_lowered  }
0x9b: {  	s22 =	simm.s32 $0x1BFF;
	s21 =	sshll.u32 s6, $0x1;
	s3 =	sadd.s32 s4, s19  }
0x9c: {  	s7 =	simm.s32 $0x0;
	s20 =	sshll.u32 s5, $0x1;
	s5 =	sadd.s32 s21, s3  }
0x9d: {  	[timem:s7], [sflag:s22] =	dma.local [hbm:s5], s20  }
0x9e: {  	_ =	swait.ge [sflag:s22], s20  }
0x9f: {  	s4 =	ssub.s32 $0x0, s20;
	[sflag:s22] =	ssyncset.done $0x0  }
0xa0: {  	[sflag:s22] =	ssyncadd.s32 s4;
	_ =	sdelay $0x1  }
0xa1: {  	s23 =	simm.s32 $0x1B8B  }
0xa2: {  	_ =	swait.ge [sflag:s23], $0x1  }
0xa3: {  	[sflag:s23] =	ssyncset.done $0x0  }
0xa4: {  	s25 =	simm.s32 $0x1B8E;
	s24 =	sld [smem:$0x3FFE];
	[sflag:s23] =	ssyncadd.s32 $0xFFFFFFFF  }
0xa5: {  	s26 =	simm.s32 $execute0_lowered;
	[smem:$0x3FD2] =	sst s25  }
0xa6: {  	s5 =	sshll.u32 s26, $0x1;
	_ =	strace $0x80000049;
	[dreg:$0x1] =	wrdreg $0xFFFFFFFF  }
0xa7: {  	s28 =	simm.s32 $_size_execute0_lowered;
	s3 =	sadd.s32 s3, s5;
	[dreg:$0x0] =	wrdreg $0x0  }
0xa8: {  	s5 =	sshll.u32 s28, $0x1;
	[dreg:$0x2] =	wrdreg s3  }
0xa9: {  	[dreg:$0x3] =	wrdreg s5  }
0xaa: {  	[dreg:$0x4] =	wrdreg $0xC0  }
0xab: {  	_ =	task [dreg:s7], $0x5FFFF  }
0xac: {  	[dreg:$0x1] =	wrdreg $0xFFFFFFFF  }
0xad: {  	[dreg:$0x0] =	wrdreg $0x60  }
0xae: {  	[dreg:$0x2] =	wrdreg s24  }
0xaf: {  	[dreg:$0x3] =	wrdreg s2  }
0xb0: {  	[dreg:$0x4] =	wrdreg $0x0  }
0xb1: {  	[dreg:$0x5] =	wrdreg $0x9  }
0xb2: {  	_ =	task.clear_ibuf [dreg:s7], $0x6FFFF;
	_ =	strace $0x90000049  }
0xb3: {  	s29 =	simm.s32 $0x9;
	_ =	strace $0x8000004B  }
0xb4: {  	_ =	swait.ge [sflag:s29], $0x1  }
0xb5: {  	[sflag:s29] =	ssyncadd.s32 $0xFFFFFFFF  }
0xb6: {  	_ =	strace $0x9000004B  }
0xb7: {  	_ =	sfence  }
0xb8: {  	s30 =	sld [smem:$0x0];
	_ =	sdelay $0x2  }
0xb9: {  	s31 =	sshll.u32 s1, $0xD;
	s1 =	sshrl.u32 s1, $0x2  }
0xba: {  	s3 =	sand.u32 $0x4000, s31;
	s1 =	sadd.s32 s1, s30  }
0xbb: {  	s0 =	sor.u32 s3, s0;
	s1 =	sshll.u32 s1, $0x11  }
0xbc: {  	s0 =	sor.u32 s1, s0  }
0xbd: {  	s0 =	sadd.s32 $0x8F2B, s0  }
0xbe: {  	[sflag:s0] =	ssyncadd.remote.s32 $0x1  }
0xbf: {  	_ =	sfence.sel $0xFFFF  }
0xc0: {  	[dreg:$0x0] =	wrdreg $0xFFFFFFFF;
	(pc) =	sbr.abs _section_cstart, $3  }
0xc1: {  	[dreg:$0x1] =	wrdreg $0xFFFFFFFF  }
0xc2: {  	_ =	task.clear_ibuf [dreg:s7], $0x2FFFF;
	_ =	strace $0x9FFFFFFF  }
0xc3: {  	(tm) =	ssettm $0x7FFFFFFF  }
tec
execute0_lowered:
.L_overlay_start_1:
0x0: {  	(tag) =	ssettag $0x1  }
0x1: {  	s0 =	rddreg [dreg:$0x0]  }
0x2: {  	s1 =	rddreg [dreg:$0x1]  }
0x3: {  	s2 =	rddreg [dreg:$0x2];
	s3 =	simm.s32 $0x0  }
0x4: {  	s25 =	srdreg.scid;
	s11 =	stileid.u32;
	s28 =	simm.s32 $0xC880  }
0x5: {  	s29 =	simm.s32 $0x1;
	s30 =	simm.s32 $0x2;
	s31 =	simm.s32 $0x80  }
0x6: {  	[smem:$0x7FF] =	sst s3;
	s3 =	sand.u32 $0x1, s25;
	s5 =	sadd.s32 $0x10200, s0  }
0x7: {  	s6 =	sadd.s32 $0x29200, s0;
	s7 =	sadd.s32 $0x1400, s0;
	s26 =	smul.u32 $0x1900, s11  }
0x8: {  	s8 =	sadd.s32 $0x6400, s0;
	s9 =	smul.u32 $0x32000, s11;
	s15 =	sshll.u32 s11, $0x6  }
0x9: {  	_ =	strace $0x8000004A;
	s4 =	smul.u32 $0x19000, s3;
	s10 =	sshll.u32 s3, $0x4  }
0xa: {  	[dreg:$0x4] =	wrdreg s7;
	s3 =	ssub.s32 $0x2, s3;
	s10 =	sor.u32 s11, s10  }
0xb: {  	s12 =	sshrl.u32 s3, $0x1;
	s9 =	sshrl.u32 s9, $0x2;
	s11 =	sor.u32 $0x1C0B, s15  }
0xc: {  	s15 =	simm.s32 $0xFB00;
	s4 =	sadd.s32 s26, s4;
	s7 =	smul.u32 $0x2710, s10  }
0xd: {  	s3 =	ssub.s32 s3, s12;
	s13 =	sadd.s32 s9, s2;
	s9 =	simm.s32 $0x3  }
0xe: {  	s10 =	simm.s32 $0x4;
	[dreg:$0x7] =	wrdreg s11;
	s0 =	sadd.s32 s4, s0  }
0xf: {  	[dreg:$0x5] =	wrdreg s13;
	s26 =	smax.u32 s3, $0x1;
	s13 =	simm.s32 $0x6  }
0x10: {  	s14 =	sadd.s32 $0x2E200, s0;
	s16 =	sshrl.u32 s7, $0x3;
	[dreg:$0x11] =	wrdreg s26  }
0x11: {  	s0 =	sadd.s32 $0x60200, s0;
	s26 =	simm.s32 $0xC800;
	[dreg:$0x6] =	wrdreg s14  }
0x12: {  	s17 =	sadd.s32 s8, s16;
	s18 =	sadd.s32 $0x10, s16;
	s19 =	sadd.s32 s1, s16  }
0x13: {  	s21 =	sadd.s32 $0x20, s16;
	s24 =	sadd.s32 $0x4E0, s16;
	[dreg:$0x10] =	wrdreg s0  }
0x14: {  	s16 =	simm.s32 $0xB;
	s0 =	simm.s32 $0xC980;
	[dreg:$0x8] =	wrdreg s17  }
0x15: {  	s14 =	simm.s32 $0x7;
	[dreg:$0x9] =	wrdreg s19;
	s20 =	sadd.s32 s8, s18  }
0x16: {  	s4 =	sadd.s32 s1, s18;
	s22 =	sadd.s32 s8, s21;
	[dreg:$0xa] =	wrdreg s20  }
0x17: {  	s23 =	sadd.s32 s1, s21;
	s18 =	sadd.s32 $0x180, s7;
	[dreg:$0xb] =	wrdreg s4  }
0x18: {  	s19 =	sadd.s32 $0x200, s7;
	s25 =	sadd.s32 s8, s24;
	[dreg:$0xc] =	wrdreg s22  }
0x19: {  	s7 =	simm.s32 $0xFA00;
	s17 =	simm.s32 $0x8;
	[dreg:$0xd] =	wrdreg s23  }
0x1a: {  	s21 =	simm.s32 $0xFA80;
	[dreg:$0xe] =	wrdreg s25;
	s4 =	sadd.s32 s1, s24  }
0x1b: {  	s25 =	simm.s32 $0xF980;
	s20 =	simm.s32 $0x9;
	s22 =	simm.s32 $0x5  }
0x1c: {  	v0 =	vimm.s32 $0x0;
	s23 =	simm.s32 $0xA;
	[dreg:$0xf] =	wrdreg s4;
	s4 =	simm.s32 $0x0  }
.LBB2_1:
0x1d: {  	[dreg:$0x12] =	wrdreg s4  }
0x1e: {  	s3 =	rddreg [dreg:$0x5]  }
0x1f: {  	s24 =	rddreg [dreg:$0x6];
	s12 =	sshrl.u32 s3, $0x3  }
0x20: {  	[dreg:$0x13] =	wrdreg s12  }
0x21: {  	[spmem:s12], [sflag:s11] =	dma.local [hbm:s24], $0x1900  }
0x22: {  	_ =	swait.ge [sflag:s16], $0x1900  }
0x23: {  	s3 =	simm.s32 $0x0;
	[sflag:s16] =	ssyncset.done $0x0  }
0x24: {  	s12 =	simm.s32 $0x13120;
	s11 =	rddreg [dreg:$0x4];
	[sflag:s16] =	ssyncadd.s32 $0xFFFFE700  }
0x25: {  	[tilespmem:s12], [sflag:$0xB] =	stream.linear.gather [hbm4b:s11+s3], $0x10, $0x38;
	[tilespmem:$0x13130] =	vst v63  }
0x26: {  	_ =	swait.ge [sflag:s16], $0x10  }
0x27: {  	[sflag:s16] =	ssyncset.done $0x0  }
0x28: {  	[sflag:s16] =	ssyncadd.s32 $0xFFFFFFF0  }
0x29: {  	[bflag:$0x0] =	sbarrier.arrive $0xFFFF  }
0x2a: {  	s24 =	rddreg [dreg:$0x8]  }
0x2b: {  	v1 =	vld [tilespmem:$0x13120];
	[tilespmem:s26], [sflag:$0x1] =	stream.linear.gather [hbm4b:s24+s3], $0x80, $0x38  }
0x2c: {  	s11 =	rddreg [dreg:$0x9]  }
0x2d: {  	[tilespmem:s28], [sflag:$0x2] =	stream.linear.gather [hbm4b:s11+s3], $0x80, $0x38;
	[tilespmem:$0x13130] =	vst v63  }
0x2e: {  	_ =	swait.ge [sflag:s29], $0x80  }
0x2f: {  	[sflag:s29] =	ssyncset.done $0x0  }
0x30: {  	[sflag:s29] =	ssyncadd.s32 $0xFFFFFF80  }
0x31: {  	_ =	swait.ge [sflag:s30], $0x80  }
0x32: {  	[sflag:s30] =	ssyncset.done $0x0  }
0x33: {  	[sflag:s30] =	ssyncadd.s32 $0xFFFFFF80  }
0x34: {  	[tilespmem:s0], [sflag:$0x3] =	stream.indirect.gather [hbm4b:s5+s31], $0x50, s26, s31, $0xb8;
	[tilespmem:$0x13130] =	vst v63  }
0x35: {  	s12 =	simm.s32 $0xF180  }
0x36: {  	[tilespmem:s12], [sflag:$0x4] =	stream.indirect.gather [hbm4b:s6+s31], $0x10, s28, s31, $0xb8;
	[tilespmem:$0x13130] =	vst v63  }
0x37: {  	s16 =	rddreg [dreg:$0xa]  }
0x38: {  	[tilespmem:s25], [sflag:$0x6] =	stream.linear.gather [hbm4b:s16+s3], $0x80, $0x38;
	[tilespmem:$0x13130] =	vst v63  }
0x39: {  	s24 =	rddreg [dreg:$0xb]  }
0x3a: {  	[tilespmem:s7], [sflag:$0x7] =	stream.linear.gather [hbm4b:s24+s3], $0x80, $0x38;
	[tilespmem:$0x13130] =	vst v63  }
0x3b: {  	_ =	swait.ge [sflag:s9], $0x2800  }
0x3c: {  	[sflag:s9] =	ssyncset.done $0x0  }
0x3d: {  	[sflag:s9] =	ssyncadd.s32 $0xFFFFD800  }
0x3e: {  	_ =	swait.ge [sflag:s10], $0x800  }
0x3f: {  	[sflag:s10] =	ssyncset.done $0x0  }
0x40: {  	[sflag:s10] =	ssyncadd.s32 $0xFFFFF800  }
0x41: {  	v2 =	vld [tilespmem:$0xC880]  }
0x42: {  	v3 =	vld [tilespmem:$0xC890]  }
0x43: {  	v4 =	vld [tilespmem:$0xC8A0]  }
0x44: {  	v5 =	vld [tilespmem:$0xC8B0]  }
0x45: {  	v6 =	vld [tilespmem:$0xC8C0]  }
0x46: {  	v63 =	vld [tilespmem:$0xC8F0];
	[tilespmem:$0xC900] =	vst v2  }
0x47: {  	v2 =	vld [tilespmem:$0xC8D0];
	[tilespmem:$0xC910] =	vst v3  }
0x48: {  	v3 =	vld [tilespmem:$0xC8E0];
	[tilespmem:$0xC920] =	vst v4  }
0x49: {  	[tilespmem:$0xC930] =	vst v5  }
0x4a: {  	[tilespmem:$0xC940] =	vst v6  }
0x4b: {  	[tilespmem:$0xC970] =	vst v63  }
0x4c: {  	[tilespmem:$0xC950] =	vst v2  }
0x4d: {  	s3 =	simm.s32 $0xC9A0;
	[tilespmem:$0xC960] =	vst v3  }
0x4e: {  	s4 =	simm.s32 $0x40;
	s11 =	simm.s32 $0xC9A0;
	s12 =	simm.s32 $0x0;
	v2 =	vld [tilespmem:s3+$0x20]  }
.LBB2_2:
0x4f: {  	p0 =	sne.s32 s4, $0x1FC0;
	v3 =	vld [tilespmem:s12+$0xF180];
	_ =	sdelay $0x4  }
0x50: {  	v2 =	vadd.f32 v3, v2;
	_ =	sdelay $0x1  }
0x51: {  	v3 =	vmul.f32 $2.000000030e-01, v2;
	_ =	sdelay $0x1  }
0x52: {  	v2 =	vmax.f32 v2, v3  }
0x53: {  	v2 =	vsub.f32 v2, v1;
	_ =	sdelay $0x1  }
0x54: {  	v2 =	vmul.f32 $1.442695020e+00, v2;
	_ =	sdelay $0x1  }
0x55: {  	(erf) = vpow2.f32 v2;
	_ =	sdelay $0x4  }
0x56: {  	v2 =	vld [tilespmem:s3+$0xFFFFFFF0]  }
0x57: {  	v3 =	vld [tilespmem:s3+$0x10]  }
0x58: {  	v4 =	vld [tilespmem:s3+$0xFFFFFFE0]  }
0x59: {  	v5 =	vld [tilespmem:s3+$0x0]  }
0x5a: {  	v6 =	vpop (erf)  }
0x5b: {  	[tilespmem:s3+$0x20] =	vst v6;
	v6 =	vperm.xlane v6, v0;
	_ =	sdelay $0x1  }
0x5c: {  	v4 =	vmul.f32 v6, v4;
	v2 =	vmul.f32 v6, v2  }
.Ltmp0:
0x5d: {  	v3 =	vmul.f32 v6, v3;
	v5 =	vmul.f32 v6, v5;
	(pc) =	sbr.rel @p0 .LBB2_2-.Ltmp0, $4  }
0x5e: {  	[tilespmem:s3+$0xFFFFFFE0] =	vst v4  }
0x5f: {  	[tilespmem:s3+$0xFFFFFFF0] =	vst v2  }
0x60: {  	s3 =	sadd.s32 $0x50, s3;
	[tilespmem:s11+$0x0] =	vst v5  }
0x61: {  	s12 =	sshra.s32 s4, $0x2;
	s4 =	sadd.s32 $0x40, s4;
	v2 =	vld [tilespmem:s3+$0x20];
	[tilespmem:s11+$0x10] =	vst v3;
	s11 =	smov.u32 s3  }
0x62: {  	v3 =	vld [tilespmem:s12+$0xF180];
	_ =	sdelay $0x4  }
0x63: {  	v2 =	vadd.f32 v3, v2;
	_ =	sdelay $0x1  }
0x64: {  	v3 =	vmul.f32 $2.000000030e-01, v2;
	_ =	sdelay $0x1  }
0x65: {  	v2 =	vmax.f32 v2, v3  }
0x66: {  	v2 =	vsub.f32 v2, v1;
	_ =	sdelay $0x1  }
0x67: {  	v2 =	vmul.f32 $1.442695020e+00, v2;
	_ =	sdelay $0x1  }
0x68: {  	(erf) = vpow2.f32 v2;
	_ =	sdelay $0x6  }
0x69: {  	v2 =	vld [tilespmem:s3+$0xFFFFFFE0]  }
0x6a: {  	v3 =	vld [tilespmem:s3+$0xFFFFFFF0]  }
0x6b: {  	v4 =	vld [tilespmem:s3+$0x0];
	v5 =	vpop (erf)  }
0x6c: {  	v6 =	vld [tilespmem:s3+$0x10];
	v7 =	vperm.xlane v5, v0;
	_ =	sdelay $0x1  }
0x6d: {  	v2 =	vmul.f32 v7, v2  }
0x6e: {  	[tilespmem:s3+$0x20] =	vst v5;
	v3 =	vmul.f32 v7, v3  }
0x6f: {  	v4 =	vmul.f32 v7, v4;
	[tilespmem:s3+$0xFFFFFFE0] =	vst v2  }
0x70: {  	v2 =	vmul.f32 v7, v6;
	[tilespmem:s3+$0xFFFFFFF0] =	vst v3  }
0x71: {  	[tilespmem:s11+$0x0] =	vst v4  }
0x72: {  	[tilespmem:s11+$0x10] =	vst v2;
	s11 =	simm.s32 $0xC900  }
0x73: {  	[spmem:s2] =	stream.indirect.scatter.add.f32 [tilespmem:s0], [sflag:$0x5], $0x50, s11, s31, $0xb8;
	[tilespmem:$0x13130] =	vst v63  }
0x74: {  	_ =	swait.ge [sflag:s13], $0x80  }
0x75: {  	[sflag:s13] =	ssyncset.done $0x0  }
0x76: {  	[sflag:s13] =	ssyncadd.s32 $0xFFFFFF80  }
0x77: {  	_ =	swait.ge [sflag:s14], $0x80  }
0x78: {  	[sflag:s14] =	ssyncset.done $0x0  }
0x79: {  	[sflag:s14] =	ssyncadd.s32 $0xFFFFFF80  }
0x7a: {  	[tilespmem:s15], [sflag:$0x8] =	stream.indirect.gather [hbm4b:s5+s31], $0x50, s25, s31, $0xb8;
	[tilespmem:$0x13130] =	vst v63  }
0x7b: {  	s12 =	simm.s32 $0x12300  }
0x7c: {  	[tilespmem:s12], [sflag:$0x9] =	stream.indirect.gather [hbm4b:s6+s31], $0x10, s7, s31, $0xb8;
	[tilespmem:$0x13130] =	vst v63  }
0x7d: {  	s16 =	simm.s32 $0x0;
	s4 =	rddreg [dreg:$0xc]  }
0x7e: {  	[tilespmem:s26], [sflag:$0x1] =	stream.linear.gather [hbm4b:s4+s16], $0x80, $0x38;
	[tilespmem:$0x13130] =	vst v63  }
0x7f: {  	s24 =	rddreg [dreg:$0xd]  }
0x80: {  	[tilespmem:s28], [sflag:$0x2] =	stream.linear.gather [hbm4b:s24+s16], $0x80, $0x38;
	[tilespmem:$0x13130] =	vst v63  }
0x81: {  	_ =	swait.ge [sflag:s17], $0x2800  }
0x82: {  	[sflag:s17] =	ssyncset.done $0x0  }
0x83: {  	[sflag:s17] =	ssyncadd.s32 $0xFFFFD800  }
0x84: {  	_ =	swait.ge [sflag:s20], $0x800  }
0x85: {  	[sflag:s20] =	ssyncset.done $0x0  }
0x86: {  	[sflag:s20] =	ssyncadd.s32 $0xFFFFF800  }
0x87: {  	v2 =	vld [tilespmem:$0xFA00]  }
0x88: {  	v3 =	vld [tilespmem:$0xFA10]  }
0x89: {  	v60 =	vld [tilespmem:$0xFA20]  }
0x8a: {  	v61 =	vld [tilespmem:$0xFA30]  }
0x8b: {  	v62 =	vld [tilespmem:$0xFA40]  }
0x8c: {  	v63 =	vld [tilespmem:$0xFA70];
	[tilespmem:$0xFA80] =	vst v2  }
0x8d: {  	v2 =	vld [tilespmem:$0xFA50];
	[tilespmem:$0xFA90] =	vst v3  }
0x8e: {  	v3 =	vld [tilespmem:$0xFA60];
	[tilespmem:$0xFAA0] =	vst v60  }
0x8f: {  	[tilespmem:$0xFAB0] =	vst v61  }
0x90: {  	[tilespmem:$0xFAC0] =	vst v62  }
0x91: {  	[tilespmem:$0xFAF0] =	vst v63  }
0x92: {  	[tilespmem:$0xFAD0] =	vst v2  }
0x93: {  	s3 =	simm.s32 $0xFB20;
	[tilespmem:$0xFAE0] =	vst v3  }
0x94: {  	s11 =	simm.s32 $0xFB20;
	s12 =	simm.s32 $0x0;
	s4 =	simm.s32 $0x40;
	v2 =	vld [tilespmem:s3+$0x20]  }
.LBB2_4:
0x95: {  	p0 =	sne.s32 s4, $0x1FC0;
	v3 =	vld [tilespmem:s12+$0x12300];
	_ =	sdelay $0x4  }
0x96: {  	v2 =	vadd.f32 v3, v2;
	_ =	sdelay $0x1  }
0x97: {  	v3 =	vmul.f32 $2.000000030e-01, v2;
	_ =	sdelay $0x1  }
0x98: {  	v2 =	vmax.f32 v2, v3  }
0x99: {  	v2 =	vsub.f32 v2, v1;
	_ =	sdelay $0x1  }
0x9a: {  	v2 =	vmul.f32 $1.442695020e+00, v2;
	_ =	sdelay $0x1  }
0x9b: {  	(erf) = vpow2.f32 v2;
	_ =	sdelay $0x4  }
0x9c: {  	v2 =	vld [tilespmem:s3+$0xFFFFFFF0]  }
0x9d: {  	v3 =	vld [tilespmem:s3+$0x10]  }
0x9e: {  	v4 =	vld [tilespmem:s3+$0xFFFFFFE0]  }
0x9f: {  	v5 =	vld [tilespmem:s3+$0x0]  }
0xa0: {  	v6 =	vpop (erf)  }
0xa1: {  	[tilespmem:s3+$0x20] =	vst v6;
	v6 =	vperm.xlane v6, v0;
	_ =	sdelay $0x1  }
0xa2: {  	v4 =	vmul.f32 v6, v4;
	v2 =	vmul.f32 v6, v2  }
.Ltmp1:
0xa3: {  	v3 =	vmul.f32 v6, v3;
	v5 =	vmul.f32 v6, v5;
	(pc) =	sbr.rel @p0 .LBB2_4-.Ltmp1, $4  }
0xa4: {  	[tilespmem:s3+$0xFFFFFFE0] =	vst v4  }
0xa5: {  	[tilespmem:s3+$0xFFFFFFF0] =	vst v2  }
0xa6: {  	s3 =	sadd.s32 $0x50, s3;
	[tilespmem:s11+$0x0] =	vst v5  }
0xa7: {  	s12 =	sshra.s32 s4, $0x2;
	s4 =	sadd.s32 $0x40, s4;
	v2 =	vld [tilespmem:s3+$0x20];
	[tilespmem:s11+$0x10] =	vst v3;
	s11 =	smov.u32 s3  }
0xa8: {  	v3 =	vld [tilespmem:s12+$0x12300];
	_ =	sdelay $0x4  }
0xa9: {  	v2 =	vadd.f32 v3, v2;
	_ =	sdelay $0x1  }
0xaa: {  	v3 =	vmul.f32 $2.000000030e-01, v2;
	_ =	sdelay $0x1  }
0xab: {  	v2 =	vmax.f32 v2, v3  }
0xac: {  	v2 =	vsub.f32 v2, v1;
	_ =	sdelay $0x1  }
0xad: {  	v2 =	vmul.f32 $1.442695020e+00, v2;
	_ =	sdelay $0x1  }
0xae: {  	(erf) = vpow2.f32 v2;
	_ =	sdelay $0x6  }
0xaf: {  	v2 =	vld [tilespmem:s3+$0xFFFFFFE0]  }
0xb0: {  	v3 =	vld [tilespmem:s3+$0xFFFFFFF0]  }
0xb1: {  	v4 =	vld [tilespmem:s3+$0x0];
	v5 =	vpop (erf)  }
0xb2: {  	v6 =	vld [tilespmem:s3+$0x10];
	v7 =	vperm.xlane v5, v0;
	_ =	sdelay $0x1  }
0xb3: {  	v2 =	vmul.f32 v7, v2  }
0xb4: {  	[tilespmem:s3+$0x20] =	vst v5;
	v3 =	vmul.f32 v7, v3  }
0xb5: {  	v4 =	vmul.f32 v7, v4;
	[tilespmem:s3+$0xFFFFFFE0] =	vst v2  }
0xb6: {  	v2 =	vmul.f32 v7, v6;
	[tilespmem:s3+$0xFFFFFFF0] =	vst v3  }
0xb7: {  	[tilespmem:s11+$0x0] =	vst v4  }
0xb8: {  	s3 =	simm.s32 $0x0;
	[tilespmem:s11+$0x10] =	vst v2;
	s11 =	simm.s32 $0x0  }
0xb9: {  	[spmem:s2] =	stream.indirect.scatter.add.f32 [tilespmem:s15], [sflag:$0xA], $0x50, s21, s31, $0xb8;
	[tilespmem:$0x13130] =	vst v63  }
.LBB2_6:
0xba: {  	_ =	swait.ge [sflag:s22], $0x2800  }
0xbb: {  	[sflag:s22] =	ssyncset.done $0x0  }
0xbc: {  	[sflag:s22] =	ssyncadd.s32 $0xFFFFD800  }
0xbd: {  	_ =	swait.ge [sflag:s29], $0x80  }
0xbe: {  	[sflag:s29] =	ssyncset.done $0x0  }
0xbf: {  	[sflag:s29] =	ssyncadd.s32 $0xFFFFFF80  }
0xc0: {  	_ =	swait.ge [sflag:s30], $0x80  }
0xc1: {  	[sflag:s30] =	ssyncset.done $0x0  }
0xc2: {  	[sflag:s30] =	ssyncadd.s32 $0xFFFFFF80  }
0xc3: {  	[tilespmem:s0], [sflag:$0x3] =	stream.indirect.gather [hbm4b:s5+s31], $0x50, s26, s31, $0xb8;
	[tilespmem:$0x13130] =	vst v63  }
0xc4: {  	s4 =	simm.s32 $0xF180;
	s24 =	sshll.u32 s11, $0x8  }
0xc5: {  	[tilespmem:s4], [sflag:$0x4] =	stream.indirect.gather [hbm4b:s6+s31], $0x10, s28, s31, $0xb8;
	[tilespmem:$0x13130] =	vst v63  }
0xc6: {  	s4 =	sadd.s32 s24, s18  }
0xc7: {  	s4 =	sshrl.u32 s4, $0x3  }
0xc8: {  	s12 =	sadd.s32 s8, s4  }
0xc9: {  	[tilespmem:s25], [sflag:$0x6] =	stream.linear.gather [hbm4b:s12+s3], $0x80, $0x38;
	[tilespmem:$0x13130] =	vst v63  }
0xca: {  	s4 =	sadd.s32 s1, s4  }
0xcb: {  	[tilespmem:s7], [sflag:$0x7] =	stream.linear.gather [hbm4b:s4+s3], $0x80, $0x38;
	[tilespmem:$0x13130] =	vst v63  }
0xcc: {  	_ =	swait.ge [sflag:s9], $0x2800  }
0xcd: {  	[sflag:s9] =	ssyncset.done $0x0  }
0xce: {  	[sflag:s9] =	ssyncadd.s32 $0xFFFFD800  }
0xcf: {  	_ =	swait.ge [sflag:s10], $0x800  }
0xd0: {  	[sflag:s10] =	ssyncset.done $0x0  }
0xd1: {  	[sflag:s10] =	ssyncadd.s32 $0xFFFFF800  }
0xd2: {  	v2 =	vld [tilespmem:$0xC880]  }
0xd3: {  	v3 =	vld [tilespmem:$0xC890]  }
0xd4: {  	v4 =	vld [tilespmem:$0xC8A0]  }
0xd5: {  	v5 =	vld [tilespmem:$0xC8B0]  }
0xd6: {  	v6 =	vld [tilespmem:$0xC8C0]  }
0xd7: {  	v63 =	vld [tilespmem:$0xC8F0];
	[tilespmem:$0xC900] =	vst v2  }
0xd8: {  	v2 =	vld [tilespmem:$0xC8D0];
	[tilespmem:$0xC910] =	vst v3  }
0xd9: {  	v3 =	vld [tilespmem:$0xC8E0];
	[tilespmem:$0xC920] =	vst v4  }
0xda: {  	[tilespmem:$0xC930] =	vst v5  }
0xdb: {  	[tilespmem:$0xC940] =	vst v6  }
0xdc: {  	[tilespmem:$0xC970] =	vst v63  }
0xdd: {  	[tilespmem:$0xC950] =	vst v2  }
0xde: {  	s24 =	simm.s32 $0xC9A0;
	[tilespmem:$0xC960] =	vst v3  }
0xdf: {  	s16 =	simm.s32 $0x0;
	s12 =	simm.s32 $0x40;
	s4 =	simm.s32 $0xC9A0;
	v2 =	vld [tilespmem:s24+$0x20]  }
.LBB2_7:
0xe0: {  	p0 =	sne.s32 s12, $0x1FC0;
	v3 =	vld [tilespmem:s16+$0xF180];
	_ =	sdelay $0x4  }
0xe1: {  	v2 =	vadd.f32 v3, v2;
	_ =	sdelay $0x1  }
0xe2: {  	v3 =	vmul.f32 $2.000000030e-01, v2;
	_ =	sdelay $0x1  }
0xe3: {  	v2 =	vmax.f32 v2, v3  }
0xe4: {  	v2 =	vsub.f32 v2, v1;
	_ =	sdelay $0x1  }
0xe5: {  	v2 =	vmul.f32 $1.442695020e+00, v2;
	_ =	sdelay $0x1  }
0xe6: {  	(erf) = vpow2.f32 v2;
	_ =	sdelay $0x4  }
0xe7: {  	v2 =	vld [tilespmem:s24+$0xFFFFFFF0]  }
0xe8: {  	v3 =	vld [tilespmem:s24+$0x10]  }
0xe9: {  	v4 =	vld [tilespmem:s24+$0xFFFFFFE0]  }
0xea: {  	v5 =	vld [tilespmem:s24+$0x0]  }
0xeb: {  	v6 =	vpop (erf)  }
0xec: {  	[tilespmem:s24+$0x20] =	vst v6;
	v6 =	vperm.xlane v6, v0;
	_ =	sdelay $0x1  }
0xed: {  	v4 =	vmul.f32 v6, v4;
	v2 =	vmul.f32 v6, v2  }
.Ltmp2:
0xee: {  	v3 =	vmul.f32 v6, v3;
	v5 =	vmul.f32 v6, v5;
	(pc) =	sbr.rel @p0 .LBB2_7-.Ltmp2, $4  }
0xef: {  	[tilespmem:s24+$0xFFFFFFE0] =	vst v4  }
0xf0: {  	[tilespmem:s24+$0xFFFFFFF0] =	vst v2  }
0xf1: {  	s24 =	sadd.s32 $0x50, s24;
	[tilespmem:s4+$0x0] =	vst v5  }
0xf2: {  	s16 =	sshra.s32 s12, $0x2;
	s12 =	sadd.s32 $0x40, s12;
	v2 =	vld [tilespmem:s24+$0x20];
	[tilespmem:s4+$0x10] =	vst v3;
	s4 =	smov.u32 s24  }
0xf3: {  	v3 =	vld [tilespmem:s16+$0xF180];
	_ =	sdelay $0x4  }
0xf4: {  	v2 =	vadd.f32 v3, v2;
	_ =	sdelay $0x1  }
0xf5: {  	v3 =	vmul.f32 $2.000000030e-01, v2;
	_ =	sdelay $0x1  }
0xf6: {  	v2 =	vmax.f32 v2, v3  }
0xf7: {  	v2 =	vsub.f32 v2, v1;
	_ =	sdelay $0x1  }
0xf8: {  	v2 =	vmul.f32 $1.442695020e+00, v2;
	_ =	sdelay $0x1  }
0xf9: {  	(erf) = vpow2.f32 v2;
	_ =	sdelay $0x6  }
0xfa: {  	v2 =	vld [tilespmem:s24+$0xFFFFFFE0]  }
0xfb: {  	v3 =	vld [tilespmem:s24+$0xFFFFFFF0]  }
0xfc: {  	v4 =	vld [tilespmem:s24+$0x0];
	v5 =	vpop (erf)  }
0xfd: {  	v6 =	vld [tilespmem:s24+$0x10];
	v7 =	vperm.xlane v5, v0;
	_ =	sdelay $0x1  }
0xfe: {  	v2 =	vmul.f32 v7, v2  }
0xff: {  	[tilespmem:s24+$0x20] =	vst v5;
	v3 =	vmul.f32 v7, v3  }
0x100: {  	v4 =	vmul.f32 v7, v4;
	[tilespmem:s24+$0xFFFFFFE0] =	vst v2  }
0x101: {  	v2 =	vmul.f32 v7, v6;
	[tilespmem:s24+$0xFFFFFFF0] =	vst v3  }
0x102: {  	[tilespmem:s4+$0x0] =	vst v4  }
0x103: {  	s16 =	simm.s32 $0xC900;
	[tilespmem:s4+$0x10] =	vst v2  }
0x104: {  	[spmem:s2] =	stream.indirect.scatter.add.f32 [tilespmem:s0], [sflag:$0x5], $0x50, s16, s31, $0xb8;
	[tilespmem:$0x13130] =	vst v63  }
0x105: {  	_ =	swait.ge [sflag:s23], $0x2800  }
0x106: {  	[sflag:s23] =	ssyncset.done $0x0  }
0x107: {  	[sflag:s23] =	ssyncadd.s32 $0xFFFFD800  }
0x108: {  	_ =	swait.ge [sflag:s13], $0x80  }
0x109: {  	[sflag:s13] =	ssyncset.done $0x0  }
0x10a: {  	s24 =	sshll.u32 s11, $0x1;
	[sflag:s13] =	ssyncadd.s32 $0xFFFFFF80  }
0x10b: {  	s4 =	smin.u32 s24, $0x49;
	_ =	swait.ge [sflag:s14], $0x80  }
0x10c: {  	s4 =	sshll.u32 s4, $0x7;
	[sflag:s14] =	ssyncset.done $0x0  }
0x10d: {  	s4 =	sadd.s32 s4, s19;
	[sflag:s14] =	ssyncadd.s32 $0xFFFFFF80  }
0x10e: {  	[tilespmem:s15], [sflag:$0x8] =	stream.indirect.gather [hbm4b:s5+s31], $0x50, s25, s31, $0xb8;
	[tilespmem:$0x13130] =	vst v63  }
0x10f: {  	s12 =	simm.s32 $0x12300;
	s4 =	sshrl.u32 s4, $0x3  }
0x110: {  	[tilespmem:s12], [sflag:$0x9] =	stream.indirect.gather [hbm4b:s6+s31], $0x10, s7, s31, $0xb8;
	[tilespmem:$0x13130] =	vst v63  }
0x111: {  	s24 =	simm.s32 $0x0;
	s16 =	sadd.s32 s8, s4  }
0x112: {  	[tilespmem:s26], [sflag:$0x1] =	stream.linear.gather [hbm4b:s16+s24], $0x80, $0x38;
	[tilespmem:$0x13130] =	vst v63  }
0x113: {  	s4 =	sadd.s32 s1, s4  }
0x114: {  	[tilespmem:s28], [sflag:$0x2] =	stream.linear.gather [hbm4b:s4+s24], $0x80, $0x38;
	[tilespmem:$0x13130] =	vst v63  }
0x115: {  	_ =	swait.ge [sflag:s17], $0x2800  }
0x116: {  	[sflag:s17] =	ssyncset.done $0x0  }
0x117: {  	[sflag:s17] =	ssyncadd.s32 $0xFFFFD800  }
0x118: {  	_ =	swait.ge [sflag:s20], $0x800  }
0x119: {  	[sflag:s20] =	ssyncset.done $0x0  }
0x11a: {  	[sflag:s20] =	ssyncadd.s32 $0xFFFFF800  }
0x11b: {  	v2 =	vld [tilespmem:$0xFA00]  }
0x11c: {  	v3 =	vld [tilespmem:$0xFA10]  }
0x11d: {  	v60 =	vld [tilespmem:$0xFA20]  }
0x11e: {  	v61 =	vld [tilespmem:$0xFA30]  }
0x11f: {  	v62 =	vld [tilespmem:$0xFA40]  }
0x120: {  	v63 =	vld [tilespmem:$0xFA70];
	[tilespmem:$0xFA80] =	vst v2  }
0x121: {  	v2 =	vld [tilespmem:$0xFA50];
	[tilespmem:$0xFA90] =	vst v3  }
0x122: {  	v3 =	vld [tilespmem:$0xFA60];
	[tilespmem:$0xFAA0] =	vst v60  }
0x123: {  	[tilespmem:$0xFAB0] =	vst v61  }
0x124: {  	[tilespmem:$0xFAC0] =	vst v62  }
0x125: {  	[tilespmem:$0xFAF0] =	vst v63  }
0x126: {  	[tilespmem:$0xFAD0] =	vst v2  }
0x127: {  	s24 =	simm.s32 $0xFB20;
	[tilespmem:$0xFAE0] =	vst v3  }
0x128: {  	s12 =	simm.s32 $0x40;
	s16 =	simm.s32 $0x0;
	s4 =	simm.s32 $0xFB20;
	v2 =	vld [tilespmem:s24+$0x20]  }
.LBB2_9:
0x129: {  	p0 =	sne.s32 s12, $0x1FC0;
	v3 =	vld [tilespmem:s16+$0x12300];
	_ =	sdelay $0x4  }
0x12a: {  	v2 =	vadd.f32 v3, v2;
	_ =	sdelay $0x1  }
0x12b: {  	v3 =	vmul.f32 $2.000000030e-01, v2;
	_ =	sdelay $0x1  }
0x12c: {  	v2 =	vmax.f32 v2, v3  }
0x12d: {  	v2 =	vsub.f32 v2, v1;
	_ =	sdelay $0x1  }
0x12e: {  	v2 =	vmul.f32 $1.442695020e+00, v2;
	_ =	sdelay $0x1  }
0x12f: {  	(erf) = vpow2.f32 v2;
	_ =	sdelay $0x4  }
0x130: {  	v2 =	vld [tilespmem:s24+$0xFFFFFFF0]  }
0x131: {  	v3 =	vld [tilespmem:s24+$0x10]  }
0x132: {  	v4 =	vld [tilespmem:s24+$0xFFFFFFE0]  }
0x133: {  	v5 =	vld [tilespmem:s24+$0x0]  }
0x134: {  	v6 =	vpop (erf)  }
0x135: {  	[tilespmem:s24+$0x20] =	vst v6;
	v6 =	vperm.xlane v6, v0;
	_ =	sdelay $0x1  }
0x136: {  	v4 =	vmul.f32 v6, v4;
	v2 =	vmul.f32 v6, v2  }
.Ltmp3:
0x137: {  	v3 =	vmul.f32 v6, v3;
	v5 =	vmul.f32 v6, v5;
	(pc) =	sbr.rel @p0 .LBB2_9-.Ltmp3, $4  }
0x138: {  	[tilespmem:s24+$0xFFFFFFE0] =	vst v4  }
0x139: {  	[tilespmem:s24+$0xFFFFFFF0] =	vst v2  }
0x13a: {  	s24 =	sadd.s32 $0x50, s24;
	[tilespmem:s4+$0x0] =	vst v5  }
0x13b: {  	s16 =	sshra.s32 s12, $0x2;
	s12 =	sadd.s32 $0x40, s12;
	v2 =	vld [tilespmem:s24+$0x20];
	[tilespmem:s4+$0x10] =	vst v3;
	s4 =	smov.u32 s24  }
0x13c: {  	v3 =	vld [tilespmem:s16+$0x12300];
	_ =	sdelay $0x4  }
0x13d: {  	v2 =	vadd.f32 v3, v2;
	_ =	sdelay $0x1  }
0x13e: {  	v3 =	vmul.f32 $2.000000030e-01, v2;
	_ =	sdelay $0x1  }
0x13f: {  	v2 =	vmax.f32 v2, v3  }
0x140: {  	v2 =	vsub.f32 v2, v1;
	_ =	sdelay $0x1  }
0x141: {  	v2 =	vmul.f32 $1.442695020e+00, v2;
	_ =	sdelay $0x1  }
0x142: {  	(erf) = vpow2.f32 v2;
	_ =	sdelay $0x6  }
0x143: {  	v2 =	vld [tilespmem:s24+$0xFFFFFFE0]  }
0x144: {  	v3 =	vld [tilespmem:s24+$0xFFFFFFF0]  }
0x145: {  	v4 =	vld [tilespmem:s24+$0x0];
	v5 =	vpop (erf)  }
0x146: {  	v6 =	vld [tilespmem:s24+$0x10];
	v7 =	vperm.xlane v5, v0;
	_ =	sdelay $0x1  }
0x147: {  	s11 =	sadd.s32 $0x1, s11;
	v2 =	vmul.f32 v7, v2  }
0x148: {  	p0 =	sne.s32 s11, $0x26;
	[tilespmem:s24+$0x20] =	vst v5;
	v3 =	vmul.f32 v7, v3  }
.Ltmp4:
0x149: {  	v4 =	vmul.f32 v7, v4;
	[tilespmem:s24+$0xFFFFFFE0] =	vst v2;
	(pc) =	sbr.rel @p0 .LBB2_6-.Ltmp4, $4  }
0x14a: {  	v2 =	vmul.f32 v7, v6;
	[tilespmem:s24+$0xFFFFFFF0] =	vst v3  }
0x14b: {  	[tilespmem:s4+$0x0] =	vst v4  }
0x14c: {  	[tilespmem:s4+$0x10] =	vst v2  }
0x14d: {  	[spmem:s2] =	stream.indirect.scatter.add.f32 [tilespmem:s15], [sflag:$0xA], $0x50, s21, s31, $0xb8;
	[tilespmem:$0x13130] =	vst v63  }
0x14e: {  	_ =	swait.ge [sflag:s22], $0x2800  }
0x14f: {  	[sflag:s22] =	ssyncset.done $0x0  }
0x150: {  	[sflag:s22] =	ssyncadd.s32 $0xFFFFD800  }
0x151: {  	_ =	swait.ge [sflag:s23], $0x2800  }
0x152: {  	[sflag:s23] =	ssyncset.done $0x0  }
0x153: {  	[sflag:s23] =	ssyncadd.s32 $0xFFFFD800  }
0x154: {  	_ =	swait.ge [sflag:s29], $0x80  }
0x155: {  	[sflag:s29] =	ssyncset.done $0x0  }
0x156: {  	[sflag:s29] =	ssyncadd.s32 $0xFFFFFF80  }
0x157: {  	_ =	swait.ge [sflag:s30], $0x80  }
0x158: {  	s3 =	simm.s32 $0x0;
	s11 =	simm.s32 $0x12B00;
	[sflag:s30] =	ssyncset.done $0x0  }
0x159: {  	s16 =	simm.s32 $0xB;
	s4 =	rddreg [dreg:$0xe];
	[sflag:s30] =	ssyncadd.s32 $0xFFFFFF80  }
0x15a: {  	[tilespmem:s11], [sflag:$0xB] =	stream.linear.gather [hbm4b:s4+s3], $0x10, $0x38;
	[tilespmem:$0x13130] =	vst v63  }
0x15b: {  	_ =	swait.ge [sflag:s16], $0x10  }
0x15c: {  	[sflag:s16] =	ssyncset.done $0x0  }
0x15d: {  	s24 =	simm.s32 $0x12B10;
	s12 =	rddreg [dreg:$0xf];
	[sflag:s16] =	ssyncadd.s32 $0xFFFFFFF0  }
0x15e: {  	[tilespmem:s24], [sflag:$0xB] =	stream.linear.gather [hbm4b:s12+s3], $0x10, $0x38;
	[tilespmem:$0x13130] =	vst v63  }
0x15f: {  	_ =	swait.ge [sflag:s16], $0x10  }
0x160: {  	[sflag:s16] =	ssyncset.done $0x0  }
0x161: {  	s3 =	simm.s32 $0x10;
	s12 =	simm.s32 $0x12B20;
	[sflag:s16] =	ssyncadd.s32 $0xFFFFFFF0  }
0x162: {  	[tilespmem:s12], [sflag:$0xB] =	stream.indirect.gather [hbm4b:s5+s3], $0x50, s11, s3, $0xb8;
	[tilespmem:$0x13130] =	vst v63  }
0x163: {  	_ =	swait.ge [sflag:s16], $0x500  }
0x164: {  	[sflag:s16] =	ssyncset.done $0x0  }
0x165: {  	s12 =	simm.s32 $0x13020;
	[sflag:s16] =	ssyncadd.s32 $0xFFFFFB00  }
0x166: {  	[tilespmem:s12], [sflag:$0xB] =	stream.indirect.gather [hbm4b:s6+s3], $0x10, s24, s3, $0xb8;
	[tilespmem:$0x13130] =	vst v63  }
0x167: {  	_ =	swait.ge [sflag:s16], $0x100  }
0x168: {  	[sflag:s16] =	ssyncset.done $0x0  }
0x169: {  	s3 =	simm.s32 $0x12B40;
	[sflag:s16] =	ssyncadd.s32 $0xFFFFFF00  }
0x16a: {  	s4 =	simm.s32 $0x12B40;
	s11 =	simm.s32 $0x40;
	s12 =	simm.s32 $0x0;
	v2 =	vld [tilespmem:s3+$0x20]  }
.LBB2_12:
0x16b: {  	p0 =	sne.s32 s11, $0x3C0;
	v3 =	vld [tilespmem:s12+$0x13020];
	_ =	sdelay $0x4  }
0x16c: {  	v2 =	vadd.f32 v3, v2;
	_ =	sdelay $0x1  }
0x16d: {  	v3 =	vmul.f32 $2.000000030e-01, v2;
	_ =	sdelay $0x1  }
0x16e: {  	v2 =	vmax.f32 v2, v3  }
0x16f: {  	v2 =	vsub.f32 v2, v1;
	_ =	sdelay $0x1  }
0x170: {  	v2 =	vmul.f32 $1.442695020e+00, v2;
	_ =	sdelay $0x1  }
0x171: {  	(erf) = vpow2.f32 v2;
	_ =	sdelay $0x4  }
0x172: {  	v2 =	vld [tilespmem:s3+$0xFFFFFFF0]  }
0x173: {  	v3 =	vld [tilespmem:s3+$0x10]  }
0x174: {  	v4 =	vld [tilespmem:s3+$0xFFFFFFE0]  }
0x175: {  	v5 =	vld [tilespmem:s3+$0x0]  }
0x176: {  	v6 =	vpop (erf)  }
0x177: {  	[tilespmem:s3+$0x20] =	vst v6;
	v6 =	vperm.xlane v6, v0;
	_ =	sdelay $0x1  }
0x178: {  	v4 =	vmul.f32 v6, v4;
	v2 =	vmul.f32 v6, v2  }
.Ltmp5:
0x179: {  	v3 =	vmul.f32 v6, v3;
	v5 =	vmul.f32 v6, v5;
	(pc) =	sbr.rel @p0 .LBB2_12-.Ltmp5, $4  }
0x17a: {  	[tilespmem:s3+$0xFFFFFFE0] =	vst v4  }
0x17b: {  	[tilespmem:s3+$0xFFFFFFF0] =	vst v2  }
0x17c: {  	s3 =	sadd.s32 $0x50, s3;
	[tilespmem:s4+$0x0] =	vst v5  }
0x17d: {  	s12 =	sshra.s32 s11, $0x2;
	s11 =	sadd.s32 $0x40, s11;
	v2 =	vld [tilespmem:s3+$0x20];
	[tilespmem:s4+$0x10] =	vst v3;
	s4 =	smov.u32 s3  }
0x17e: {  	v3 =	vld [tilespmem:s12+$0x13020];
	_ =	sdelay $0x4  }
0x17f: {  	v2 =	vadd.f32 v3, v2;
	_ =	sdelay $0x1  }
0x180: {  	v3 =	vmul.f32 $2.000000030e-01, v2;
	_ =	sdelay $0x1  }
0x181: {  	v2 =	vmax.f32 v2, v3  }
0x182: {  	v1 =	vsub.f32 v2, v1;
	_ =	sdelay $0x1  }
0x183: {  	v1 =	vmul.f32 $1.442695020e+00, v1;
	_ =	sdelay $0x1  }
0x184: {  	(erf) = vpow2.f32 v1;
	_ =	sdelay $0x6  }
0x185: {  	v1 =	vld [tilespmem:s3+$0xFFFFFFE0]  }
0x186: {  	v2 =	vld [tilespmem:s3+$0xFFFFFFF0]  }
0x187: {  	v3 =	vld [tilespmem:s3+$0x0];
	v4 =	vpop (erf)  }
0x188: {  	v5 =	vld [tilespmem:s3+$0x10];
	v6 =	vperm.xlane v4, v0;
	_ =	sdelay $0x1  }
0x189: {  	v1 =	vmul.f32 v6, v1  }
0x18a: {  	[tilespmem:s3+$0x20] =	vst v4;
	v2 =	vmul.f32 v6, v2  }
0x18b: {  	v3 =	vmul.f32 v6, v3;
	[tilespmem:s3+$0xFFFFFFE0] =	vst v1  }
0x18c: {  	v1 =	vmul.f32 v6, v5;
	[tilespmem:s3+$0xFFFFFFF0] =	vst v2  }
0x18d: {  	[tilespmem:s4+$0x0] =	vst v3  }
0x18e: {  	s11 =	simm.s32 $0x12B20;
	[tilespmem:s4+$0x10] =	vst v1;
	s4 =	simm.s32 $0x10  }
0x18f: {  	[spmem:s2] =	stream.indirect.scatter.add.f32 [tilespmem:s11], [sflag:$0xB], $0x50, s24, s4, $0xb8;
	[tilespmem:$0x13130] =	vst v63  }
0x190: {  	_ =	swait.ge [sflag:s16], $0x500  }
0x191: {  	[sflag:s16] =	ssyncset.done $0x0  }
0x192: {  	[sflag:s16] =	ssyncadd.s32 $0xFFFFFB00  }
0x193: {  	[bflag:$0x0] =	sbarrier.arrive $0xFFFF  }
0x194: {  	s11 =	rddreg [dreg:$0x7]  }
0x195: {  	s12 =	rddreg [dreg:$0x10]  }
0x196: {  	s24 =	rddreg [dreg:$0x13]  }
0x197: {  	[hbm:s12], [sflag:s11] =	dma.local [spmem:s24], $0x1900  }
0x198: {  	_ =	swait.ge [sflag:s16], $0x1900  }
0x199: {  	s12 =	rddreg [dreg:$0x12]  }
0x19a: {  	s24 =	rddreg [dreg:$0x11];
	s4 =	sadd.s32 $0x1, s12  }
0x19b: {  	p0 =	sne.s32 s4, s24  }
.Ltmp6:
0x19c: {  	_ = 	snop;
	(pc) =	sbr.rel @p0 .LBB2_1-.Ltmp6, $3  }
0x19d: {  	_ =	sdelay $0x1  }
0x19e: {  	[sflag:s16] =	ssyncset.done $0x0  }
0x19f: {  	[sflag:s16] =	ssyncadd.s32 $0xFFFFE700  }
0x1a0: {  	_ =	sfence.sel $0x180000  }
0x1a1: {  	[bflag:$0x0] =	sbarrier.arrive $0xFFFF  }
0x1a2: {  	_ =	strace $0x9000004A  }
0x1a3: {  	s0 =	stileid.u32;
	[bflag:$0x2] =	sbarrier.arrive $0xFFFF  }
0x1a4: {  	p0 =	sne.s32 s0, $0x0;
	s0 =	rddreg [dreg:$0x3]  }
0x1a5: {  	s0 =	sadd.s32 @!p0 $0x100000, s0  }
0x1a6: {  	[sflag:s0] =	ssyncadd.tile.s32 @!p0 $0x1;
	_ =	shalt  }
.Lfunc_end2:
_tile_overlayer_lowered:
.L_overlay_start_2:
0x1a7: {  	(tag) =	ssettag $0x2  }
0x1a8: {  	s0 =	rddreg [dreg:$0x0];
	s2 =	stileid.u32  }
0x1a9: {  	s1 =	rddreg [dreg:$0x1];
	p0 =	sne.s32 s2, $0x0  }
0x1aa: {  	s3 =	rddreg [dreg:$0x2];
	[bflag:$0x3] =	sbarrier.arrive $0xFFFF;
	s2 =	simm.s32 @!p0 $0x1C0B  }
0x1ab: {  	[timem:s3], [sflag:s2] =	dma.local @!p0 [hbm:s0], s1  }
0x1ac: {  	s0 =	simm.s32 @!p0 $0xB  }
0x1ad: {  	_ =	swait.ge @!p0 [sflag:s0], s1  }
0x1ae: {  	s1 =	ssub.s32 @!p0 $0x0, s1;
	[sflag:s0] =	ssyncset.done @!p0 $0x0  }
0x1af: {  	[sflag:s0] =	ssyncadd.s32 @!p0 s1  }
0x1b0: {  	[bflag:$0x3] =	sbarrier.arrive $0xFFFF  }
0x1b1: {  	_ =	shalt  }

// kernel: kernel.8.cloned.1.call-start
scs
__scs_entry_jumppad:
0x0: {  	(pc) =	sbr.rel $0x88, $3  }
0x1: {  	(tag) =	ssettag $0x0;
	lr =	simm.s32 $0x1  }
0x2: {  	[smem:$0x3F97] =	sst lr;
	_ =	strace $0xD0000000  }
0x3: {  	_ = 	snop  }
0x4: {  	_ = 	snop  }
0x5: {  	_ = 	snop  }
0x6: {  	_ = 	snop  }
0x7: {  	_ = 	snop  }
__scs_overlays_trampoline_lowered:
0x8: {  	[smem:$0x3FA6] =	sst s0  }
0x9: {  	[smem:$0x3FA7] =	sst s1  }
0xa: {  	[smem:$0x3FA8] =	sst s2  }
0xb: {  	[smem:$0x3FA9] =	sst s3  }
0xc: {  	[smem:$0x3FAA] =	sst s4  }
0xd: {  	[smem:$0x3FAB] =	sst s5  }
0xe: {  	[smem:$0x3FAC] =	sst s6  }
0xf: {  	[smem:$0x3FAD] =	sst s7  }
0x10: {  	[smem:$0x3FAE] =	sst s8  }
0x11: {  	[smem:$0x3FAF] =	sst s9;
	s0 =	simm.s32 @!p0 $0x0  }
0x12: {  	s1 =	sld [smem:$0x3F95];
	s0 =	simm.s32 @p0 $0x1  }
0x13: {  	[smem:$0x3FB0] =	sst s0;
	s0 =	simm.s32 @!p1 $0x0  }
0x14: {  	s2 =	sld [smem:$0x3F94];
	s0 =	simm.s32 @p1 $0x1  }
0x15: {  	[smem:$0x3FB1] =	sst s0;
	s0 =	simm.s32 @!p2 $0x0  }
0x16: {  	s3 =	sld [smem:$0x3FDB];
	s0 =	simm.s32 @p2 $0x1  }
0x17: {  	s4 =	simm.s32 $0x1BF5;
	[smem:$0x3FB3] =	sst s0  }
0x18: {  	s0 =	sld [smem:$0x3F96];
	_ =	swait.ge [sflag:s4], $0x0  }
0x19: {  	s7 =	sld [smem:$0x3F97]  }
0x1a: {  	s8 =	sadd.s32 $0xFFFFE003, lr  }
0x1b: {  	s9 =	sadd.s32 $0xFFFFFEF7, lr;
	s5 =	simm.s32 $0xFFFFFFFF;
	p2 =	slt.u32 s8, $0xFFFFF086  }
0x1c: {  	p1 =	slt.u32 s9, $0xF7A;
	s5 =	simm.s32 @!p2 $0x0  }
0x1d: {  	s5 =	simm.s32 @p1 $0x1;
	p0 =	seq.s32 s7, s2  }
0x1e: {  	s7 =	smul.u32 @!p0 $0xF7A, s2;
	p2 =	seq.s32 @!p0 s5, $0x0  }
0x1f: {  	s9 =	smul.u32 $0xF7A, s1;
	s8 =	simm.s32 @!p0 $0x1BF5;
	p2 =	por !p2, p0  }
0x20: {  	[sflag:s8] =	ssyncset.s32 @!p0 $0xFFFFF086;
	s6 =	sadd.s32 @!p0 s3, s7;
	s7 =	simm.s32 @!p0 $0x108  }
0x21: {  	s3 =	sadd.s32 s3, s9;
	s6 =	sadd.s32 @!p0 $0x88, s6;
	s7 =	simm.s32 @p2 $0x1082  }
0x22: {  	[simem:s7], [sflag:s8] =	dma.local @!p0 [hbm:s6], $0xF7A  }
0x23: {  	s9 =	sor.u32 $0xD0000000, s2;
	s6 =	simm.s32 $0x108;
	_ =	swait.ge @!p0 [sflag:s8], $0x0  }
0x24: {  	s3 =	sadd.s32 $0x88, s3;
	s6 =	simm.s32 @!p1 $0x1082;
	[sflag:s4] =	ssyncset.s32 $0xFFFFF086  }
0x25: {  	[simem:s6], [sflag:s4] =	dma.local [hbm:s3], $0xF7A  }
0x26: {  	[smem:$0x3F97] =	sst s1;
	(tag) =	ssettag s2;
	_ =	strace s9  }
0x27: {  	s1 =	sld [smem:$0x3FA7]  }
0x28: {  	s2 =	sld [smem:$0x3FA8]  }
0x29: {  	s4 =	sld [smem:$0x3FAA]  }
0x2a: {  	p0 =	seq.s32 s5, $0x0;
	s5 =	sld [smem:$0x3FAB]  }
0x2b: {  	s6 =	sld [smem:$0x3FAC]  }
0x2c: {  	s7 =	sld [smem:$0x3FAD]  }
0x2d: {  	s3 =	simm.s32 $0x108;
	s8 =	sld [smem:$0x3FAE]  }
0x2e: {  	s3 =	simm.s32 @!p0 $0x1082;
	s9 =	sld [smem:$0x3FAF]  }
0x2f: {  	lr =	sadd.s32 s0, s3;
	s0 =	sld [smem:$0x3FA6]  }
0x30: {  	s3 =	sld [smem:$0x3FA9]  }
0x31: {  	[smem:$0x3FB2] =	sst s10  }
0x32: {  	s10 =	sld [smem:$0x3FB0];
	_ =	sdelay $0x3  }
0x33: {  	p0 =	seq.s32 s10, $0x1;
	s10 =	sld [smem:$0x3FB2];
	_ =	sdelay $0x3  }
0x34: {  	[smem:$0x3FB2] =	sst s10  }
0x35: {  	s10 =	sld [smem:$0x3FB1];
	_ =	sdelay $0x3  }
0x36: {  	p1 =	seq.s32 s10, $0x1;
	s10 =	sld [smem:$0x3FB2];
	_ =	sdelay $0x3  }
0x37: {  	[smem:$0x3FB2] =	sst s10  }
0x38: {  	s10 =	sld [smem:$0x3FB3]  }
0x39: {  	_ = 	snop;
	(pc) =	sbr.ind lr, $3  }
0x3a: {  	_ = 	snop  }
0x3b: {  	_ = 	snop  }
0x3c: {  	p2 =	seq.s32 s10, $0x1;
	s10 =	sld [smem:$0x3FB2]  }
0x3d: {  	_ =	shalt  }
0x3e: {  	_ =	shalt  }
0x3f: {  	_ =	shalt  }
0x40: {  	_ =	shalt  }
0x41: {  	_ =	shalt  }
0x42: {  	_ =	shalt  }
0x43: {  	_ =	shalt  }
0x44: {  	_ =	shalt  }
0x45: {  	_ =	shalt  }
0x46: {  	_ =	shalt  }
0x47: {  	_ =	shalt  }
0x48: {  	_ =	shalt  }
0x49: {  	_ =	shalt  }
0x4a: {  	_ =	shalt  }
0x4b: {  	_ =	shalt  }
0x4c: {  	_ =	shalt  }
0x4d: {  	_ =	shalt  }
0x4e: {  	_ =	shalt  }
0x4f: {  	_ =	shalt  }
0x50: {  	_ =	shalt  }
0x51: {  	_ =	shalt  }
0x52: {  	_ =	shalt  }
0x53: {  	_ =	shalt  }
0x54: {  	_ =	shalt  }
0x55: {  	_ =	shalt  }
0x56: {  	_ =	shalt  }
0x57: {  	_ =	shalt  }
0x58: {  	_ =	shalt  }
0x59: {  	_ =	shalt  }
0x5a: {  	_ =	shalt  }
0x5b: {  	_ =	shalt  }
0x5c: {  	_ =	shalt  }
0x5d: {  	_ =	shalt  }
0x5e: {  	_ =	shalt  }
0x5f: {  	_ =	shalt  }
0x60: {  	_ =	shalt  }
0x61: {  	_ =	shalt  }
0x62: {  	_ =	shalt  }
0x63: {  	_ =	shalt  }
0x64: {  	_ =	shalt  }
0x65: {  	_ =	shalt  }
0x66: {  	_ =	shalt  }
0x67: {  	_ =	shalt  }
0x68: {  	_ =	shalt  }
0x69: {  	_ =	shalt  }
0x6a: {  	_ =	shalt  }
0x6b: {  	_ =	shalt  }
0x6c: {  	_ =	shalt  }
0x6d: {  	_ =	shalt  }
0x6e: {  	_ =	shalt  }
0x6f: {  	_ =	shalt  }
0x70: {  	_ =	shalt  }
0x71: {  	_ =	shalt  }
0x72: {  	_ =	shalt  }
0x73: {  	_ =	shalt  }
0x74: {  	_ =	shalt  }
0x75: {  	_ =	shalt  }
0x76: {  	_ =	shalt  }
0x77: {  	_ =	shalt  }
0x78: {  	_ =	shalt  }
0x79: {  	_ =	shalt  }
0x7a: {  	_ =	shalt  }
0x7b: {  	_ =	shalt  }
0x7c: {  	_ =	shalt  }
0x7d: {  	_ =	shalt  }
0x7e: {  	_ =	shalt  }
0x7f: {  	_ =	shalt  }
0x80: {  	_ =	shalt  }
0x81: {  	_ =	shalt  }
0x82: {  	_ =	shalt  }
0x83: {  	_ =	shalt  }
0x84: {  	_ =	shalt  }
0x85: {  	_ =	shalt  }
0x86: {  	_ =	shalt  }
0x87: {  	_ =	shalt  }
.Lfunc_end0:
.L_simem_size_0:
called_computation_lowered:
.L_overlay_start_0:
0x88: {  	s2 =	sld [smem:$0x3FD9]  }
0x89: {  	s3 =	sld [smem:$0x3FFE];
	_ =	sdelay $0x1  }
0x8a: {  	s1 =	srdreg.scid  }
0x8b: {  	s0 =	sand.u32 $0x1, s1  }
0x8c: {  	s17 =	sshll.u32 s0, $0xA;
	s2 =	sadd.s32 s3, s2  }
0x8d: {  	s2 =	sadd.s32 s2, s17  }
0x8e: {  	[smem:$0x3FBE] =	sst s2  }
0x8f: {  	_ = 	snop  }
0x90: {  	s2 =	sld [smem:$0x3FD0];
	(tm) =	ssettm $0x1  }
0x91: {  	s18 =	sld [smem:$0x3FFB];
	_ =	sdelay $0x3  }
0x92: {  	_ =	strace s18  }
0x93: {  	s3 =	sld [smem:$0x3FFC];
	_ =	sdelay $0x3  }
0x94: {  	_ =	strace s3  }
0x95: {  	s3 =	sld [smem:$0x3FFD];
	_ =	sdelay $0x3  }
0x96: {  	_ =	strace s3  }
0x97: {  	_ =	strace $0x8FFFFFFF  }
0x98: {  	s19 =	sld [smem:$0x3FDB];
	_ =	sdelay $0x1  }
0x99: {  	s4 =	simm.s32 $_scs_section_size  }
0x9a: {  	s5 =	simm.s32 $_size__tile_overlayer_lowered;
	s6 =	simm.s32 $_tile_overlayer_lowered  }
0x9b: {  	s22 =	simm.s32 $0x1BFF;
	s21 =	sshll.u32 s6, $0x1;
	s3 =	sadd.s32 s4, s19  }
0x9c: {  	s7 =	simm.s32 $0x0;
	s20 =	sshll.u32 s5, $0x1;
	s5 =	sadd.s32 s21, s3  }
0x9d: {  	[timem:s7], [sflag:s22] =	dma.local [hbm:s5], s20  }
0x9e: {  	_ =	swait.ge [sflag:s22], s20  }
0x9f: {  	s4 =	ssub.s32 $0x0, s20;
	[sflag:s22] =	ssyncset.done $0x0  }
0xa0: {  	[sflag:s22] =	ssyncadd.s32 s4;
	_ =	sdelay $0x1  }
0xa1: {  	s23 =	simm.s32 $0x1B8B  }
0xa2: {  	_ =	swait.ge [sflag:s23], $0x1  }
0xa3: {  	[sflag:s23] =	ssyncset.done $0x0  }
0xa4: {  	s25 =	simm.s32 $0x1B8E;
	s24 =	sld [smem:$0x3FFE];
	[sflag:s23] =	ssyncadd.s32 $0xFFFFFFFF  }
0xa5: {  	s26 =	simm.s32 $execute0_lowered;
	[smem:$0x3FD2] =	sst s25  }
0xa6: {  	s5 =	sshll.u32 s26, $0x1;
	_ =	strace $0x80000046;
	[dreg:$0x1] =	wrdreg $0xFFFFFFFF  }
0xa7: {  	s28 =	simm.s32 $_size_execute0_lowered;
	s3 =	sadd.s32 s3, s5;
	[dreg:$0x0] =	wrdreg $0x0  }
0xa8: {  	s5 =	sshll.u32 s28, $0x1;
	[dreg:$0x2] =	wrdreg s3  }
0xa9: {  	[dreg:$0x3] =	wrdreg s5  }
0xaa: {  	[dreg:$0x4] =	wrdreg $0xC0  }
0xab: {  	_ =	task [dreg:s7], $0x5FFFF  }
0xac: {  	[dreg:$0x1] =	wrdreg $0xFFFFFFFF  }
0xad: {  	[dreg:$0x0] =	wrdreg $0x60  }
0xae: {  	[dreg:$0x2] =	wrdreg s24  }
0xaf: {  	[dreg:$0x3] =	wrdreg s2  }
0xb0: {  	[dreg:$0x4] =	wrdreg $0x0  }
0xb1: {  	[dreg:$0x5] =	wrdreg $0x9  }
0xb2: {  	_ =	task.clear_ibuf [dreg:s7], $0x6FFFF;
	_ =	strace $0x90000046  }
0xb3: {  	s29 =	simm.s32 $0x9;
	_ =	strace $0x80000048  }
0xb4: {  	_ =	swait.ge [sflag:s29], $0x1  }
0xb5: {  	[sflag:s29] =	ssyncadd.s32 $0xFFFFFFFF  }
0xb6: {  	_ =	strace $0x90000048  }
0xb7: {  	_ =	sfence  }
0xb8: {  	s30 =	sld [smem:$0x0];
	_ =	sdelay $0x2  }
0xb9: {  	s31 =	sshll.u32 s1, $0xD;
	s1 =	sshrl.u32 s1, $0x2  }
0xba: {  	s3 =	sand.u32 $0x4000, s31;
	s1 =	sadd.s32 s1, s30  }
0xbb: {  	s0 =	sor.u32 s3, s0;
	s1 =	sshll.u32 s1, $0x11  }
0xbc: {  	s0 =	sor.u32 s1, s0  }
0xbd: {  	s0 =	sadd.s32 $0x8F2B, s0  }
0xbe: {  	[sflag:s0] =	ssyncadd.remote.s32 $0x1  }
0xbf: {  	_ =	sfence.sel $0xFFFF  }
0xc0: {  	[dreg:$0x0] =	wrdreg $0xFFFFFFFF;
	(pc) =	sbr.abs _section_cstart, $3  }
0xc1: {  	[dreg:$0x1] =	wrdreg $0xFFFFFFFF  }
0xc2: {  	_ =	task.clear_ibuf [dreg:s7], $0x2FFFF;
	_ =	strace $0x9FFFFFFF  }
0xc3: {  	(tm) =	ssettm $0x7FFFFFFF  }
tec
execute0_lowered:
.L_overlay_start_1:
0x0: {  	(tag) =	ssettag $0x1  }
0x1: {  	s0 =	rddreg [dreg:$0x0]  }
0x2: {  	s1 =	rddreg [dreg:$0x1]  }
0x3: {  	s2 =	rddreg [dreg:$0x2];
	s3 =	simm.s32 $0x0  }
0x4: {  	s25 =	srdreg.scid;
	s11 =	stileid.u32;
	s28 =	simm.s32 $0x16860  }
0x5: {  	s29 =	simm.s32 $0x1;
	s30 =	simm.s32 $0x2;
	s31 =	simm.s32 $0x60  }
0x6: {  	[smem:$0x7FF] =	sst s3;
	s3 =	sand.u32 $0x1, s25;
	s5 =	sadd.s32 $0x141E00, s0  }
0x7: {  	s6 =	sadd.s32 $0x1400, s0;
	s7 =	sadd.s32 $0x141C00, s0;
	s26 =	smul.u32 $0x2D00, s11  }
0x8: {  	s8 =	sadd.s32 $0x6400, s0;
	s9 =	smul.u32 $0x5A000, s11;
	s15 =	sshll.u32 s11, $0x6  }
0x9: {  	_ =	strace $0x80000047;
	s4 =	smul.u32 $0x2D000, s3;
	s10 =	sshll.u32 s3, $0x4  }
0xa: {  	[dreg:$0x4] =	wrdreg s7;
	s3 =	ssub.s32 $0x2, s3;
	s10 =	sor.u32 s11, s10  }
0xb: {  	s12 =	sshrl.u32 s3, $0x1;
	s9 =	sshrl.u32 s9, $0x2;
	s11 =	sor.u32 $0x1C0B, s15  }
0xc: {  	s15 =	simm.s32 $0x1A640;
	s4 =	sadd.s32 s26, s4;
	s7 =	smul.u32 $0x2710, s10  }
0xd: {  	s3 =	ssub.s32 s3, s12;
	s13 =	sadd.s32 s9, s2;
	s9 =	simm.s32 $0x3  }
0xe: {  	s10 =	simm.s32 $0x4;
	[dreg:$0x7] =	wrdreg s11;
	s0 =	sadd.s32 s4, s0  }
0xf: {  	[dreg:$0x5] =	wrdreg s13;
	s26 =	smax.u32 s3, $0x1;
	s13 =	simm.s32 $0x6  }
0x10: {  	s14 =	sadd.s32 $0x10200, s0;
	s16 =	sshrl.u32 s7, $0x3;
	[dreg:$0x11] =	wrdreg s26  }
0x11: {  	s0 =	sadd.s32 $0x6A200, s0;
	s26 =	simm.s32 $0x16800;
	[dreg:$0x6] =	wrdreg s14  }
0x12: {  	s17 =	sadd.s32 s8, s16;
	s18 =	sadd.s32 $0xC, s16;
	s19 =	sadd.s32 s1, s16  }
0x13: {  	s21 =	sadd.s32 $0x18, s16;
	s24 =	sadd.s32 $0x4E0, s16;
	[dreg:$0x10] =	wrdreg s0  }
0x14: {  	s16 =	simm.s32 $0xB;
	s0 =	simm.s32 $0x16920;
	[dreg:$0x8] =	wrdreg s17  }
0x15: {  	s14 =	simm.s32 $0x7;
	[dreg:$0x9] =	wrdreg s19;
	s20 =	sadd.s32 s8, s18  }
0x16: {  	s4 =	sadd.s32 s1, s18;
	s22 =	sadd.s32 s8, s21;
	[dreg:$0xa] =	wrdreg s20  }
0x17: {  	s23 =	sadd.s32 s1, s21;
	s18 =	sadd.s32 $0x120, s7;
	[dreg:$0xb] =	wrdreg s4  }
0x18: {  	s19 =	sadd.s32 $0x180, s7;
	s25 =	sadd.s32 s8, s24;
	[dreg:$0xc] =	wrdreg s22  }
0x19: {  	s7 =	simm.s32 $0x1A580;
	s17 =	simm.s32 $0x8;
	[dreg:$0xd] =	wrdreg s23  }
0x1a: {  	v0 =	vimm.s32 $0x0;
	v1 =	vimm.s32 $0x1;
	s21 =	simm.s32 $0x1A5E0;
	[dreg:$0xe] =	wrdreg s25;
	s4 =	sadd.s32 s1, s24  }
0x1b: {  	v2 =	vimm.s32 $0x2;
	v3 =	vimm.s32 $0x3;
	v4 =	vimm.s32 $0x4;
	s25 =	simm.s32 $0x1A520;
	s20 =	simm.s32 $0x9;
	s22 =	simm.s32 $0x5  }
0x1c: {  	v5 =	vimm.s32 $0x5;
	v6 =	vimm.s32 $0x6;
	v7 =	vimm.s32 $0x7;
	s23 =	simm.s32 $0xA;
	[dreg:$0xf] =	wrdreg s4;
	s4 =	simm.s32 $0x0  }
.LBB2_1:
0x1d: {  	[dreg:$0x12] =	wrdreg s4  }
0x1e: {  	s3 =	rddreg [dreg:$0x5]  }
0x1f: {  	s24 =	rddreg [dreg:$0x6];
	s12 =	sshrl.u32 s3, $0x3  }
0x20: {  	[dreg:$0x13] =	wrdreg s12  }
0x21: {  	[spmem:s12], [sflag:s11] =	dma.local [hbm:s24], $0x2D00  }
0x22: {  	_ =	swait.ge [sflag:s16], $0x2D00  }
0x23: {  	s3 =	simm.s32 $0x0;
	[sflag:s16] =	ssyncset.done $0x0  }
0x24: {  	s12 =	simm.s32 $0x1EC60;
	s11 =	rddreg [dreg:$0x4];
	[sflag:s16] =	ssyncadd.s32 $0xFFFFD300  }
0x25: {  	[tilespmem:s12], [sflag:$0xB] =	stream.linear.gather [hbm4b:s11+s3], $0x10, $0x38;
	[tilespmem:$0x1EC70] =	vst v63  }
0x26: {  	_ =	swait.ge [sflag:s16], $0x10  }
0x27: {  	[sflag:s16] =	ssyncset.done $0x0  }
0x28: {  	[sflag:s16] =	ssyncadd.s32 $0xFFFFFFF0  }
0x29: {  	[bflag:$0x0] =	sbarrier.arrive $0xFFFF  }
0x2a: {  	s24 =	rddreg [dreg:$0x8]  }
0x2b: {  	v8 =	vld [tilespmem:$0x1EC60];
	[tilespmem:s26], [sflag:$0x1] =	stream.linear.gather [hbm4b:s24+s3], $0x60, $0x38  }
0x2c: {  	s11 =	rddreg [dreg:$0x9]  }
0x2d: {  	[tilespmem:s28], [sflag:$0x2] =	stream.linear.gather [hbm4b:s11+s3], $0x60, $0x38;
	[tilespmem:$0x1EC70] =	vst v63  }
0x2e: {  	_ =	swait.ge [sflag:s29], $0x60  }
0x2f: {  	[sflag:s29] =	ssyncset.done $0x0  }
0x30: {  	[sflag:s29] =	ssyncadd.s32 $0xFFFFFFA0  }
0x31: {  	_ =	swait.ge [sflag:s30], $0x60  }
0x32: {  	[sflag:s30] =	ssyncset.done $0x0  }
0x33: {  	[sflag:s30] =	ssyncadd.s32 $0xFFFFFFA0  }
0x34: {  	[tilespmem:s0], [sflag:$0x3] =	stream.indirect.gather [hbm4b:s5+s31], $0x90, s26, s31, $0xb8;
	[tilespmem:$0x1EC70] =	vst v63  }
0x35: {  	s12 =	simm.s32 $0x19F20  }
0x36: {  	[tilespmem:s12], [sflag:$0x4] =	stream.indirect.gather [hbm4b:s6+s31], $0x10, s28, s31, $0xb8;
	[tilespmem:$0x1EC70] =	vst v63  }
0x37: {  	s16 =	rddreg [dreg:$0xa]  }
0x38: {  	[tilespmem:s25], [sflag:$0x6] =	stream.linear.gather [hbm4b:s16+s3], $0x60, $0x38;
	[tilespmem:$0x1EC70] =	vst v63  }
0x39: {  	s24 =	rddreg [dreg:$0xb]  }
0x3a: {  	[tilespmem:s7], [sflag:$0x7] =	stream.linear.gather [hbm4b:s24+s3], $0x60, $0x38;
	[tilespmem:$0x1EC70] =	vst v63  }
0x3b: {  	_ =	swait.ge [sflag:s9], $0x3600  }
0x3c: {  	[sflag:s9] =	ssyncset.done $0x0  }
0x3d: {  	[sflag:s9] =	ssyncadd.s32 $0xFFFFCA00  }
0x3e: {  	_ =	swait.ge [sflag:s10], $0x600  }
0x3f: {  	[sflag:s10] =	ssyncset.done $0x0  }
0x40: {  	[sflag:s10] =	ssyncadd.s32 $0xFFFFFA00  }
0x41: {  	v9 =	vld [tilespmem:$0x16860]  }
0x42: {  	v10 =	vld [tilespmem:$0x16870]  }
0x43: {  	v11 =	vld [tilespmem:$0x16880]  }
0x44: {  	v12 =	vld [tilespmem:$0x16890]  }
0x45: {  	v13 =	vld [tilespmem:$0x168A0]  }
0x46: {  	[tilespmem:$0x168C0] =	vst v9;
	v9 =	vld [tilespmem:$0x168B0]  }
0x47: {  	[tilespmem:$0x168D0] =	vst v10  }
0x48: {  	[tilespmem:$0x168E0] =	vst v11  }
0x49: {  	[tilespmem:$0x168F0] =	vst v12  }
0x4a: {  	[tilespmem:$0x16900] =	vst v13  }
0x4b: {  	s3 =	simm.s32 $0x16960;
	[tilespmem:$0x16910] =	vst v9  }
0x4c: {  	s4 =	simm.s32 $0x40;
	s11 =	simm.s32 $0x16960;
	s12 =	simm.s32 $0x0;
	v9 =	vld [tilespmem:s3+$0x40]  }
.LBB2_2:
0x4d: {  	p0 =	sne.s32 s4, $0x17C0;
	v10 =	vld [tilespmem:s12+$0x19F20];
	_ =	sdelay $0x4  }
0x4e: {  	v9 =	vadd.f32 v10, v9;
	_ =	sdelay $0x1  }
0x4f: {  	v10 =	vmul.f32 $2.000000030e-01, v9;
	_ =	sdelay $0x1  }
0x50: {  	v9 =	vmax.f32 v9, v10  }
0x51: {  	v9 =	vsub.f32 v9, v8;
	_ =	sdelay $0x1  }
0x52: {  	v9 =	vmul.f32 $1.442695020e+00, v9;
	_ =	sdelay $0x1  }
0x53: {  	(erf) = vpow2.f32 v9;
	_ =	sdelay $0x4  }
0x54: {  	v9 =	vld [tilespmem:s3+$0xFFFFFFF0]  }
0x55: {  	v10 =	vld [tilespmem:s3+$0xFFFFFFD0]  }
0x56: {  	v11 =	vld [tilespmem:s3+$0xFFFFFFC0]  }
0x57: {  	v12 =	vld [tilespmem:s3+$0xFFFFFFE0]  }
0x58: {  	v13 =	vld [tilespmem:s3+$0x30];
	v14 =	vpop (erf)  }
0x59: {  	v15 =	vld [tilespmem:s3+$0x10];
	[tilespmem:s3+$0x40] =	vst v14;
	v16 =	vperm.xlane v14, v0;
	v17 =	vperm.xlane v14, v1  }
0x5a: {  	v19 =	vperm.xlane v14, v2;
	v20 =	vperm.xlane v14, v3;
	v18 =	vld [tilespmem:s3+$0x0]  }
0x5b: {  	v21 =	vld [tilespmem:s3+$0x20];
	v11 =	vmul.f32 v16, v11;
	v10 =	vmul.f32 v17, v10  }
0x5c: {  	v9 =	vmul.f32 v20, v9;
	v12 =	vmul.f32 v19, v12  }
0x5d: {  	v16 =	vperm.xlane v14, v4;
	v17 =	vperm.xlane v14, v5;
	[tilespmem:s3+$0xFFFFFFC0] =	vst v11  }
0x5e: {  	v11 =	vperm.xlane v14, v6;
	v14 =	vperm.xlane v14, v7;
	[tilespmem:s3+$0xFFFFFFD0] =	vst v10  }
0x5f: {  	v15 =	vmul.f32 v17, v15;
	v10 =	vmul.f32 v16, v18;
	[tilespmem:s3+$0xFFFFFFE0] =	vst v12  }
.Ltmp0:
0x60: {  	v12 =	vmul.f32 v14, v13;
	v11 =	vmul.f32 v11, v21;
	[tilespmem:s3+$0xFFFFFFF0] =	vst v9;
	(pc) =	sbr.rel @p0 .LBB2_2-.Ltmp0, $4  }
0x61: {  	[tilespmem:s3+$0x0] =	vst v10  }
0x62: {  	[tilespmem:s3+$0x10] =	vst v15  }
0x63: {  	s3 =	sadd.s32 $0x90, s3;
	[tilespmem:s11+$0x20] =	vst v11  }
0x64: {  	s12 =	sshra.s32 s4, $0x2;
	s4 =	sadd.s32 $0x40, s4;
	v9 =	vld [tilespmem:s3+$0x40];
	[tilespmem:s11+$0x30] =	vst v12;
	s11 =	smov.u32 s3  }
0x65: {  	v10 =	vld [tilespmem:s12+$0x19F20];
	_ =	sdelay $0x4  }
0x66: {  	v9 =	vadd.f32 v10, v9;
	_ =	sdelay $0x1  }
0x67: {  	v10 =	vmul.f32 $2.000000030e-01, v9;
	_ =	sdelay $0x1  }
0x68: {  	v9 =	vmax.f32 v9, v10  }
0x69: {  	v9 =	vsub.f32 v9, v8;
	_ =	sdelay $0x1  }
0x6a: {  	v9 =	vmul.f32 $1.442695020e+00, v9;
	_ =	sdelay $0x1  }
0x6b: {  	(erf) = vpow2.f32 v9;
	_ =	sdelay $0x6  }
0x6c: {  	v11 =	vld [tilespmem:s3+$0xFFFFFFC0]  }
0x6d: {  	v10 =	vld [tilespmem:s3+$0xFFFFFFD0]  }
0x6e: {  	v12 =	vld [tilespmem:s3+$0xFFFFFFE0];
	v14 =	vpop (erf)  }
0x6f: {  	v9 =	vld [tilespmem:s3+$0xFFFFFFF0];
	v16 =	vperm.xlane v14, v0  }
0x70: {  	v18 =	vld [tilespmem:s3+$0x0];
	v17 =	vperm.xlane v14, v1  }
0x71: {  	v15 =	vld [tilespmem:s3+$0x10];
	v19 =	vperm.xlane v14, v2;
	v11 =	vmul.f32 v16, v11  }
0x72: {  	v20 =	vld [tilespmem:s3+$0x20];
	[tilespmem:s3+$0x40] =	vst v14;
	v58 =	vperm.xlane v14, v3;
	v10 =	vmul.f32 v17, v10  }
0x73: {  	v13 =	vld [tilespmem:s3+$0x30];
	v59 =	vperm.xlane v14, v4;
	v12 =	vmul.f32 v19, v12;
	[tilespmem:s3+$0xFFFFFFC0] =	vst v11  }
0x74: {  	v9 =	vmul.f32 v58, v9;
	v11 =	vperm.xlane v14, v5;
	[tilespmem:s3+$0xFFFFFFD0] =	vst v10  }
0x75: {  	v60 =	vmul.f32 v59, v18;
	v10 =	vperm.xlane v14, v6;
	[tilespmem:s3+$0xFFFFFFE0] =	vst v12  }
0x76: {  	v61 =	vperm.xlane v14, v7;
	[tilespmem:s3+$0xFFFFFFF0] =	vst v9;
	v11 =	vmul.f32 v11, v15  }
0x77: {  	[tilespmem:s3+$0x0] =	vst v60;
	v9 =	vmul.f32 v10, v20  }
0x78: {  	v10 =	vmul.f32 v61, v13;
	[tilespmem:s3+$0x10] =	vst v11  }
0x79: {  	[tilespmem:s11+$0x20] =	vst v9  }
0x7a: {  	[tilespmem:s11+$0x30] =	vst v10;
	s11 =	simm.s32 $0x168C0  }
0x7b: {  	[spmem:s2] =	stream.indirect.scatter.add.f32 [tilespmem:s0], [sflag:$0x5], $0x90, s11, s31, $0xb8;
	[tilespmem:$0x1EC70] =	vst v63  }
0x7c: {  	_ =	swait.ge [sflag:s13], $0x60  }
0x7d: {  	[sflag:s13] =	ssyncset.done $0x0  }
0x7e: {  	[sflag:s13] =	ssyncadd.s32 $0xFFFFFFA0  }
0x7f: {  	_ =	swait.ge [sflag:s14], $0x60  }
0x80: {  	[sflag:s14] =	ssyncset.done $0x0  }
0x81: {  	[sflag:s14] =	ssyncadd.s32 $0xFFFFFFA0  }
0x82: {  	[tilespmem:s15], [sflag:$0x8] =	stream.indirect.gather [hbm4b:s5+s31], $0x90, s25, s31, $0xb8;
	[tilespmem:$0x1EC70] =	vst v63  }
0x83: {  	s12 =	simm.s32 $0x1DC40  }
0x84: {  	[tilespmem:s12], [sflag:$0x9] =	stream.indirect.gather [hbm4b:s6+s31], $0x10, s7, s31, $0xb8;
	[tilespmem:$0x1EC70] =	vst v63  }
0x85: {  	s16 =	simm.s32 $0x0;
	s4 =	rddreg [dreg:$0xc]  }
0x86: {  	[tilespmem:s26], [sflag:$0x1] =	stream.linear.gather [hbm4b:s4+s16], $0x60, $0x38;
	[tilespmem:$0x1EC70] =	vst v63  }
0x87: {  	s24 =	rddreg [dreg:$0xd]  }
0x88: {  	[tilespmem:s28], [sflag:$0x2] =	stream.linear.gather [hbm4b:s24+s16], $0x60, $0x38;
	[tilespmem:$0x1EC70] =	vst v63  }
0x89: {  	_ =	swait.ge [sflag:s17], $0x3600  }
0x8a: {  	[sflag:s17] =	ssyncset.done $0x0  }
0x8b: {  	[sflag:s17] =	ssyncadd.s32 $0xFFFFCA00  }
0x8c: {  	_ =	swait.ge [sflag:s20], $0x600  }
0x8d: {  	[sflag:s20] =	ssyncset.done $0x0  }
0x8e: {  	[sflag:s20] =	ssyncadd.s32 $0xFFFFFA00  }
0x8f: {  	v9 =	vld [tilespmem:$0x1A580]  }
0x90: {  	v10 =	vld [tilespmem:$0x1A590]  }
0x91: {  	v11 =	vld [tilespmem:$0x1A5A0]  }
0x92: {  	v62 =	vld [tilespmem:$0x1A5B0]  }
0x93: {  	v63 =	vld [tilespmem:$0x1A5C0]  }
0x94: {  	[tilespmem:$0x1A5E0] =	vst v9;
	v9 =	vld [tilespmem:$0x1A5D0]  }
0x95: {  	[tilespmem:$0x1A5F0] =	vst v10  }
0x96: {  	[tilespmem:$0x1A600] =	vst v11  }
0x97: {  	[tilespmem:$0x1A610] =	vst v62  }
0x98: {  	[tilespmem:$0x1A620] =	vst v63  }
0x99: {  	s3 =	simm.s32 $0x1A680;
	[tilespmem:$0x1A630] =	vst v9  }
0x9a: {  	s11 =	simm.s32 $0x1A680;
	s12 =	simm.s32 $0x0;
	s4 =	simm.s32 $0x40;
	v9 =	vld [tilespmem:s3+$0x40]  }
.LBB2_4:
0x9b: {  	p0 =	sne.s32 s4, $0x17C0;
	v10 =	vld [tilespmem:s12+$0x1DC40];
	_ =	sdelay $0x4  }
0x9c: {  	v9 =	vadd.f32 v10, v9;
	_ =	sdelay $0x1  }
0x9d: {  	v10 =	vmul.f32 $2.000000030e-01, v9;
	_ =	sdelay $0x1  }
0x9e: {  	v9 =	vmax.f32 v9, v10  }
0x9f: {  	v9 =	vsub.f32 v9, v8;
	_ =	sdelay $0x1  }
0xa0: {  	v9 =	vmul.f32 $1.442695020e+00, v9;
	_ =	sdelay $0x1  }
0xa1: {  	(erf) = vpow2.f32 v9;
	_ =	sdelay $0x4  }
0xa2: {  	v9 =	vld [tilespmem:s3+$0xFFFFFFF0]  }
0xa3: {  	v10 =	vld [tilespmem:s3+$0xFFFFFFD0]  }
0xa4: {  	v11 =	vld [tilespmem:s3+$0xFFFFFFC0]  }
0xa5: {  	v12 =	vld [tilespmem:s3+$0xFFFFFFE0]  }
0xa6: {  	v13 =	vld [tilespmem:s3+$0x30];
	v14 =	vpop (erf)  }
0xa7: {  	v15 =	vld [tilespmem:s3+$0x10];
	[tilespmem:s3+$0x40] =	vst v14;
	v16 =	vperm.xlane v14, v0;
	v17 =	vperm.xlane v14, v1  }
0xa8: {  	v19 =	vperm.xlane v14, v2;
	v20 =	vperm.xlane v14, v3;
	v18 =	vld [tilespmem:s3+$0x0]  }
0xa9: {  	v21 =	vld [tilespmem:s3+$0x20];
	v11 =	vmul.f32 v16, v11;
	v10 =	vmul.f32 v17, v10  }
0xaa: {  	v9 =	vmul.f32 v20, v9;
	v12 =	vmul.f32 v19, v12  }
0xab: {  	v16 =	vperm.xlane v14, v4;
	v17 =	vperm.xlane v14, v5;
	[tilespmem:s3+$0xFFFFFFC0] =	vst v11  }
0xac: {  	v11 =	vperm.xlane v14, v6;
	v14 =	vperm.xlane v14, v7;
	[tilespmem:s3+$0xFFFFFFD0] =	vst v10  }
0xad: {  	v15 =	vmul.f32 v17, v15;
	v10 =	vmul.f32 v16, v18;
	[tilespmem:s3+$0xFFFFFFE0] =	vst v12  }
.Ltmp1:
0xae: {  	v12 =	vmul.f32 v14, v13;
	v11 =	vmul.f32 v11, v21;
	[tilespmem:s3+$0xFFFFFFF0] =	vst v9;
	(pc) =	sbr.rel @p0 .LBB2_4-.Ltmp1, $4  }
0xaf: {  	[tilespmem:s3+$0x0] =	vst v10  }
0xb0: {  	[tilespmem:s3+$0x10] =	vst v15  }
0xb1: {  	s3 =	sadd.s32 $0x90, s3;
	[tilespmem:s11+$0x20] =	vst v11  }
0xb2: {  	s12 =	sshra.s32 s4, $0x2;
	s4 =	sadd.s32 $0x40, s4;
	v9 =	vld [tilespmem:s3+$0x40];
	[tilespmem:s11+$0x30] =	vst v12;
	s11 =	smov.u32 s3  }
0xb3: {  	v10 =	vld [tilespmem:s12+$0x1DC40];
	_ =	sdelay $0x4  }
0xb4: {  	v9 =	vadd.f32 v10, v9;
	_ =	sdelay $0x1  }
0xb5: {  	v10 =	vmul.f32 $2.000000030e-01, v9;
	_ =	sdelay $0x1  }
0xb6: {  	v9 =	vmax.f32 v9, v10  }
0xb7: {  	v9 =	vsub.f32 v9, v8;
	_ =	sdelay $0x1  }
0xb8: {  	v9 =	vmul.f32 $1.442695020e+00, v9;
	_ =	sdelay $0x1  }
0xb9: {  	(erf) = vpow2.f32 v9;
	_ =	sdelay $0x6  }
0xba: {  	v11 =	vld [tilespmem:s3+$0xFFFFFFC0]  }
0xbb: {  	v10 =	vld [tilespmem:s3+$0xFFFFFFD0]  }
0xbc: {  	v12 =	vld [tilespmem:s3+$0xFFFFFFE0];
	v14 =	vpop (erf)  }
0xbd: {  	v9 =	vld [tilespmem:s3+$0xFFFFFFF0];
	v16 =	vperm.xlane v14, v0  }
0xbe: {  	v18 =	vld [tilespmem:s3+$0x0];
	v17 =	vperm.xlane v14, v1  }
0xbf: {  	v15 =	vld [tilespmem:s3+$0x10];
	v19 =	vperm.xlane v14, v2;
	v11 =	vmul.f32 v16, v11  }
0xc0: {  	v20 =	vld [tilespmem:s3+$0x20];
	[tilespmem:s3+$0x40] =	vst v14;
	v60 =	vperm.xlane v14, v3;
	v10 =	vmul.f32 v17, v10  }
0xc1: {  	v13 =	vld [tilespmem:s3+$0x30];
	v61 =	vperm.xlane v14, v4;
	v12 =	vmul.f32 v19, v12;
	[tilespmem:s3+$0xFFFFFFC0] =	vst v11  }
0xc2: {  	v9 =	vmul.f32 v60, v9;
	v11 =	vperm.xlane v14, v5;
	[tilespmem:s3+$0xFFFFFFD0] =	vst v10  }
0xc3: {  	v62 =	vmul.f32 v61, v18;
	v10 =	vperm.xlane v14, v6;
	[tilespmem:s3+$0xFFFFFFE0] =	vst v12  }
0xc4: {  	v63 =	vperm.xlane v14, v7;
	[tilespmem:s3+$0xFFFFFFF0] =	vst v9;
	v11 =	vmul.f32 v11, v15  }
0xc5: {  	[tilespmem:s3+$0x0] =	vst v62;
	v9 =	vmul.f32 v10, v20  }
0xc6: {  	v10 =	vmul.f32 v63, v13;
	[tilespmem:s3+$0x10] =	vst v11  }
0xc7: {  	[tilespmem:s11+$0x20] =	vst v9  }
0xc8: {  	s3 =	simm.s32 $0x0;
	[tilespmem:s11+$0x30] =	vst v10;
	s11 =	simm.s32 $0x0  }
0xc9: {  	[spmem:s2] =	stream.indirect.scatter.add.f32 [tilespmem:s15], [sflag:$0xA], $0x90, s21, s31, $0xb8;
	[tilespmem:$0x1EC70] =	vst v63  }
.LBB2_6:
0xca: {  	_ =	swait.ge [sflag:s22], $0x3600  }
0xcb: {  	[sflag:s22] =	ssyncset.done $0x0  }
0xcc: {  	[sflag:s22] =	ssyncadd.s32 $0xFFFFCA00  }
0xcd: {  	_ =	swait.ge [sflag:s29], $0x60  }
0xce: {  	[sflag:s29] =	ssyncset.done $0x0  }
0xcf: {  	[sflag:s29] =	ssyncadd.s32 $0xFFFFFFA0  }
0xd0: {  	s4 =	smul.u32 $0xC0, s11;
	_ =	swait.ge [sflag:s30], $0x60  }
0xd1: {  	[sflag:s30] =	ssyncset.done $0x0  }
0xd2: {  	s4 =	sadd.s32 s4, s18;
	[sflag:s30] =	ssyncadd.s32 $0xFFFFFFA0  }
0xd3: {  	[tilespmem:s0], [sflag:$0x3] =	stream.indirect.gather [hbm4b:s5+s31], $0x90, s26, s31, $0xb8;
	[tilespmem:$0x1EC70] =	vst v63  }
0xd4: {  	s12 =	simm.s32 $0x19F20;
	s4 =	sshrl.u32 s4, $0x3  }
0xd5: {  	[tilespmem:s12], [sflag:$0x4] =	stream.indirect.gather [hbm4b:s6+s31], $0x10, s28, s31, $0xb8;
	[tilespmem:$0x1EC70] =	vst v63  }
0xd6: {  	s24 =	sadd.s32 s8, s4  }
0xd7: {  	[tilespmem:s25], [sflag:$0x6] =	stream.linear.gather [hbm4b:s24+s3], $0x60, $0x38;
	[tilespmem:$0x1EC70] =	vst v63  }
0xd8: {  	s4 =	sadd.s32 s1, s4  }
0xd9: {  	[tilespmem:s7], [sflag:$0x7] =	stream.linear.gather [hbm4b:s4+s3], $0x60, $0x38;
	[tilespmem:$0x1EC70] =	vst v63  }
0xda: {  	_ =	swait.ge [sflag:s9], $0x3600  }
0xdb: {  	[sflag:s9] =	ssyncset.done $0x0  }
0xdc: {  	[sflag:s9] =	ssyncadd.s32 $0xFFFFCA00  }
0xdd: {  	_ =	swait.ge [sflag:s10], $0x600  }
0xde: {  	[sflag:s10] =	ssyncset.done $0x0  }
0xdf: {  	[sflag:s10] =	ssyncadd.s32 $0xFFFFFA00  }
0xe0: {  	v9 =	vld [tilespmem:$0x16860]  }
0xe1: {  	v10 =	vld [tilespmem:$0x16870]  }
0xe2: {  	v11 =	vld [tilespmem:$0x16880]  }
0xe3: {  	v12 =	vld [tilespmem:$0x16890]  }
0xe4: {  	v13 =	vld [tilespmem:$0x168A0]  }
0xe5: {  	[tilespmem:$0x168C0] =	vst v9;
	v9 =	vld [tilespmem:$0x168B0]  }
0xe6: {  	[tilespmem:$0x168D0] =	vst v10  }
0xe7: {  	[tilespmem:$0x168E0] =	vst v11  }
0xe8: {  	[tilespmem:$0x168F0] =	vst v12  }
0xe9: {  	[tilespmem:$0x16900] =	vst v13  }
0xea: {  	s24 =	simm.s32 $0x16960;
	[tilespmem:$0x16910] =	vst v9  }
0xeb: {  	s16 =	simm.s32 $0x0;
	s12 =	simm.s32 $0x40;
	s4 =	simm.s32 $0x16960;
	v9 =	vld [tilespmem:s24+$0x40]  }
.LBB2_7:
0xec: {  	p0 =	sne.s32 s12, $0x17C0;
	v10 =	vld [tilespmem:s16+$0x19F20];
	_ =	sdelay $0x4  }
0xed: {  	v9 =	vadd.f32 v10, v9;
	_ =	sdelay $0x1  }
0xee: {  	v10 =	vmul.f32 $2.000000030e-01, v9;
	_ =	sdelay $0x1  }
0xef: {  	v9 =	vmax.f32 v9, v10  }
0xf0: {  	v9 =	vsub.f32 v9, v8;
	_ =	sdelay $0x1  }
0xf1: {  	v9 =	vmul.f32 $1.442695020e+00, v9;
	_ =	sdelay $0x1  }
0xf2: {  	(erf) = vpow2.f32 v9;
	_ =	sdelay $0x4  }
0xf3: {  	v9 =	vld [tilespmem:s24+$0xFFFFFFF0]  }
0xf4: {  	v10 =	vld [tilespmem:s24+$0xFFFFFFD0]  }
0xf5: {  	v11 =	vld [tilespmem:s24+$0xFFFFFFC0]  }
0xf6: {  	v12 =	vld [tilespmem:s24+$0xFFFFFFE0]  }
0xf7: {  	v13 =	vld [tilespmem:s24+$0x30];
	v14 =	vpop (erf)  }
0xf8: {  	v15 =	vld [tilespmem:s24+$0x10];
	[tilespmem:s24+$0x40] =	vst v14;
	v16 =	vperm.xlane v14, v0;
	v17 =	vperm.xlane v14, v1  }
0xf9: {  	v19 =	vperm.xlane v14, v2;
	v20 =	vperm.xlane v14, v3;
	v18 =	vld [tilespmem:s24+$0x0]  }
0xfa: {  	v21 =	vld [tilespmem:s24+$0x20];
	v11 =	vmul.f32 v16, v11;
	v10 =	vmul.f32 v17, v10  }
0xfb: {  	v9 =	vmul.f32 v20, v9;
	v12 =	vmul.f32 v19, v12  }
0xfc: {  	v16 =	vperm.xlane v14, v4;
	v17 =	vperm.xlane v14, v5;
	[tilespmem:s24+$0xFFFFFFC0] =	vst v11  }
0xfd: {  	v11 =	vperm.xlane v14, v6;
	v14 =	vperm.xlane v14, v7;
	[tilespmem:s24+$0xFFFFFFD0] =	vst v10  }
0xfe: {  	v15 =	vmul.f32 v17, v15;
	v10 =	vmul.f32 v16, v18;
	[tilespmem:s24+$0xFFFFFFE0] =	vst v12  }
.Ltmp2:
0xff: {  	v12 =	vmul.f32 v14, v13;
	v11 =	vmul.f32 v11, v21;
	[tilespmem:s24+$0xFFFFFFF0] =	vst v9;
	(pc) =	sbr.rel @p0 .LBB2_7-.Ltmp2, $4  }
0x100: {  	[tilespmem:s24+$0x0] =	vst v10  }
0x101: {  	[tilespmem:s24+$0x10] =	vst v15  }
0x102: {  	s24 =	sadd.s32 $0x90, s24;
	[tilespmem:s4+$0x20] =	vst v11  }
0x103: {  	s16 =	sshra.s32 s12, $0x2;
	s12 =	sadd.s32 $0x40, s12;
	v9 =	vld [tilespmem:s24+$0x40];
	[tilespmem:s4+$0x30] =	vst v12;
	s4 =	smov.u32 s24  }
0x104: {  	v10 =	vld [tilespmem:s16+$0x19F20];
	_ =	sdelay $0x4  }
0x105: {  	v9 =	vadd.f32 v10, v9;
	_ =	sdelay $0x1  }
0x106: {  	v10 =	vmul.f32 $2.000000030e-01, v9;
	_ =	sdelay $0x1  }
0x107: {  	v9 =	vmax.f32 v9, v10  }
0x108: {  	v9 =	vsub.f32 v9, v8;
	_ =	sdelay $0x1  }
0x109: {  	v9 =	vmul.f32 $1.442695020e+00, v9;
	_ =	sdelay $0x1  }
0x10a: {  	(erf) = vpow2.f32 v9;
	_ =	sdelay $0x6  }
0x10b: {  	v11 =	vld [tilespmem:s24+$0xFFFFFFC0]  }
0x10c: {  	v10 =	vld [tilespmem:s24+$0xFFFFFFD0]  }
0x10d: {  	v12 =	vld [tilespmem:s24+$0xFFFFFFE0];
	v14 =	vpop (erf)  }
0x10e: {  	v9 =	vld [tilespmem:s24+$0xFFFFFFF0];
	v16 =	vperm.xlane v14, v0  }
0x10f: {  	v18 =	vld [tilespmem:s24+$0x0];
	v17 =	vperm.xlane v14, v1  }
0x110: {  	v15 =	vld [tilespmem:s24+$0x10];
	v19 =	vperm.xlane v14, v2;
	v11 =	vmul.f32 v16, v11  }
0x111: {  	v20 =	vld [tilespmem:s24+$0x20];
	[tilespmem:s24+$0x40] =	vst v14;
	v58 =	vperm.xlane v14, v3;
	v10 =	vmul.f32 v17, v10  }
0x112: {  	v13 =	vld [tilespmem:s24+$0x30];
	v59 =	vperm.xlane v14, v4;
	v12 =	vmul.f32 v19, v12;
	[tilespmem:s24+$0xFFFFFFC0] =	vst v11  }
0x113: {  	v9 =	vmul.f32 v58, v9;
	v11 =	vperm.xlane v14, v5;
	[tilespmem:s24+$0xFFFFFFD0] =	vst v10  }
0x114: {  	v60 =	vmul.f32 v59, v18;
	v10 =	vperm.xlane v14, v6;
	[tilespmem:s24+$0xFFFFFFE0] =	vst v12  }
0x115: {  	v61 =	vperm.xlane v14, v7;
	[tilespmem:s24+$0xFFFFFFF0] =	vst v9;
	v11 =	vmul.f32 v11, v15  }
0x116: {  	[tilespmem:s24+$0x0] =	vst v60;
	v9 =	vmul.f32 v10, v20  }
0x117: {  	v10 =	vmul.f32 v61, v13;
	[tilespmem:s24+$0x10] =	vst v11  }
0x118: {  	[tilespmem:s4+$0x20] =	vst v9  }
0x119: {  	s24 =	simm.s32 $0x168C0;
	[tilespmem:s4+$0x30] =	vst v10  }
0x11a: {  	[spmem:s2] =	stream.indirect.scatter.add.f32 [tilespmem:s0], [sflag:$0x5], $0x90, s24, s31, $0xb8;
	[tilespmem:$0x1EC70] =	vst v63  }
0x11b: {  	_ =	swait.ge [sflag:s23], $0x3600  }
0x11c: {  	[sflag:s23] =	ssyncset.done $0x0  }
0x11d: {  	[sflag:s23] =	ssyncadd.s32 $0xFFFFCA00  }
0x11e: {  	_ =	swait.ge [sflag:s13], $0x60  }
0x11f: {  	s12 =	sshll.u32 s11, $0x1;
	[sflag:s13] =	ssyncset.done $0x0  }
0x120: {  	s4 =	smin.u32 s12, $0x63;
	[sflag:s13] =	ssyncadd.s32 $0xFFFFFFA0  }
0x121: {  	s4 =	smul.u32 $0x60, s4;
	_ =	swait.ge [sflag:s14], $0x60  }
0x122: {  	[sflag:s14] =	ssyncset.done $0x0  }
0x123: {  	s4 =	sadd.s32 s4, s19;
	[sflag:s14] =	ssyncadd.s32 $0xFFFFFFA0  }
0x124: {  	[tilespmem:s15], [sflag:$0x8] =	stream.indirect.gather [hbm4b:s5+s31], $0x90, s25, s31, $0xb8;
	[tilespmem:$0x1EC70] =	vst v63  }
0x125: {  	s12 =	simm.s32 $0x1DC40;
	s4 =	sshrl.u32 s4, $0x3  }
0x126: {  	[tilespmem:s12], [sflag:$0x9] =	stream.indirect.gather [hbm4b:s6+s31], $0x10, s7, s31, $0xb8;
	[tilespmem:$0x1EC70] =	vst v63  }
0x127: {  	s24 =	simm.s32 $0x0;
	s16 =	sadd.s32 s8, s4  }
0x128: {  	[tilespmem:s26], [sflag:$0x1] =	stream.linear.gather [hbm4b:s16+s24], $0x60, $0x38;
	[tilespmem:$0x1EC70] =	vst v63  }
0x129: {  	s4 =	sadd.s32 s1, s4  }
0x12a: {  	[tilespmem:s28], [sflag:$0x2] =	stream.linear.gather [hbm4b:s4+s24], $0x60, $0x38;
	[tilespmem:$0x1EC70] =	vst v63  }
0x12b: {  	_ =	swait.ge [sflag:s17], $0x3600  }
0x12c: {  	[sflag:s17] =	ssyncset.done $0x0  }
0x12d: {  	[sflag:s17] =	ssyncadd.s32 $0xFFFFCA00  }
0x12e: {  	_ =	swait.ge [sflag:s20], $0x600  }
0x12f: {  	[sflag:s20] =	ssyncset.done $0x0  }
0x130: {  	[sflag:s20] =	ssyncadd.s32 $0xFFFFFA00  }
0x131: {  	v9 =	vld [tilespmem:$0x1A580]  }
0x132: {  	v10 =	vld [tilespmem:$0x1A590]  }
0x133: {  	v11 =	vld [tilespmem:$0x1A5A0]  }
0x134: {  	v62 =	vld [tilespmem:$0x1A5B0]  }
0x135: {  	v63 =	vld [tilespmem:$0x1A5C0]  }
0x136: {  	[tilespmem:$0x1A5E0] =	vst v9;
	v9 =	vld [tilespmem:$0x1A5D0]  }
0x137: {  	[tilespmem:$0x1A5F0] =	vst v10  }
0x138: {  	[tilespmem:$0x1A600] =	vst v11  }
0x139: {  	[tilespmem:$0x1A610] =	vst v62  }
0x13a: {  	[tilespmem:$0x1A620] =	vst v63  }
0x13b: {  	s24 =	simm.s32 $0x1A680;
	[tilespmem:$0x1A630] =	vst v9  }
0x13c: {  	s12 =	simm.s32 $0x40;
	s16 =	simm.s32 $0x0;
	s4 =	simm.s32 $0x1A680;
	v9 =	vld [tilespmem:s24+$0x40]  }
.LBB2_9:
0x13d: {  	p0 =	sne.s32 s12, $0x17C0;
	v10 =	vld [tilespmem:s16+$0x1DC40];
	_ =	sdelay $0x4  }
0x13e: {  	v9 =	vadd.f32 v10, v9;
	_ =	sdelay $0x1  }
0x13f: {  	v10 =	vmul.f32 $2.000000030e-01, v9;
	_ =	sdelay $0x1  }
0x140: {  	v9 =	vmax.f32 v9, v10  }
0x141: {  	v9 =	vsub.f32 v9, v8;
	_ =	sdelay $0x1  }
0x142: {  	v9 =	vmul.f32 $1.442695020e+00, v9;
	_ =	sdelay $0x1  }
0x143: {  	(erf) = vpow2.f32 v9;
	_ =	sdelay $0x4  }
0x144: {  	v9 =	vld [tilespmem:s24+$0xFFFFFFF0]  }
0x145: {  	v10 =	vld [tilespmem:s24+$0xFFFFFFD0]  }
0x146: {  	v11 =	vld [tilespmem:s24+$0xFFFFFFC0]  }
0x147: {  	v12 =	vld [tilespmem:s24+$0xFFFFFFE0]  }
0x148: {  	v13 =	vld [tilespmem:s24+$0x30];
	v14 =	vpop (erf)  }
0x149: {  	v15 =	vld [tilespmem:s24+$0x10];
	[tilespmem:s24+$0x40] =	vst v14;
	v16 =	vperm.xlane v14, v0;
	v17 =	vperm.xlane v14, v1  }
0x14a: {  	v19 =	vperm.xlane v14, v2;
	v20 =	vperm.xlane v14, v3;
	v18 =	vld [tilespmem:s24+$0x0]  }
0x14b: {  	v21 =	vld [tilespmem:s24+$0x20];
	v11 =	vmul.f32 v16, v11;
	v10 =	vmul.f32 v17, v10  }
0x14c: {  	v9 =	vmul.f32 v20, v9;
	v12 =	vmul.f32 v19, v12  }
0x14d: {  	v16 =	vperm.xlane v14, v4;
	v17 =	vperm.xlane v14, v5;
	[tilespmem:s24+$0xFFFFFFC0] =	vst v11  }
0x14e: {  	v11 =	vperm.xlane v14, v6;
	v14 =	vperm.xlane v14, v7;
	[tilespmem:s24+$0xFFFFFFD0] =	vst v10  }
0x14f: {  	v15 =	vmul.f32 v17, v15;
	v10 =	vmul.f32 v16, v18;
	[tilespmem:s24+$0xFFFFFFE0] =	vst v12  }
.Ltmp3:
0x150: {  	v12 =	vmul.f32 v14, v13;
	v11 =	vmul.f32 v11, v21;
	[tilespmem:s24+$0xFFFFFFF0] =	vst v9;
	(pc) =	sbr.rel @p0 .LBB2_9-.Ltmp3, $4  }
0x151: {  	[tilespmem:s24+$0x0] =	vst v10  }
0x152: {  	[tilespmem:s24+$0x10] =	vst v15  }
0x153: {  	s24 =	sadd.s32 $0x90, s24;
	[tilespmem:s4+$0x20] =	vst v11  }
0x154: {  	s16 =	sshra.s32 s12, $0x2;
	s12 =	sadd.s32 $0x40, s12;
	v9 =	vld [tilespmem:s24+$0x40];
	[tilespmem:s4+$0x30] =	vst v12;
	s4 =	smov.u32 s24  }
0x155: {  	v10 =	vld [tilespmem:s16+$0x1DC40];
	_ =	sdelay $0x4  }
0x156: {  	v9 =	vadd.f32 v10, v9;
	_ =	sdelay $0x1  }
0x157: {  	v10 =	vmul.f32 $2.000000030e-01, v9;
	_ =	sdelay $0x1  }
0x158: {  	v9 =	vmax.f32 v9, v10  }
0x159: {  	v9 =	vsub.f32 v9, v8;
	_ =	sdelay $0x1  }
0x15a: {  	v9 =	vmul.f32 $1.442695020e+00, v9;
	_ =	sdelay $0x1  }
0x15b: {  	(erf) = vpow2.f32 v9;
	_ =	sdelay $0x6  }
0x15c: {  	v11 =	vld [tilespmem:s24+$0xFFFFFFC0]  }
0x15d: {  	v10 =	vld [tilespmem:s24+$0xFFFFFFD0]  }
0x15e: {  	v12 =	vld [tilespmem:s24+$0xFFFFFFE0];
	v14 =	vpop (erf)  }
0x15f: {  	v9 =	vld [tilespmem:s24+$0xFFFFFFF0];
	v16 =	vperm.xlane v14, v0  }
0x160: {  	v18 =	vld [tilespmem:s24+$0x0];
	v17 =	vperm.xlane v14, v1  }
0x161: {  	v15 =	vld [tilespmem:s24+$0x10];
	v19 =	vperm.xlane v14, v2;
	v11 =	vmul.f32 v16, v11  }
0x162: {  	v20 =	vld [tilespmem:s24+$0x20];
	[tilespmem:s24+$0x40] =	vst v14;
	v60 =	vperm.xlane v14, v3;
	v10 =	vmul.f32 v17, v10  }
0x163: {  	v13 =	vld [tilespmem:s24+$0x30];
	v61 =	vperm.xlane v14, v4;
	v12 =	vmul.f32 v19, v12;
	[tilespmem:s24+$0xFFFFFFC0] =	vst v11  }
0x164: {  	v9 =	vmul.f32 v60, v9;
	v11 =	vperm.xlane v14, v5;
	[tilespmem:s24+$0xFFFFFFD0] =	vst v10  }
0x165: {  	s11 =	sadd.s32 $0x1, s11;
	v62 =	vmul.f32 v61, v18;
	v10 =	vperm.xlane v14, v6;
	[tilespmem:s24+$0xFFFFFFE0] =	vst v12  }
0x166: {  	p0 =	sne.s32 s11, $0x33;
	v63 =	vperm.xlane v14, v7;
	[tilespmem:s24+$0xFFFFFFF0] =	vst v9;
	v11 =	vmul.f32 v11, v15  }
.Ltmp4:
0x167: {  	[tilespmem:s24+$0x0] =	vst v62;
	v9 =	vmul.f32 v10, v20;
	(pc) =	sbr.rel @p0 .LBB2_6-.Ltmp4, $4  }
0x168: {  	v10 =	vmul.f32 v63, v13;
	[tilespmem:s24+$0x10] =	vst v11  }
0x169: {  	[tilespmem:s4+$0x20] =	vst v9  }
0x16a: {  	[tilespmem:s4+$0x30] =	vst v10  }
0x16b: {  	[spmem:s2] =	stream.indirect.scatter.add.f32 [tilespmem:s15], [sflag:$0xA], $0x90, s21, s31, $0xb8;
	[tilespmem:$0x1EC70] =	vst v63  }
0x16c: {  	_ =	swait.ge [sflag:s22], $0x3600  }
0x16d: {  	[sflag:s22] =	ssyncset.done $0x0  }
0x16e: {  	[sflag:s22] =	ssyncadd.s32 $0xFFFFCA00  }
0x16f: {  	_ =	swait.ge [sflag:s23], $0x3600  }
0x170: {  	[sflag:s23] =	ssyncset.done $0x0  }
0x171: {  	[sflag:s23] =	ssyncadd.s32 $0xFFFFCA00  }
0x172: {  	_ =	swait.ge [sflag:s29], $0x60  }
0x173: {  	[sflag:s29] =	ssyncset.done $0x0  }
0x174: {  	[sflag:s29] =	ssyncadd.s32 $0xFFFFFFA0  }
0x175: {  	_ =	swait.ge [sflag:s30], $0x60  }
0x176: {  	s3 =	simm.s32 $0x0;
	s11 =	simm.s32 $0x1E240;
	[sflag:s30] =	ssyncset.done $0x0  }
0x177: {  	s16 =	simm.s32 $0xB;
	s4 =	rddreg [dreg:$0xe];
	[sflag:s30] =	ssyncadd.s32 $0xFFFFFFA0  }
0x178: {  	[tilespmem:s11], [sflag:$0xB] =	stream.linear.gather [hbm4b:s4+s3], $0x10, $0x38;
	[tilespmem:$0x1EC70] =	vst v63  }
0x179: {  	_ =	swait.ge [sflag:s16], $0x10  }
0x17a: {  	[sflag:s16] =	ssyncset.done $0x0  }
0x17b: {  	s24 =	simm.s32 $0x1E250;
	s12 =	rddreg [dreg:$0xf];
	[sflag:s16] =	ssyncadd.s32 $0xFFFFFFF0  }
0x17c: {  	[tilespmem:s24], [sflag:$0xB] =	stream.linear.gather [hbm4b:s12+s3], $0x10, $0x38;
	[tilespmem:$0x1EC70] =	vst v63  }
0x17d: {  	_ =	swait.ge [sflag:s16], $0x10  }
0x17e: {  	[sflag:s16] =	ssyncset.done $0x0  }
0x17f: {  	s3 =	simm.s32 $0x10;
	s12 =	simm.s32 $0x1E260;
	[sflag:s16] =	ssyncadd.s32 $0xFFFFFFF0  }
0x180: {  	[tilespmem:s12], [sflag:$0xB] =	stream.indirect.gather [hbm4b:s5+s3], $0x90, s11, s3, $0xb8;
	[tilespmem:$0x1EC70] =	vst v63  }
0x181: {  	_ =	swait.ge [sflag:s16], $0x900  }
0x182: {  	[sflag:s16] =	ssyncset.done $0x0  }
0x183: {  	s12 =	simm.s32 $0x1EB60;
	[sflag:s16] =	ssyncadd.s32 $0xFFFFF700  }
0x184: {  	[tilespmem:s12], [sflag:$0xB] =	stream.indirect.gather [hbm4b:s6+s3], $0x10, s24, s3, $0xb8;
	[tilespmem:$0x1EC70] =	vst v63  }
0x185: {  	_ =	swait.ge [sflag:s16], $0x100  }
0x186: {  	[sflag:s16] =	ssyncset.done $0x0  }
0x187: {  	s3 =	simm.s32 $0x1E2A0;
	[sflag:s16] =	ssyncadd.s32 $0xFFFFFF00  }
0x188: {  	s4 =	simm.s32 $0x1E2A0;
	s11 =	simm.s32 $0x40;
	s12 =	simm.s32 $0x0;
	v9 =	vld [tilespmem:s3+$0x40]  }
.LBB2_12:
0x189: {  	p0 =	sne.s32 s11, $0x3C0;
	v10 =	vld [tilespmem:s12+$0x1EB60];
	_ =	sdelay $0x4  }
0x18a: {  	v9 =	vadd.f32 v10, v9;
	_ =	sdelay $0x1  }
0x18b: {  	v10 =	vmul.f32 $2.000000030e-01, v9;
	_ =	sdelay $0x1  }
0x18c: {  	v9 =	vmax.f32 v9, v10  }
0x18d: {  	v9 =	vsub.f32 v9, v8;
	_ =	sdelay $0x1  }
0x18e: {  	v9 =	vmul.f32 $1.442695020e+00, v9;
	_ =	sdelay $0x1  }
0x18f: {  	(erf) = vpow2.f32 v9;
	_ =	sdelay $0x4  }
0x190: {  	v9 =	vld [tilespmem:s3+$0xFFFFFFF0]  }
0x191: {  	v10 =	vld [tilespmem:s3+$0xFFFFFFD0]  }
0x192: {  	v11 =	vld [tilespmem:s3+$0xFFFFFFC0]  }
0x193: {  	v12 =	vld [tilespmem:s3+$0xFFFFFFE0]  }
0x194: {  	v13 =	vld [tilespmem:s3+$0x30];
	v14 =	vpop (erf)  }
0x195: {  	v15 =	vld [tilespmem:s3+$0x10];
	[tilespmem:s3+$0x40] =	vst v14;
	v16 =	vperm.xlane v14, v0;
	v17 =	vperm.xlane v14, v1  }
0x196: {  	v19 =	vperm.xlane v14, v2;
	v20 =	vperm.xlane v14, v3;
	v18 =	vld [tilespmem:s3+$0x0]  }
0x197: {  	v21 =	vld [tilespmem:s3+$0x20];
	v11 =	vmul.f32 v16, v11;
	v10 =	vmul.f32 v17, v10  }
0x198: {  	v9 =	vmul.f32 v20, v9;
	v12 =	vmul.f32 v19, v12  }
0x199: {  	v16 =	vperm.xlane v14, v4;
	v17 =	vperm.xlane v14, v5;
	[tilespmem:s3+$0xFFFFFFC0] =	vst v11  }
0x19a: {  	v11 =	vperm.xlane v14, v6;
	v14 =	vperm.xlane v14, v7;
	[tilespmem:s3+$0xFFFFFFD0] =	vst v10  }
0x19b: {  	v15 =	vmul.f32 v17, v15;
	v10 =	vmul.f32 v16, v18;
	[tilespmem:s3+$0xFFFFFFE0] =	vst v12  }
.Ltmp5:
0x19c: {  	v12 =	vmul.f32 v14, v13;
	v11 =	vmul.f32 v11, v21;
	[tilespmem:s3+$0xFFFFFFF0] =	vst v9;
	(pc) =	sbr.rel @p0 .LBB2_12-.Ltmp5, $4  }
0x19d: {  	[tilespmem:s3+$0x0] =	vst v10  }
0x19e: {  	[tilespmem:s3+$0x10] =	vst v15  }
0x19f: {  	s3 =	sadd.s32 $0x90, s3;
	[tilespmem:s4+$0x20] =	vst v11  }
0x1a0: {  	s12 =	sshra.s32 s11, $0x2;
	s11 =	sadd.s32 $0x40, s11;
	v9 =	vld [tilespmem:s3+$0x40];
	[tilespmem:s4+$0x30] =	vst v12;
	s4 =	smov.u32 s3  }
0x1a1: {  	v10 =	vld [tilespmem:s12+$0x1EB60];
	_ =	sdelay $0x4  }
0x1a2: {  	v9 =	vadd.f32 v10, v9;
	_ =	sdelay $0x1  }
0x1a3: {  	v10 =	vmul.f32 $2.000000030e-01, v9;
	_ =	sdelay $0x1  }
0x1a4: {  	v9 =	vmax.f32 v9, v10  }
0x1a5: {  	v8 =	vsub.f32 v9, v8;
	_ =	sdelay $0x1  }
0x1a6: {  	v8 =	vmul.f32 $1.442695020e+00, v8;
	_ =	sdelay $0x1  }
0x1a7: {  	(erf) = vpow2.f32 v8;
	_ =	sdelay $0x6  }
0x1a8: {  	v56 =	vld [tilespmem:s3+$0xFFFFFFC0]  }
0x1a9: {  	v55 =	vld [tilespmem:s3+$0xFFFFFFD0]  }
0x1aa: {  	v11 =	vld [tilespmem:s3+$0xFFFFFFE0];
	v13 =	vpop (erf)  }
0x1ab: {  	v8 =	vld [tilespmem:s3+$0xFFFFFFF0];
	v15 =	vperm.xlane v13, v0  }
0x1ac: {  	v17 =	vld [tilespmem:s3+$0x0];
	v16 =	vperm.xlane v13, v1  }
0x1ad: {  	v14 =	vld [tilespmem:s3+$0x10];
	v18 =	vperm.xlane v13, v2;
	v10 =	vmul.f32 v15, v56  }
0x1ae: {  	v19 =	vld [tilespmem:s3+$0x20];
	[tilespmem:s3+$0x40] =	vst v13;
	v57 =	vperm.xlane v13, v3;
	v9 =	vmul.f32 v16, v55  }
0x1af: {  	v12 =	vld [tilespmem:s3+$0x30];
	v58 =	vperm.xlane v13, v4;
	v11 =	vmul.f32 v18, v11;
	[tilespmem:s3+$0xFFFFFFC0] =	vst v10  }
0x1b0: {  	v59 =	vperm.xlane v13, v5;
	v8 =	vmul.f32 v57, v8;
	[tilespmem:s3+$0xFFFFFFD0] =	vst v9  }
0x1b1: {  	v60 =	vperm.xlane v13, v6;
	v61 =	vmul.f32 v58, v17;
	[tilespmem:s3+$0xFFFFFFE0] =	vst v11  }
0x1b2: {  	v62 =	vperm.xlane v13, v7;
	v10 =	vmul.f32 v59, v14;
	[tilespmem:s3+$0xFFFFFFF0] =	vst v8  }
0x1b3: {  	v8 =	vmul.f32 v60, v19;
	[tilespmem:s3+$0x0] =	vst v61  }
0x1b4: {  	v63 =	vmul.f32 v62, v12;
	[tilespmem:s3+$0x10] =	vst v10  }
0x1b5: {  	[tilespmem:s4+$0x20] =	vst v8  }
0x1b6: {  	s11 =	simm.s32 $0x1E260;
	[tilespmem:s4+$0x30] =	vst v63;
	s4 =	simm.s32 $0x10  }
0x1b7: {  	[spmem:s2] =	stream.indirect.scatter.add.f32 [tilespmem:s11], [sflag:$0xB], $0x90, s24, s4, $0xb8;
	[tilespmem:$0x1EC70] =	vst v63  }
0x1b8: {  	_ =	swait.ge [sflag:s16], $0x900  }
0x1b9: {  	[sflag:s16] =	ssyncset.done $0x0  }
0x1ba: {  	[sflag:s16] =	ssyncadd.s32 $0xFFFFF700  }
0x1bb: {  	[bflag:$0x0] =	sbarrier.arrive $0xFFFF  }
0x1bc: {  	s11 =	rddreg [dreg:$0x7]  }
0x1bd: {  	s12 =	rddreg [dreg:$0x10]  }
0x1be: {  	s24 =	rddreg [dreg:$0x13]  }
0x1bf: {  	[hbm:s12], [sflag:s11] =	dma.local [spmem:s24], $0x2D00  }
0x1c0: {  	_ =	swait.ge [sflag:s16], $0x2D00  }
0x1c1: {  	s12 =	rddreg [dreg:$0x12]  }
0x1c2: {  	s24 =	rddreg [dreg:$0x11];
	s4 =	sadd.s32 $0x1, s12  }
0x1c3: {  	p0 =	sne.s32 s4, s24  }
.Ltmp6:
0x1c4: {  	_ = 	snop;
	(pc) =	sbr.rel @p0 .LBB2_1-.Ltmp6, $3  }
0x1c5: {  	_ =	sdelay $0x1  }
0x1c6: {  	[sflag:s16] =	ssyncset.done $0x0  }
0x1c7: {  	[sflag:s16] =	ssyncadd.s32 $0xFFFFD300  }
0x1c8: {  	_ =	sfence.sel $0x180000  }
0x1c9: {  	[bflag:$0x0] =	sbarrier.arrive $0xFFFF  }
0x1ca: {  	_ =	strace $0x90000047  }
0x1cb: {  	s0 =	stileid.u32;
	[bflag:$0x2] =	sbarrier.arrive $0xFFFF  }
0x1cc: {  	p0 =	sne.s32 s0, $0x0;
	s0 =	rddreg [dreg:$0x3]  }
0x1cd: {  	s0 =	sadd.s32 @!p0 $0x100000, s0  }
0x1ce: {  	[sflag:s0] =	ssyncadd.tile.s32 @!p0 $0x1;
	_ =	shalt  }
.Lfunc_end2:
_tile_overlayer_lowered:
.L_overlay_start_2:
0x1cf: {  	(tag) =	ssettag $0x2  }
0x1d0: {  	s0 =	rddreg [dreg:$0x0];
	s2 =	stileid.u32  }
0x1d1: {  	s1 =	rddreg [dreg:$0x1];
	p0 =	sne.s32 s2, $0x0  }
0x1d2: {  	s3 =	rddreg [dreg:$0x2];
	[bflag:$0x3] =	sbarrier.arrive $0xFFFF;
	s2 =	simm.s32 @!p0 $0x1C0B  }
0x1d3: {  	[timem:s3], [sflag:s2] =	dma.local @!p0 [hbm:s0], s1  }
0x1d4: {  	s0 =	simm.s32 @!p0 $0xB  }
0x1d5: {  	_ =	swait.ge @!p0 [sflag:s0], s1  }
0x1d6: {  	s1 =	ssub.s32 @!p0 $0x0, s1;
	[sflag:s0] =	ssyncset.done @!p0 $0x0  }
0x1d7: {  	[sflag:s0] =	ssyncadd.s32 @!p0 s1  }
0x1d8: {  	[bflag:$0x3] =	sbarrier.arrive $0xFFFF  }
0x1d9: {  	_ =	shalt  }

</sc_bundles>
